<compile_context>
chip_gen: v7x
topology: tpu7x:2x2x1
jax: 0.10.2.dev20260603
libtpu: 0.0.44.dev20260713+nightly
codegen_flags: <defaults>
</compile_context>

<pallas_src>
import jax
import jax.numpy as jnp
from jax import lax
from jax.experimental import pallas as pl
from jax.experimental.pallas import tpu as pltpu
from jax.experimental.pallas import tpu_sc as plsc

_NC = 2
_NS = 16
_NW = _NC * _NS
_B = 128

_MESH = plsc.VectorSubcoreMesh(
    core_axis_name="c", subcore_axis_name="s", num_cores=_NC, num_subcores=_NS
)


def _sc_deg(nb, npad):
    t_max = (nb + _NW - 1) // _NW
    nbuf = 2
    t_out = (t_max + nbuf - 1) // nbuf

    def body(dst_hbm, z_hbm, out0_hbm, out1_hbm, idxb, ones_v, acc,
             sem0, sem1):
        c = lax.axis_index("c")
        s = lax.axis_index("s")
        wid = s * _NC + c
        sems = [sem0, sem1]
        for k in range(_B // 16):
            ones_v[pl.ds(16 * k, 16)] = jnp.full((16,), 1.0, jnp.float32)

        @pl.when(s == 0)
        def _init():
            pltpu.sync_copy(z_hbm, acc)

        plsc.subcore_barrier()

        for b in range(nbuf):
            jp = wid + _NW * b

            @pl.when(jp < nb)
            def _prime(b=b, jp=jp):
                pltpu.async_copy(dst_hbm.at[jp], idxb.at[b, 0], sems[b])

        def step(ti, carry):
            tt = ti * nbuf
            for b in range(nbuf):
                j = wid + _NW * (tt + b)

                @pl.when(j < nb)
                def _go(b=b):
                    pltpu.make_async_copy(
                        dst_hbm.at[j], idxb.at[b, 0], sems[b]
                    ).wait()
                    pltpu.sync_copy(ones_v, acc.at[idxb.at[b, 0]], add=True)

                jn = j + _NW * nbuf

                @pl.when(jn < nb)
                def _next(b=b, jn=jn):
                    pltpu.async_copy(dst_hbm.at[jn], idxb.at[b, 0], sems[b])

            return carry

        lax.fori_loop(0, t_out, step, 0)
        plsc.subcore_barrier()

        @pl.when((s == 0) & (c == 0))
        def _w0():
            pltpu.sync_copy(acc, out0_hbm)

        @pl.when((s == 0) & (c == 1))
        def _w1():
            pltpu.sync_copy(acc, out1_hbm)

    return pl.kernel(
        body,
        out_type=[
            jax.ShapeDtypeStruct((npad,), jnp.float32),
            jax.ShapeDtypeStruct((npad,), jnp.float32),
        ],
        mesh=_MESH,
        scratch_types=[
            pltpu.VMEM((nbuf, 1, _B), jnp.int32),
            pltpu.VMEM((_B,), jnp.float32),
            pltpu.VMEM_SHARED((npad,), jnp.float32),
            pltpu.SemaphoreType.DMA,
            pltpu.SemaphoreType.DMA,
        ],
    )


def _sc_agg(nb, npad, d):
    t_max = (nb + _NW - 1) // _NW
    nbuf = 2 if d > 1 else 4
    t_out = (t_max + nbuf - 1) // nbuf
    wide = d > 1
    acc_shape = (npad, d) if wide else (npad,)
    rows_shape = (nbuf, _B, d) if wide else (nbuf, _B)

    def body(ep_hbm, g_hbm, z_hbm, out0_hbm, out1_hbm,
             idx2, rows, acc, *sems):
        c = lax.axis_index("c")
        s = lax.axis_index("s")
        wid = s * _NC + c

        @pl.when(s == 0)
        def _init():
            pltpu.sync_copy(z_hbm, acc)

        plsc.subcore_barrier()

        for b in range(nbuf):
            jp = wid + _NW * b

            @pl.when(jp < nb)
            def _prime(b=b, jp=jp):
                pltpu.sync_copy(ep_hbm.at[jp], idx2.at[b])
                pltpu.async_copy(g_hbm.at[idx2.at[b, 0]], rows.at[b], sems[b])

        def step(ti, carry):
            tt = ti * nbuf
            for b in range(nbuf):
                j = wid + _NW * (tt + b)

                @pl.when(j < nb)
                def _drain(b=b):
                    pltpu.make_async_copy(
                        g_hbm.at[idx2.at[b, 0]], rows.at[b], sems[b]
                    ).wait()
                    pltpu.sync_copy(rows.at[b], acc.at[idx2.at[b, 1]], add=True)

                jn = j + _NW * nbuf

                @pl.when(jn < nb)
                def _next(b=b, jn=jn):
                    pltpu.sync_copy(ep_hbm.at[jn], idx2.at[b])
                    pltpu.async_copy(g_hbm.at[idx2.at[b, 0]], rows.at[b], sems[b])

            return carry

        lax.fori_loop(0, t_out, step, 0)
        plsc.subcore_barrier()

        @pl.when((s == 0) & (c == 0))
        def _w0():
            pltpu.sync_copy(acc, out0_hbm)

        @pl.when((s == 0) & (c == 1))
        def _w1():
            pltpu.sync_copy(acc, out1_hbm)

    out_shape = (npad, d) if wide else (npad,)
    return pl.kernel(
        body,
        out_type=[
            jax.ShapeDtypeStruct(out_shape, jnp.float32),
            jax.ShapeDtypeStruct(out_shape, jnp.float32),
        ],
        mesh=_MESH,
        scratch_types=[
            pltpu.VMEM((nbuf, 2, _B), jnp.int32),
            pltpu.VMEM(rows_shape, jnp.float32),
            pltpu.VMEM_SHARED(acc_shape, jnp.float32),
        ] + [pltpu.SemaphoreType.DMA] * nbuf,
    )


def _tc_mm_body(x_ref, w1_ref, h_ref):
    h_ref[...] = jnp.dot(
        x_ref[...], w1_ref[...], preferred_element_type=jnp.float32
    )


def _tc_scale_body(h_ref, d0_ref, d1_ref, g1_ref, dinv_ref):
    deg = d0_ref[...] + d1_ref[...] + 1.0
    dinv = lax.rsqrt(deg)
    dinv_ref[...] = dinv
    g1_ref[...] = dinv * h_ref[...]


def _tc2_body(a0_ref, a1_ref, g1_ref, dinv_ref, b1_ref, w2_ref, g2_ref):
    dinv = dinv_ref[...]
    out1 = dinv * (a0_ref[...] + a1_ref[...] + g1_ref[...]) + b1_ref[...]
    out1 = jnp.maximum(out1, 0.0)
    h2 = jnp.sum(out1 * w2_ref[...], axis=1, keepdims=True)
    g2_ref[...] = dinv * h2


def _tc3_body(a0_ref, a1_ref, g2_ref, dinv_ref, b2_ref, out_ref):
    out_ref[...] = (
        dinv_ref[...] * (a0_ref[...] + a1_ref[...] + g2_ref[...]) + b2_ref[...]
    )


def kernel(x, edge_index, W1, b1, W2, b2):
    n, d_in = x.shape
    d_h = W1.shape[1]
    dp = 128
    e = edge_index.shape[1]
    nb = e // _B
    npad = -(-n // 128) * 128
    rb = 1000
    grid = (n // rb,)

    src2d = edge_index[0].reshape(nb, _B)
    dst2d = edge_index[1].reshape(nb, _B)
    ep = jnp.stack([src2d, dst2d], axis=1)
    z1 = jnp.zeros((npad,), jnp.float32)
    zp = jnp.zeros((npad, dp), jnp.float32)
    W1p = jnp.zeros((d_in, dp), W1.dtype).at[:, :d_h].set(W1)

    degp = _sc_deg(nb, npad)(dst2d, z1)
    h = pl.pallas_call(
        _tc_mm_body,
        grid=grid,
        in_specs=[
            pl.BlockSpec((rb, d_in), lambda i: (i, 0)),
            pl.BlockSpec((d_in, dp), lambda i: (0, 0)),
        ],
        out_specs=pl.BlockSpec((rb, dp), lambda i: (i, 0)),
        out_shape=jax.ShapeDtypeStruct((n, dp), jnp.float32),
    )(x, W1p)
    d0 = degp[0][:n, None]
    d1 = degp[1][:n, None]

    g1, dinv = pl.pallas_call(
        _tc_scale_body,
        grid=grid,
        in_specs=[
            pl.BlockSpec((rb, dp), lambda i: (i, 0)),
            pl.BlockSpec((rb, 1), lambda i: (i, 0)),
            pl.BlockSpec((rb, 1), lambda i: (i, 0)),
        ],
        out_specs=[
            pl.BlockSpec((rb, dp), lambda i: (i, 0)),
            pl.BlockSpec((rb, 1), lambda i: (i, 0)),
        ],
        out_shape=[
            jax.ShapeDtypeStruct((n, dp), jnp.float32),
            jax.ShapeDtypeStruct((n, 1), jnp.float32),
        ],
    )(h, d0, d1)

    a0, a1 = _sc_agg(nb, npad, dp)(ep, g1, zp)

    b1p = jnp.zeros((1, dp), jnp.float32).at[0, :d_h].set(b1)
    W2p = jnp.zeros((1, dp), jnp.float32).at[0, :d_h].set(W2[:, 0])
    g2 = pl.pallas_call(
        _tc2_body,
        grid=grid,
        in_specs=[
            pl.BlockSpec((rb, dp), lambda i: (i, 0)),
            pl.BlockSpec((rb, dp), lambda i: (i, 0)),
            pl.BlockSpec((rb, dp), lambda i: (i, 0)),
            pl.BlockSpec((rb, 1), lambda i: (i, 0)),
            pl.BlockSpec((1, dp), lambda i: (0, 0)),
            pl.BlockSpec((1, dp), lambda i: (0, 0)),
        ],
        out_specs=pl.BlockSpec((rb, 1), lambda i: (i, 0)),
        out_shape=jax.ShapeDtypeStruct((n, 1), jnp.float32),
    )(a0, a1, g1, dinv, b1p, W2p)

    s0, s1 = _sc_agg(nb, npad, 1)(ep, g2.reshape(n), z1)

    out = pl.pallas_call(
        _tc3_body,
        grid=grid,
        in_specs=[
            pl.BlockSpec((rb, 1), lambda i: (i, 0)),
            pl.BlockSpec((rb, 1), lambda i: (i, 0)),
            pl.BlockSpec((rb, 1), lambda i: (i, 0)),
            pl.BlockSpec((rb, 1), lambda i: (i, 0)),
            pl.BlockSpec((1, 1), lambda i: (0, 0)),
        ],
        out_specs=pl.BlockSpec((rb, 1), lambda i: (i, 0)),
        out_shape=jax.ShapeDtypeStruct((n, 1), jnp.float32),
    )(s0[:n, None], s1[:n, None], g2, dinv, b2.reshape(1, 1))

    return out

# --- scband reference (transcript-rebuilt; emitter-appended) ---
"""Pipeline reference for scband-gnn-18700287607263 (READ-ONLY COPY).

The authoritative reference and input builder live on the scoring server;
editing this copy changes nothing except your own understanding.
"""

import jax, jax.numpy as jnp
import numpy as np

N = 10000
E = 320000
D_IN = 128
D_H = 32
D_OUT = 1


def gcn_layer(x, src, dst, W, b, num_nodes):
    # PyG GCNConv: linear transform, add self-loops (done by caller), symmetric norm, scatter-add aggregate
    x = x @ W
    deg = jnp.zeros((num_nodes,), dtype=x.dtype).at[dst].add(1.0)
    dinv = jnp.where(deg > 0, deg ** -0.5, 0.0)
    norm = dinv[src] * dinv[dst]
    msg = x[src] * norm[:, None]
    out = jnp.zeros((num_nodes, x.shape[1]), dtype=x.dtype).at[dst].add(msg)
    return out + b


def setup_inputs(seed: int = 0):
    key = jax.random.key(seed)
    k1, k2, k3, k4, k5, k6 = jax.random.split(key, 6)
    x = jax.random.normal(k1, (N, D_IN), dtype=jnp.float32)
    edge_index = jax.random.randint(k2, (2, E), 0, N, dtype=jnp.int32)
    W1 = jax.random.normal(k3, (D_IN, D_H), dtype=jnp.float32) * (1.0 / np.sqrt(D_IN))
    b1 = jnp.zeros((D_H,), dtype=jnp.float32)
    W2 = jax.random.normal(k4, (D_H, D_OUT), dtype=jnp.float32) * (1.0 / np.sqrt(D_H))
    b2 = jnp.zeros((D_OUT,), dtype=jnp.float32)
    return {"x": x, "edge_index": edge_index, "W1": W1, "b1": b1, "W2": W2, "b2": b2}


def reference(x, edge_index, W1, b1, W2, b2):
    num_nodes = x.shape[0]
    loop = jnp.arange(num_nodes, dtype=edge_index.dtype)
    src = jnp.concatenate([edge_index[0], loop])
    dst = jnp.concatenate([edge_index[1], loop])
    h = gcn_layer(x, src, dst, W1, b1, num_nodes)
    h = jax.nn.relu(h)
    out = gcn_layer(h, src, dst, W2, b2, num_nodes)
    return out

if __name__ == "__main__":
    import jax
    _d = setup_inputs()
    print(jax.jit(kernel)(*tuple(_d.values())))

</pallas_src>

<mosaic_0001>
#map = affine_map<(d0, d1) -> (0, 0, 0)>
#map1 = affine_map<(d0, d1) -> (0)>
module attributes {stable_mosaic.version = 14 : i64} {
  func.func @body(%arg0: i32, %arg1: i32, %arg2: memref<2500x2x128xi32, #tpu.memory_space<hbm>>, %arg3: memref<10000xf32, #tpu.memory_space<hbm>>, %arg4: memref<10112xf32, #tpu.memory_space<hbm>>, %arg5: memref<10112xf32, #tpu.memory_space<hbm>>, %arg6: memref<10112xf32, #tpu.memory_space<hbm>>, %arg7: memref<4x2x128xi32, #tpu.memory_space<vmem>>, %arg8: memref<4x128xf32, #tpu.memory_space<vmem>>, %arg9: memref<10112xf32, #tpu.memory_space<vmem_shared>>, %arg10: memref<!tpu.dma_semaphore, #tpu.memory_space<semaphore_mem>>, %arg11: memref<!tpu.dma_semaphore, #tpu.memory_space<semaphore_mem>>, %arg12: memref<!tpu.dma_semaphore, #tpu.memory_space<semaphore_mem>>, %arg13: memref<!tpu.dma_semaphore, #tpu.memory_space<semaphore_mem>>) attributes {dimension_semantics = [#tpu.dimension_semantics<core_parallel>, #tpu.dimension_semantics<subcore_parallel>], iteration_bounds = array<i64: 2, 16>, scalar_prefetch = 0 : i64, scratch_operands = 7 : i64, tpu.core_type = #tpu.core_type<sc_vector_subcore>, window_params = [{transform_indices = #map}, {transform_indices = #map1}, {transform_indices = #map1}, {transform_indices = #map1}, {transform_indices = #map1}]} {
    %mul3A = arith.constant 2 : i32
    %mul3A_0 = arith.muli %arg1, %mul3A : i32
    %add3A = arith.addi %mul3A_0, %arg0 : i32
    %eq3A = arith.constant 0 : i32
    %eq3A_1 = arith.cmpi eq, %arg1, %eq3A : i32
    %convert_element_type3A = arith.extui %eq3A_1 : i1 to i32
    %cond3A = arith.constant 0 : i32
    %cond3A_2 = arith.cmpi ne, %convert_element_type3A, %cond3A : i32
    scf.if %cond3A_2 {
      "tpu.region"() ({
        %run_scoped3A = tpu.sem_alloc : memref<!tpu.dma_semaphore, #tpu.memory_space<semaphore_mem>>
        tpu.enqueue_dma source(%arg4 : memref<10112xf32, #tpu.memory_space<hbm>>) target(%arg9 : memref<10112xf32, #tpu.memory_space<vmem_shared>>) target_semaphore(%run_scoped3A : memref<!tpu.dma_semaphore, #tpu.memory_space<semaphore_mem>>)
        tpu.wait_dma2 semaphore(%run_scoped3A : memref<!tpu.dma_semaphore, #tpu.memory_space<semaphore_mem>>) src(%arg4 : memref<10112xf32, #tpu.memory_space<hbm>>) dst(%arg9 : memref<10112xf32, #tpu.memory_space<vmem_shared>>)
        tpu.yield
      }) : () -> ()
    } else {
    }
    %barrier3A = arith.constant 0 : index
    tpu.barrier barrier_id(%barrier3A)
    %add3A_3 = arith.constant 0 : i32
    %add3A_4 = arith.addi %add3A, %add3A_3 : i32
    %lt3A = arith.constant 2500 : i32
    %lt3A_5 = arith.cmpi slt, %add3A_4, %lt3A : i32
    %convert_element_type3A_6 = arith.extui %lt3A_5 : i1 to i32
    %cond3A_7 = arith.constant 0 : i32
    %cond3A_8 = arith.cmpi ne, %convert_element_type3A_6, %cond3A_7 : i32
    scf.if %cond3A_8 {
      %run_scoped3A = arith.constant 0 : i32
      "tpu.region"() ({
        %run_scoped3A_61 = tpu.sem_alloc : memref<!tpu.dma_semaphore, #tpu.memory_space<semaphore_mem>>
        %dma_start3A_62 = arith.constant 0 : i32
        %dma_start3A_63 = arith.constant 0 : i32
        %dma_start3A_64 = tpu.memref_slice %arg7[%run_scoped3A, %dma_start3A_62, %dma_start3A_63] : memref<4x2x128xi32, #tpu.memory_space<vmem>> -> memref<1x2x128xi32, #tpu.memory_space<vmem>>
        %dma_start3A_65 = tpu.memref_squeeze %dma_start3A_64 : memref<1x2x128xi32, #tpu.memory_space<vmem>> -> memref<2x128xi32, #tpu.memory_space<vmem>>
        %dma_start3A_66 = arith.constant 0 : i32
        %dma_start3A_67 = arith.constant 0 : i32
        %dma_start3A_68 = tpu.memref_slice %arg2[%add3A_4, %dma_start3A_66, %dma_start3A_67] : memref<2500x2x128xi32, #tpu.memory_space<hbm>> -> memref<1x2x128xi32, #tpu.memory_space<hbm>>
        %dma_start3A_69 = tpu.memref_squeeze %dma_start3A_68 : memref<1x2x128xi32, #tpu.memory_space<hbm>> -> memref<2x128xi32, #tpu.memory_space<hbm>>
        %dma_start3A_70 = arith.constant 0 : i32
        %dma_start3A_71 = arith.constant 0 : i32
        %dma_start3A_72 = tpu.memref_slice %arg7[%run_scoped3A, %dma_start3A_70, %dma_start3A_71] : memref<4x2x128xi32, #tpu.memory_space<vmem>> -> memref<1x2x128xi32, #tpu.memory_space<vmem>>
        %dma_start3A_73 = tpu.memref_squeeze %dma_start3A_72 : memref<1x2x128xi32, #tpu.memory_space<vmem>> -> memref<2x128xi32, #tpu.memory_space<vmem>>
        %dma_start3A_74 = arith.constant 0 : i32
        %dma_start3A_75 = arith.constant 0 : i32
        %dma_start3A_76 = tpu.memref_slice %arg2[%add3A_4, %dma_start3A_74, %dma_start3A_75] : memref<2500x2x128xi32, #tpu.memory_space<hbm>> -> memref<1x2x128xi32, #tpu.memory_space<hbm>>
        %dma_start3A_77 = tpu.memref_squeeze %dma_start3A_76 : memref<1x2x128xi32, #tpu.memory_space<hbm>> -> memref<2x128xi32, #tpu.memory_space<hbm>>
        tpu.enqueue_dma source(%dma_start3A_77 : memref<2x128xi32, #tpu.memory_space<hbm>>) target(%dma_start3A_73 : memref<2x128xi32, #tpu.memory_space<vmem>>) target_semaphore(%run_scoped3A_61 : memref<!tpu.dma_semaphore, #tpu.memory_space<semaphore_mem>>)
        %dma_wait3A = arith.constant 0 : i32
        %dma_wait3A_78 = arith.constant 0 : i32
        %dma_wait3A_79 = tpu.memref_slice %arg7[%run_scoped3A, %dma_wait3A, %dma_wait3A_78] : memref<4x2x128xi32, #tpu.memory_space<vmem>> -> memref<1x2x128xi32, #tpu.memory_space<vmem>>
        %dma_wait3A_80 = tpu.memref_squeeze %dma_wait3A_79 : memref<1x2x128xi32, #tpu.memory_space<vmem>> -> memref<2x128xi32, #tpu.memory_space<vmem>>
        %dma_wait3A_81 = arith.constant 0 : i32
        %dma_wait3A_82 = arith.constant 0 : i32
        %dma_wait3A_83 = tpu.memref_slice %arg2[%add3A_4, %dma_wait3A_81, %dma_wait3A_82] : memref<2500x2x128xi32, #tpu.memory_space<hbm>> -> memref<1x2x128xi32, #tpu.memory_space<hbm>>
        %dma_wait3A_84 = tpu.memref_squeeze %dma_wait3A_83 : memref<1x2x128xi32, #tpu.memory_space<hbm>> -> memref<2x128xi32, #tpu.memory_space<hbm>>
        %dma_wait3A_85 = arith.constant 0 : i32
        %dma_wait3A_86 = arith.constant 0 : i32
        %dma_wait3A_87 = tpu.memref_slice %arg7[%run_scoped3A, %dma_wait3A_85, %dma_wait3A_86] : memref<4x2x128xi32, #tpu.memory_space<vmem>> -> memref<1x2x128xi32, #tpu.memory_space<vmem>>
        %dma_wait3A_88 = tpu.memref_squeeze %dma_wait3A_87 : memref<1x2x128xi32, #tpu.memory_space<vmem>> -> memref<2x128xi32, #tpu.memory_space<vmem>>
        %dma_wait3A_89 = arith.constant 0 : i32
        %dma_wait3A_90 = arith.constant 0 : i32
        %dma_wait3A_91 = tpu.memref_slice %arg2[%add3A_4, %dma_wait3A_89, %dma_wait3A_90] : memref<2500x2x128xi32, #tpu.memory_space<hbm>> -> memref<1x2x128xi32, #tpu.memory_space<hbm>>
        %dma_wait3A_92 = tpu.memref_squeeze %dma_wait3A_91 : memref<1x2x128xi32, #tpu.memory_space<hbm>> -> memref<2x128xi32, #tpu.memory_space<hbm>>
        tpu.wait_dma2 semaphore(%run_scoped3A_61 : memref<!tpu.dma_semaphore, #tpu.memory_space<semaphore_mem>>) src(%dma_wait3A_92 : memref<2x128xi32, #tpu.memory_space<hbm>>) dst(%dma_wait3A_88 : memref<2x128xi32, #tpu.memory_space<vmem>>)
        tpu.yield
      }) : () -> ()
      %dma_start3A = arith.constant 0 : i32
      %dma_start3A_51 = arith.constant 0 : i32
      %dma_start3A_52 = arith.constant 0 : i32
      %dma_start3A_53 = arith.constant 0 : i32
      %dma_start3A_54 = tpu.memref_slice %arg8[%dma_start3A_52, %dma_start3A_53] : memref<4x128xf32, #tpu.memory_space<vmem>> -> memref<1x128xf32, #tpu.memory_space<vmem>>
      %dma_start3A_55 = tpu.memref_squeeze %dma_start3A_54 : memref<1x128xf32, #tpu.memory_space<vmem>> -> memref<128xf32, #tpu.memory_space<vmem>>
      %dma_start3A_56 = arith.constant 0 : i32
      %dma_start3A_57 = tpu.memref_slice %arg7[%dma_start3A, %dma_start3A_51, %dma_start3A_56] : memref<4x2x128xi32, #tpu.memory_space<vmem>> -> memref<1x1x128xi32, #tpu.memory_space<vmem>>
      %dma_start3A_58 = tpu.memref_squeeze %dma_start3A_57 : memref<1x1x128xi32, #tpu.memory_space<vmem>> -> memref<128xi32, #tpu.memory_space<vmem>>
      %dma_start3A_59 = arith.constant 0 : i32
      %dma_start3A_60 = tpu.memref_slice %arg3[%dma_start3A_59] : memref<10000xf32, #tpu.memory_space<hbm>> -> memref<10000xf32, #tpu.memory_space<hbm>>
      tpu.enqueue_indirect_dma source(%dma_start3A_60 : memref<10000xf32, #tpu.memory_space<hbm>>) target(%dma_start3A_55 : memref<128xf32, #tpu.memory_space<vmem>>) offsets(%dma_start3A_58 : memref<128xi32, #tpu.memory_space<vmem>>) semaphore(%arg10 : memref<!tpu.dma_semaphore, #tpu.memory_space<semaphore_mem>>)
    } else {
    }
    %add3A_9 = arith.constant 32 : i32
    %add3A_10 = arith.addi %add3A, %add3A_9 : i32
    %lt3A_11 = arith.constant 2500 : i32
    %lt3A_12 = arith.cmpi slt, %add3A_10, %lt3A_11 : i32
    %convert_element_type3A_13 = arith.extui %lt3A_12 : i1 to i32
    %cond3A_14 = arith.constant 0 : i32
    %cond3A_15 = arith.cmpi ne, %convert_element_type3A_13, %cond3A_14 : i32
    scf.if %cond3A_15 {
      %run_scoped3A = arith.constant 1 : i32
      "tpu.region"() ({
        %run_scoped3A_61 = tpu.sem_alloc : memref<!tpu.dma_semaphore, #tpu.memory_space<semaphore_mem>>
        %dma_start3A_62 = arith.constant 0 : i32
        %dma_start3A_63 = arith.constant 0 : i32
        %dma_start3A_64 = tpu.memref_slice %arg7[%run_scoped3A, %dma_start3A_62, %dma_start3A_63] : memref<4x2x128xi32, #tpu.memory_space<vmem>> -> memref<1x2x128xi32, #tpu.memory_space<vmem>>
        %dma_start3A_65 = tpu.memref_squeeze %dma_start3A_64 : memref<1x2x128xi32, #tpu.memory_space<vmem>> -> memref<2x128xi32, #tpu.memory_space<vmem>>
        %dma_start3A_66 = arith.constant 0 : i32
        %dma_start3A_67 = arith.constant 0 : i32
        %dma_start3A_68 = tpu.memref_slice %arg2[%add3A_10, %dma_start3A_66, %dma_start3A_67] : memref<2500x2x128xi32, #tpu.memory_space<hbm>> -> memref<1x2x128xi32, #tpu.memory_space<hbm>>
        %dma_start3A_69 = tpu.memref_squeeze %dma_start3A_68 : memref<1x2x128xi32, #tpu.memory_space<hbm>> -> memref<2x128xi32, #tpu.memory_space<hbm>>
        %dma_start3A_70 = arith.constant 0 : i32
        %dma_start3A_71 = arith.constant 0 : i32
        %dma_start3A_72 = tpu.memref_slice %arg7[%run_scoped3A, %dma_start3A_70, %dma_start3A_71] : memref<4x2x128xi32, #tpu.memory_space<vmem>> -> memref<1x2x128xi32, #tpu.memory_space<vmem>>
        %dma_start3A_73 = tpu.memref_squeeze %dma_start3A_72 : memref<1x2x128xi32, #tpu.memory_space<vmem>> -> memref<2x128xi32, #tpu.memory_space<vmem>>
        %dma_start3A_74 = arith.constant 0 : i32
        %dma_start3A_75 = arith.constant 0 : i32
        %dma_start3A_76 = tpu.memref_slice %arg2[%add3A_10, %dma_start3A_74, %dma_start3A_75] : memref<2500x2x128xi32, #tpu.memory_space<hbm>> -> memref<1x2x128xi32, #tpu.memory_space<hbm>>
        %dma_start3A_77 = tpu.memref_squeeze %dma_start3A_76 : memref<1x2x128xi32, #tpu.memory_space<hbm>> -> memref<2x128xi32, #tpu.memory_space<hbm>>
        tpu.enqueue_dma source(%dma_start3A_77 : memref<2x128xi32, #tpu.memory_space<hbm>>) target(%dma_start3A_73 : memref<2x128xi32, #tpu.memory_space<vmem>>) target_semaphore(%run_scoped3A_61 : memref<!tpu.dma_semaphore, #tpu.memory_space<semaphore_mem>>)
        %dma_wait3A = arith.constant 0 : i32
        %dma_wait3A_78 = arith.constant 0 : i32
        %dma_wait3A_79 = tpu.memref_slice %arg7[%run_scoped3A, %dma_wait3A, %dma_wait3A_78] : memref<4x2x128xi32, #tpu.memory_space<vmem>> -> memref<1x2x128xi32, #tpu.memory_space<vmem>>
        %dma_wait3A_80 = tpu.memref_squeeze %dma_wait3A_79 : memref<1x2x128xi32, #tpu.memory_space<vmem>> -> memref<2x128xi32, #tpu.memory_space<vmem>>
        %dma_wait3A_81 = arith.constant 0 : i32
        %dma_wait3A_82 = arith.constant 0 : i32
        %dma_wait3A_83 = tpu.memref_slice %arg2[%add3A_10, %dma_wait3A_81, %dma_wait3A_82] : memref<2500x2x128xi32, #tpu.memory_space<hbm>> -> memref<1x2x128xi32, #tpu.memory_space<hbm>>
        %dma_wait3A_84 = tpu.memref_squeeze %dma_wait3A_83 : memref<1x2x128xi32, #tpu.memory_space<hbm>> -> memref<2x128xi32, #tpu.memory_space<hbm>>
        %dma_wait3A_85 = arith.constant 0 : i32
        %dma_wait3A_86 = arith.constant 0 : i32
        %dma_wait3A_87 = tpu.memref_slice %arg7[%run_scoped3A, %dma_wait3A_85, %dma_wait3A_86] : memref<4x2x128xi32, #tpu.memory_space<vmem>> -> memref<1x2x128xi32, #tpu.memory_space<vmem>>
        %dma_wait3A_88 = tpu.memref_squeeze %dma_wait3A_87 : memref<1x2x128xi32, #tpu.memory_space<vmem>> -> memref<2x128xi32, #tpu.memory_space<vmem>>
        %dma_wait3A_89 = arith.constant 0 : i32
        %dma_wait3A_90 = arith.constant 0 : i32
        %dma_wait3A_91 = tpu.memref_slice %arg2[%add3A_10, %dma_wait3A_89, %dma_wait3A_90] : memref<2500x2x128xi32, #tpu.memory_space<hbm>> -> memref<1x2x128xi32, #tpu.memory_space<hbm>>
        %dma_wait3A_92 = tpu.memref_squeeze %dma_wait3A_91 : memref<1x2x128xi32, #tpu.memory_space<hbm>> -> memref<2x128xi32, #tpu.memory_space<hbm>>
        tpu.wait_dma2 semaphore(%run_scoped3A_61 : memref<!tpu.dma_semaphore, #tpu.memory_space<semaphore_mem>>) src(%dma_wait3A_92 : memref<2x128xi32, #tpu.memory_space<hbm>>) dst(%dma_wait3A_88 : memref<2x128xi32, #tpu.memory_space<vmem>>)
        tpu.yield
      }) : () -> ()
      %dma_start3A = arith.constant 1 : i32
      %dma_start3A_51 = arith.constant 0 : i32
      %dma_start3A_52 = arith.constant 1 : i32
      %dma_start3A_53 = arith.constant 0 : i32
      %dma_start3A_54 = tpu.memref_slice %arg8[%dma_start3A_52, %dma_start3A_53] : memref<4x128xf32, #tpu.memory_space<vmem>> -> memref<1x128xf32, #tpu.memory_space<vmem>>
      %dma_start3A_55 = tpu.memref_squeeze %dma_start3A_54 : memref<1x128xf32, #tpu.memory_space<vmem>> -> memref<128xf32, #tpu.memory_space<vmem>>
      %dma_start3A_56 = arith.constant 0 : i32
      %dma_start3A_57 = tpu.memref_slice %arg7[%dma_start3A, %dma_start3A_51, %dma_start3A_56] : memref<4x2x128xi32, #tpu.memory_space<vmem>> -> memref<1x1x128xi32, #tpu.memory_space<vmem>>
      %dma_start3A_58 = tpu.memref_squeeze %dma_start3A_57 : memref<1x1x128xi32, #tpu.memory_space<vmem>> -> memref<128xi32, #tpu.memory_space<vmem>>
      %dma_start3A_59 = arith.constant 0 : i32
      %dma_start3A_60 = tpu.memref_slice %arg3[%dma_start3A_59] : memref<10000xf32, #tpu.memory_space<hbm>> -> memref<10000xf32, #tpu.memory_space<hbm>>
      tpu.enqueue_indirect_dma source(%dma_start3A_60 : memref<10000xf32, #tpu.memory_space<hbm>>) target(%dma_start3A_55 : memref<128xf32, #tpu.memory_space<vmem>>) offsets(%dma_start3A_58 : memref<128xi32, #tpu.memory_space<vmem>>) semaphore(%arg11 : memref<!tpu.dma_semaphore, #tpu.memory_space<semaphore_mem>>)
    } else {
    }
    %add3A_16 = arith.constant 64 : i32
    %add3A_17 = arith.addi %add3A, %add3A_16 : i32
    %lt3A_18 = arith.constant 2500 : i32
    %lt3A_19 = arith.cmpi slt, %add3A_17, %lt3A_18 : i32
    %convert_element_type3A_20 = arith.extui %lt3A_19 : i1 to i32
    %cond3A_21 = arith.constant 0 : i32
    %cond3A_22 = arith.cmpi ne, %convert_element_type3A_20, %cond3A_21 : i32
    scf.if %cond3A_22 {
      %run_scoped3A = arith.constant 2 : i32
      "tpu.region"() ({
        %run_scoped3A_61 = tpu.sem_alloc : memref<!tpu.dma_semaphore, #tpu.memory_space<semaphore_mem>>
        %dma_start3A_62 = arith.constant 0 : i32
        %dma_start3A_63 = arith.constant 0 : i32
        %dma_start3A_64 = tpu.memref_slice %arg7[%run_scoped3A, %dma_start3A_62, %dma_start3A_63] : memref<4x2x128xi32, #tpu.memory_space<vmem>> -> memref<1x2x128xi32, #tpu.memory_space<vmem>>
        %dma_start3A_65 = tpu.memref_squeeze %dma_start3A_64 : memref<1x2x128xi32, #tpu.memory_space<vmem>> -> memref<2x128xi32, #tpu.memory_space<vmem>>
        %dma_start3A_66 = arith.constant 0 : i32
        %dma_start3A_67 = arith.constant 0 : i32
        %dma_start3A_68 = tpu.memref_slice %arg2[%add3A_17, %dma_start3A_66, %dma_start3A_67] : memref<2500x2x128xi32, #tpu.memory_space<hbm>> -> memref<1x2x128xi32, #tpu.memory_space<hbm>>
        %dma_start3A_69 = tpu.memref_squeeze %dma_start3A_68 : memref<1x2x128xi32, #tpu.memory_space<hbm>> -> memref<2x128xi32, #tpu.memory_space<hbm>>
        %dma_start3A_70 = arith.constant 0 : i32
        %dma_start3A_71 = arith.constant 0 : i32
        %dma_start3A_72 = tpu.memref_slice %arg7[%run_scoped3A, %dma_start3A_70, %dma_start3A_71] : memref<4x2x128xi32, #tpu.memory_space<vmem>> -> memref<1x2x128xi32, #tpu.memory_space<vmem>>
        %dma_start3A_73 = tpu.memref_squeeze %dma_start3A_72 : memref<1x2x128xi32, #tpu.memory_space<vmem>> -> memref<2x128xi32, #tpu.memory_space<vmem>>
        %dma_start3A_74 = arith.constant 0 : i32
        %dma_start3A_75 = arith.constant 0 : i32
        %dma_start3A_76 = tpu.memref_slice %arg2[%add3A_17, %dma_start3A_74, %dma_start3A_75] : memref<2500x2x128xi32, #tpu.memory_space<hbm>> -> memref<1x2x128xi32, #tpu.memory_space<hbm>>
        %dma_start3A_77 = tpu.memref_squeeze %dma_start3A_76 : memref<1x2x128xi32, #tpu.memory_space<hbm>> -> memref<2x128xi32, #tpu.memory_space<hbm>>
        tpu.enqueue_dma source(%dma_start3A_77 : memref<2x128xi32, #tpu.memory_space<hbm>>) target(%dma_start3A_73 : memref<2x128xi32, #tpu.memory_space<vmem>>) target_semaphore(%run_scoped3A_61 : memref<!tpu.dma_semaphore, #tpu.memory_space<semaphore_mem>>)
        %dma_wait3A = arith.constant 0 : i32
        %dma_wait3A_78 = arith.constant 0 : i32
        %dma_wait3A_79 = tpu.memref_slice %arg7[%run_scoped3A, %dma_wait3A, %dma_wait3A_78] : memref<4x2x128xi32, #tpu.memory_space<vmem>> -> memref<1x2x128xi32, #tpu.memory_space<vmem>>
        %dma_wait3A_80 = tpu.memref_squeeze %dma_wait3A_79 : memref<1x2x128xi32, #tpu.memory_space<vmem>> -> memref<2x128xi32, #tpu.memory_space<vmem>>
        %dma_wait3A_81 = arith.constant 0 : i32
        %dma_wait3A_82 = arith.constant 0 : i32
        %dma_wait3A_83 = tpu.memref_slice %arg2[%add3A_17, %dma_wait3A_81, %dma_wait3A_82] : memref<2500x2x128xi32, #tpu.memory_space<hbm>> -> memref<1x2x128xi32, #tpu.memory_space<hbm>>
        %dma_wait3A_84 = tpu.memref_squeeze %dma_wait3A_83 : memref<1x2x128xi32, #tpu.memory_space<hbm>> -> memref<2x128xi32, #tpu.memory_space<hbm>>
        %dma_wait3A_85 = arith.constant 0 : i32
        %dma_wait3A_86 = arith.constant 0 : i32
        %dma_wait3A_87 = tpu.memref_slice %arg7[%run_scoped3A, %dma_wait3A_85, %dma_wait3A_86] : memref<4x2x128xi32, #tpu.memory_space<vmem>> -> memref<1x2x128xi32, #tpu.memory_space<vmem>>
        %dma_wait3A_88 = tpu.memref_squeeze %dma_wait3A_87 : memref<1x2x128xi32, #tpu.memory_space<vmem>> -> memref<2x128xi32, #tpu.memory_space<vmem>>
        %dma_wait3A_89 = arith.constant 0 : i32
        %dma_wait3A_90 = arith.constant 0 : i32
        %dma_wait3A_91 = tpu.memref_slice %arg2[%add3A_17, %dma_wait3A_89, %dma_wait3A_90] : memref<2500x2x128xi32, #tpu.memory_space<hbm>> -> memref<1x2x128xi32, #tpu.memory_space<hbm>>
        %dma_wait3A_92 = tpu.memref_squeeze %dma_wait3A_91 : memref<1x2x128xi32, #tpu.memory_space<hbm>> -> memref<2x128xi32, #tpu.memory_space<hbm>>
        tpu.wait_dma2 semaphore(%run_scoped3A_61 : memref<!tpu.dma_semaphore, #tpu.memory_space<semaphore_mem>>) src(%dma_wait3A_92 : memref<2x128xi32, #tpu.memory_space<hbm>>) dst(%dma_wait3A_88 : memref<2x128xi32, #tpu.memory_space<vmem>>)
        tpu.yield
      }) : () -> ()
      %dma_start3A = arith.constant 2 : i32
      %dma_start3A_51 = arith.constant 0 : i32
      %dma_start3A_52 = arith.constant 2 : i32
      %dma_start3A_53 = arith.constant 0 : i32
      %dma_start3A_54 = tpu.memref_slice %arg8[%dma_start3A_52, %dma_start3A_53] : memref<4x128xf32, #tpu.memory_space<vmem>> -> memref<1x128xf32, #tpu.memory_space<vmem>>
      %dma_start3A_55 = tpu.memref_squeeze %dma_start3A_54 : memref<1x128xf32, #tpu.memory_space<vmem>> -> memref<128xf32, #tpu.memory_space<vmem>>
      %dma_start3A_56 = arith.constant 0 : i32
      %dma_start3A_57 = tpu.memref_slice %arg7[%dma_start3A, %dma_start3A_51, %dma_start3A_56] : memref<4x2x128xi32, #tpu.memory_space<vmem>> -> memref<1x1x128xi32, #tpu.memory_space<vmem>>
      %dma_start3A_58 = tpu.memref_squeeze %dma_start3A_57 : memref<1x1x128xi32, #tpu.memory_space<vmem>> -> memref<128xi32, #tpu.memory_space<vmem>>
      %dma_start3A_59 = arith.constant 0 : i32
      %dma_start3A_60 = tpu.memref_slice %arg3[%dma_start3A_59] : memref<10000xf32, #tpu.memory_space<hbm>> -> memref<10000xf32, #tpu.memory_space<hbm>>
      tpu.enqueue_indirect_dma source(%dma_start3A_60 : memref<10000xf32, #tpu.memory_space<hbm>>) target(%dma_start3A_55 : memref<128xf32, #tpu.memory_space<vmem>>) offsets(%dma_start3A_58 : memref<128xi32, #tpu.memory_space<vmem>>) semaphore(%arg12 : memref<!tpu.dma_semaphore, #tpu.memory_space<semaphore_mem>>)
    } else {
    }
    %add3A_23 = arith.constant 96 : i32
    %add3A_24 = arith.addi %add3A, %add3A_23 : i32
    %lt3A_25 = arith.constant 2500 : i32
    %lt3A_26 = arith.cmpi slt, %add3A_24, %lt3A_25 : i32
    %convert_element_type3A_27 = arith.extui %lt3A_26 : i1 to i32
    %cond3A_28 = arith.constant 0 : i32
    %cond3A_29 = arith.cmpi ne, %convert_element_type3A_27, %cond3A_28 : i32
    scf.if %cond3A_29 {
      %run_scoped3A = arith.constant 3 : i32
      "tpu.region"() ({
        %run_scoped3A_61 = tpu.sem_alloc : memref<!tpu.dma_semaphore, #tpu.memory_space<semaphore_mem>>
        %dma_start3A_62 = arith.constant 0 : i32
        %dma_start3A_63 = arith.constant 0 : i32
        %dma_start3A_64 = tpu.memref_slice %arg7[%run_scoped3A, %dma_start3A_62, %dma_start3A_63] : memref<4x2x128xi32, #tpu.memory_space<vmem>> -> memref<1x2x128xi32, #tpu.memory_space<vmem>>
        %dma_start3A_65 = tpu.memref_squeeze %dma_start3A_64 : memref<1x2x128xi32, #tpu.memory_space<vmem>> -> memref<2x128xi32, #tpu.memory_space<vmem>>
        %dma_start3A_66 = arith.constant 0 : i32
        %dma_start3A_67 = arith.constant 0 : i32
        %dma_start3A_68 = tpu.memref_slice %arg2[%add3A_24, %dma_start3A_66, %dma_start3A_67] : memref<2500x2x128xi32, #tpu.memory_space<hbm>> -> memref<1x2x128xi32, #tpu.memory_space<hbm>>
        %dma_start3A_69 = tpu.memref_squeeze %dma_start3A_68 : memref<1x2x128xi32, #tpu.memory_space<hbm>> -> memref<2x128xi32, #tpu.memory_space<hbm>>
        %dma_start3A_70 = arith.constant 0 : i32
        %dma_start3A_71 = arith.constant 0 : i32
        %dma_start3A_72 = tpu.memref_slice %arg7[%run_scoped3A, %dma_start3A_70, %dma_start3A_71] : memref<4x2x128xi32, #tpu.memory_space<vmem>> -> memref<1x2x128xi32, #tpu.memory_space<vmem>>
        %dma_start3A_73 = tpu.memref_squeeze %dma_start3A_72 : memref<1x2x128xi32, #tpu.memory_space<vmem>> -> memref<2x128xi32, #tpu.memory_space<vmem>>
        %dma_start3A_74 = arith.constant 0 : i32
        %dma_start3A_75 = arith.constant 0 : i32
        %dma_start3A_76 = tpu.memref_slice %arg2[%add3A_24, %dma_start3A_74, %dma_start3A_75] : memref<2500x2x128xi32, #tpu.memory_space<hbm>> -> memref<1x2x128xi32, #tpu.memory_space<hbm>>
        %dma_start3A_77 = tpu.memref_squeeze %dma_start3A_76 : memref<1x2x128xi32, #tpu.memory_space<hbm>> -> memref<2x128xi32, #tpu.memory_space<hbm>>
        tpu.enqueue_dma source(%dma_start3A_77 : memref<2x128xi32, #tpu.memory_space<hbm>>) target(%dma_start3A_73 : memref<2x128xi32, #tpu.memory_space<vmem>>) target_semaphore(%run_scoped3A_61 : memref<!tpu.dma_semaphore, #tpu.memory_space<semaphore_mem>>)
        %dma_wait3A = arith.constant 0 : i32
        %dma_wait3A_78 = arith.constant 0 : i32
        %dma_wait3A_79 = tpu.memref_slice %arg7[%run_scoped3A, %dma_wait3A, %dma_wait3A_78] : memref<4x2x128xi32, #tpu.memory_space<vmem>> -> memref<1x2x128xi32, #tpu.memory_space<vmem>>
        %dma_wait3A_80 = tpu.memref_squeeze %dma_wait3A_79 : memref<1x2x128xi32, #tpu.memory_space<vmem>> -> memref<2x128xi32, #tpu.memory_space<vmem>>
        %dma_wait3A_81 = arith.constant 0 : i32
        %dma_wait3A_82 = arith.constant 0 : i32
        %dma_wait3A_83 = tpu.memref_slice %arg2[%add3A_24, %dma_wait3A_81, %dma_wait3A_82] : memref<2500x2x128xi32, #tpu.memory_space<hbm>> -> memref<1x2x128xi32, #tpu.memory_space<hbm>>
        %dma_wait3A_84 = tpu.memref_squeeze %dma_wait3A_83 : memref<1x2x128xi32, #tpu.memory_space<hbm>> -> memref<2x128xi32, #tpu.memory_space<hbm>>
        %dma_wait3A_85 = arith.constant 0 : i32
        %dma_wait3A_86 = arith.constant 0 : i32
        %dma_wait3A_87 = tpu.memref_slice %arg7[%run_scoped3A, %dma_wait3A_85, %dma_wait3A_86] : memref<4x2x128xi32, #tpu.memory_space<vmem>> -> memref<1x2x128xi32, #tpu.memory_space<vmem>>
        %dma_wait3A_88 = tpu.memref_squeeze %dma_wait3A_87 : memref<1x2x128xi32, #tpu.memory_space<vmem>> -> memref<2x128xi32, #tpu.memory_space<vmem>>
        %dma_wait3A_89 = arith.constant 0 : i32
        %dma_wait3A_90 = arith.constant 0 : i32
        %dma_wait3A_91 = tpu.memref_slice %arg2[%add3A_24, %dma_wait3A_89, %dma_wait3A_90] : memref<2500x2x128xi32, #tpu.memory_space<hbm>> -> memref<1x2x128xi32, #tpu.memory_space<hbm>>
        %dma_wait3A_92 = tpu.memref_squeeze %dma_wait3A_91 : memref<1x2x128xi32, #tpu.memory_space<hbm>> -> memref<2x128xi32, #tpu.memory_space<hbm>>
        tpu.wait_dma2 semaphore(%run_scoped3A_61 : memref<!tpu.dma_semaphore, #tpu.memory_space<semaphore_mem>>) src(%dma_wait3A_92 : memref<2x128xi32, #tpu.memory_space<hbm>>) dst(%dma_wait3A_88 : memref<2x128xi32, #tpu.memory_space<vmem>>)
        tpu.yield
      }) : () -> ()
      %dma_start3A = arith.constant 3 : i32
      %dma_start3A_51 = arith.constant 0 : i32
      %dma_start3A_52 = arith.constant 3 : i32
      %dma_start3A_53 = arith.constant 0 : i32
      %dma_start3A_54 = tpu.memref_slice %arg8[%dma_start3A_52, %dma_start3A_53] : memref<4x128xf32, #tpu.memory_space<vmem>> -> memref<1x128xf32, #tpu.memory_space<vmem>>
      %dma_start3A_55 = tpu.memref_squeeze %dma_start3A_54 : memref<1x128xf32, #tpu.memory_space<vmem>> -> memref<128xf32, #tpu.memory_space<vmem>>
      %dma_start3A_56 = arith.constant 0 : i32
      %dma_start3A_57 = tpu.memref_slice %arg7[%dma_start3A, %dma_start3A_51, %dma_start3A_56] : memref<4x2x128xi32, #tpu.memory_space<vmem>> -> memref<1x1x128xi32, #tpu.memory_space<vmem>>
      %dma_start3A_58 = tpu.memref_squeeze %dma_start3A_57 : memref<1x1x128xi32, #tpu.memory_space<vmem>> -> memref<128xi32, #tpu.memory_space<vmem>>
      %dma_start3A_59 = arith.constant 0 : i32
      %dma_start3A_60 = tpu.memref_slice %arg3[%dma_start3A_59] : memref<10000xf32, #tpu.memory_space<hbm>> -> memref<10000xf32, #tpu.memory_space<hbm>>
      tpu.enqueue_indirect_dma source(%dma_start3A_60 : memref<10000xf32, #tpu.memory_space<hbm>>) target(%dma_start3A_55 : memref<128xf32, #tpu.memory_space<vmem>>) offsets(%dma_start3A_58 : memref<128xi32, #tpu.memory_space<vmem>>) semaphore(%arg13 : memref<!tpu.dma_semaphore, #tpu.memory_space<semaphore_mem>>)
    } else {
    }
    %scan3A = arith.constant 0 : i32
    %scan3A_30 = arith.constant 0 : i32
    %scan3A_31 = arith.constant 20 : i32
    %scan3A_32 = arith.addi %scan3A_30, %scan3A_31 : i32
    %scan3A_33 = arith.constant 1 : i32
    scf.for %scan3A_51 = %scan3A_30 to %scan3A_32 step %scan3A_33  : i32 {
      %mul3A_52 = arith.constant 4 : i32
      %mul3A_53 = arith.muli %scan3A_51, %mul3A_52 : i32
      %add3A_54 = arith.constant 0 : i32
      %add3A_55 = arith.addi %mul3A_53, %add3A_54 : i32
      %mul3A_56 = arith.constant 32 : i32
      %mul3A_57 = arith.muli %mul3A_56, %add3A_55 : i32
      %add3A_58 = arith.addi %add3A, %mul3A_57 : i32
      %lt3A_59 = arith.constant 2500 : i32
      %lt3A_60 = arith.cmpi slt, %add3A_58, %lt3A_59 : i32
      %convert_element_type3A_61 = arith.extui %lt3A_60 : i1 to i32
      %cond3A_62 = arith.constant 0 : i32
      %cond3A_63 = arith.cmpi ne, %convert_element_type3A_61, %cond3A_62 : i32
      scf.if %cond3A_63 {
        %dma_wait3A = arith.constant 0 : i32
        %dma_wait3A_122 = arith.constant 0 : i32
        %dma_wait3A_123 = arith.constant 0 : i32
        %dma_wait3A_124 = arith.constant 0 : i32
        %dma_wait3A_125 = tpu.memref_slice %arg8[%dma_wait3A_123, %dma_wait3A_124] : memref<4x128xf32, #tpu.memory_space<vmem>> -> memref<1x128xf32, #tpu.memory_space<vmem>>
        %dma_wait3A_126 = tpu.memref_squeeze %dma_wait3A_125 : memref<1x128xf32, #tpu.memory_space<vmem>> -> memref<128xf32, #tpu.memory_space<vmem>>
        %dma_wait3A_127 = arith.constant 0 : i32
        %dma_wait3A_128 = tpu.memref_slice %arg7[%dma_wait3A, %dma_wait3A_122, %dma_wait3A_127] : memref<4x2x128xi32, #tpu.memory_space<vmem>> -> memref<1x1x128xi32, #tpu.memory_space<vmem>>
        %dma_wait3A_129 = tpu.memref_squeeze %dma_wait3A_128 : memref<1x1x128xi32, #tpu.memory_space<vmem>> -> memref<128xi32, #tpu.memory_space<vmem>>
        %dma_wait3A_130 = arith.constant 0 : i32
        %dma_wait3A_131 = tpu.memref_slice %arg3[%dma_wait3A_130] : memref<10000xf32, #tpu.memory_space<hbm>> -> memref<10000xf32, #tpu.memory_space<hbm>>
        tpu.wait_indirect_dma semaphore(%arg10 : memref<!tpu.dma_semaphore, #tpu.memory_space<semaphore_mem>>) src(%dma_wait3A_131 : memref<10000xf32, #tpu.memory_space<hbm>>) dst(%dma_wait3A_126 : memref<128xf32, #tpu.memory_space<vmem>>)
        %run_scoped3A = arith.constant 0 : i32
        %run_scoped3A_132 = arith.constant 0 : i32
        %run_scoped3A_133 = arith.constant 1 : i32
        "tpu.region"() ({
          %run_scoped3A_134 = tpu.sem_alloc : memref<!tpu.dma_semaphore, #tpu.memory_space<semaphore_mem>>
          %dma_start3A = arith.constant 0 : i32
          %dma_start3A_135 = tpu.memref_slice %arg8[%run_scoped3A, %dma_start3A] : memref<4x128xf32, #tpu.memory_space<vmem>> -> memref<1x128xf32, #tpu.memory_space<vmem>>
          %dma_start3A_136 = tpu.memref_squeeze %dma_start3A_135 : memref<1x128xf32, #tpu.memory_space<vmem>> -> memref<128xf32, #tpu.memory_space<vmem>>
          %dma_start3A_137 = arith.constant 0 : i32
          %dma_start3A_138 = tpu.memref_slice %arg7[%run_scoped3A_132, %run_scoped3A_133, %dma_start3A_137] : memref<4x2x128xi32, #tpu.memory_space<vmem>> -> memref<1x1x128xi32, #tpu.memory_space<vmem>>
          %dma_start3A_139 = tpu.memref_squeeze %dma_start3A_138 : memref<1x1x128xi32, #tpu.memory_space<vmem>> -> memref<128xi32, #tpu.memory_space<vmem>>
          %dma_start3A_140 = arith.constant 0 : i32
          %dma_start3A_141 = tpu.memref_slice %arg9[%dma_start3A_140] : memref<10112xf32, #tpu.memory_space<vmem_shared>> -> memref<10112xf32, #tpu.memory_space<vmem_shared>>
          tpu.enqueue_indirect_dma source(%dma_start3A_136 : memref<128xf32, #tpu.memory_space<vmem>>) target(%dma_start3A_141 : memref<10112xf32, #tpu.memory_space<vmem_shared>>) offsets(%dma_start3A_139 : memref<128xi32, #tpu.memory_space<vmem>>) semaphore(%run_scoped3A_134 : memref<!tpu.dma_semaphore, #tpu.memory_space<semaphore_mem>>) {add = true}
          %dma_wait3A_142 = arith.constant 0 : i32
          %dma_wait3A_143 = tpu.memref_slice %arg8[%run_scoped3A, %dma_wait3A_142] : memref<4x128xf32, #tpu.memory_space<vmem>> -> memref<1x128xf32, #tpu.memory_space<vmem>>
          %dma_wait3A_144 = tpu.memref_squeeze %dma_wait3A_143 : memref<1x128xf32, #tpu.memory_space<vmem>> -> memref<128xf32, #tpu.memory_space<vmem>>
          %dma_wait3A_145 = arith.constant 0 : i32
          %dma_wait3A_146 = tpu.memref_slice %arg7[%run_scoped3A_132, %run_scoped3A_133, %dma_wait3A_145] : memref<4x2x128xi32, #tpu.memory_space<vmem>> -> memref<1x1x128xi32, #tpu.memory_space<vmem>>
          %dma_wait3A_147 = tpu.memref_squeeze %dma_wait3A_146 : memref<1x1x128xi32, #tpu.memory_space<vmem>> -> memref<128xi32, #tpu.memory_space<vmem>>
          %dma_wait3A_148 = arith.constant 0 : i32
          %dma_wait3A_149 = tpu.memref_slice %arg9[%dma_wait3A_148] : memref<10112xf32, #tpu.memory_space<vmem_shared>> -> memref<10112xf32, #tpu.memory_space<vmem_shared>>
          tpu.wait_indirect_dma semaphore(%run_scoped3A_134 : memref<!tpu.dma_semaphore, #tpu.memory_space<semaphore_mem>>) src(%dma_wait3A_144 : memref<128xf32, #tpu.memory_space<vmem>>) dst(%dma_wait3A_149 : memref<10112xf32, #tpu.memory_space<vmem_shared>>)
          tpu.yield
        }) : () -> ()
      } else {
      }
      %add3A_64 = arith.constant 128 : i32
      %add3A_65 = arith.addi %add3A_58, %add3A_64 : i32
      %lt3A_66 = arith.constant 2500 : i32
      %lt3A_67 = arith.cmpi slt, %add3A_65, %lt3A_66 : i32
      %convert_element_type3A_68 = arith.extui %lt3A_67 : i1 to i32
      %cond3A_69 = arith.constant 0 : i32
      %cond3A_70 = arith.cmpi ne, %convert_element_type3A_68, %cond3A_69 : i32
      scf.if %cond3A_70 {
        %run_scoped3A = arith.constant 0 : i32
        "tpu.region"() ({
          %run_scoped3A_132 = tpu.sem_alloc : memref<!tpu.dma_semaphore, #tpu.memory_space<semaphore_mem>>
          %dma_start3A_133 = arith.constant 0 : i32
          %dma_start3A_134 = arith.constant 0 : i32
          %dma_start3A_135 = tpu.memref_slice %arg7[%run_scoped3A, %dma_start3A_133, %dma_start3A_134] : memref<4x2x128xi32, #tpu.memory_space<vmem>> -> memref<1x2x128xi32, #tpu.memory_space<vmem>>
          %dma_start3A_136 = tpu.memref_squeeze %dma_start3A_135 : memref<1x2x128xi32, #tpu.memory_space<vmem>> -> memref<2x128xi32, #tpu.memory_space<vmem>>
          %dma_start3A_137 = arith.constant 0 : i32
          %dma_start3A_138 = arith.constant 0 : i32
          %dma_start3A_139 = tpu.memref_slice %arg2[%add3A_65, %dma_start3A_137, %dma_start3A_138] : memref<2500x2x128xi32, #tpu.memory_space<hbm>> -> memref<1x2x128xi32, #tpu.memory_space<hbm>>
          %dma_start3A_140 = tpu.memref_squeeze %dma_start3A_139 : memref<1x2x128xi32, #tpu.memory_space<hbm>> -> memref<2x128xi32, #tpu.memory_space<hbm>>
          %dma_start3A_141 = arith.constant 0 : i32
          %dma_start3A_142 = arith.constant 0 : i32
          %dma_start3A_143 = tpu.memref_slice %arg7[%run_scoped3A, %dma_start3A_141, %dma_start3A_142] : memref<4x2x128xi32, #tpu.memory_space<vmem>> -> memref<1x2x128xi32, #tpu.memory_space<vmem>>
          %dma_start3A_144 = tpu.memref_squeeze %dma_start3A_143 : memref<1x2x128xi32, #tpu.memory_space<vmem>> -> memref<2x128xi32, #tpu.memory_space<vmem>>
          %dma_start3A_145 = arith.constant 0 : i32
          %dma_start3A_146 = arith.constant 0 : i32
          %dma_start3A_147 = tpu.memref_slice %arg2[%add3A_65, %dma_start3A_145, %dma_start3A_146] : memref<2500x2x128xi32, #tpu.memory_space<hbm>> -> memref<1x2x128xi32, #tpu.memory_space<hbm>>
          %dma_start3A_148 = tpu.memref_squeeze %dma_start3A_147 : memref<1x2x128xi32, #tpu.memory_space<hbm>> -> memref<2x128xi32, #tpu.memory_space<hbm>>
          tpu.enqueue_dma source(%dma_start3A_148 : memref<2x128xi32, #tpu.memory_space<hbm>>) target(%dma_start3A_144 : memref<2x128xi32, #tpu.memory_space<vmem>>) target_semaphore(%run_scoped3A_132 : memref<!tpu.dma_semaphore, #tpu.memory_space<semaphore_mem>>)
          %dma_wait3A = arith.constant 0 : i32
          %dma_wait3A_149 = arith.constant 0 : i32
          %dma_wait3A_150 = tpu.memref_slice %arg7[%run_scoped3A, %dma_wait3A, %dma_wait3A_149] : memref<4x2x128xi32, #tpu.memory_space<vmem>> -> memref<1x2x128xi32, #tpu.memory_space<vmem>>
          %dma_wait3A_151 = tpu.memref_squeeze %dma_wait3A_150 : memref<1x2x128xi32, #tpu.memory_space<vmem>> -> memref<2x128xi32, #tpu.memory_space<vmem>>
          %dma_wait3A_152 = arith.constant 0 : i32
          %dma_wait3A_153 = arith.constant 0 : i32
          %dma_wait3A_154 = tpu.memref_slice %arg2[%add3A_65, %dma_wait3A_152, %dma_wait3A_153] : memref<2500x2x128xi32, #tpu.memory_space<hbm>> -> memref<1x2x128xi32, #tpu.memory_space<hbm>>
          %dma_wait3A_155 = tpu.memref_squeeze %dma_wait3A_154 : memref<1x2x128xi32, #tpu.memory_space<hbm>> -> memref<2x128xi32, #tpu.memory_space<hbm>>
          %dma_wait3A_156 = arith.constant 0 : i32
          %dma_wait3A_157 = arith.constant 0 : i32
          %dma_wait3A_158 = tpu.memref_slice %arg7[%run_scoped3A, %dma_wait3A_156, %dma_wait3A_157] : memref<4x2x128xi32, #tpu.memory_space<vmem>> -> memref<1x2x128xi32, #tpu.memory_space<vmem>>
          %dma_wait3A_159 = tpu.memref_squeeze %dma_wait3A_158 : memref<1x2x128xi32, #tpu.memory_space<vmem>> -> memref<2x128xi32, #tpu.memory_space<vmem>>
          %dma_wait3A_160 = arith.constant 0 : i32
          %dma_wait3A_161 = arith.constant 0 : i32
          %dma_wait3A_162 = tpu.memref_slice %arg2[%add3A_65, %dma_wait3A_160, %dma_wait3A_161] : memref<2500x2x128xi32, #tpu.memory_space<hbm>> -> memref<1x2x128xi32, #tpu.memory_space<hbm>>
          %dma_wait3A_163 = tpu.memref_squeeze %dma_wait3A_162 : memref<1x2x128xi32, #tpu.memory_space<hbm>> -> memref<2x128xi32, #tpu.memory_space<hbm>>
          tpu.wait_dma2 semaphore(%run_scoped3A_132 : memref<!tpu.dma_semaphore, #tpu.memory_space<semaphore_mem>>) src(%dma_wait3A_163 : memref<2x128xi32, #tpu.memory_space<hbm>>) dst(%dma_wait3A_159 : memref<2x128xi32, #tpu.memory_space<vmem>>)
          tpu.yield
        }) : () -> ()
        %dma_start3A = arith.constant 0 : i32
        %dma_start3A_122 = arith.constant 0 : i32
        %dma_start3A_123 = arith.constant 0 : i32
        %dma_start3A_124 = arith.constant 0 : i32
        %dma_start3A_125 = tpu.memref_slice %arg8[%dma_start3A_123, %dma_start3A_124] : memref<4x128xf32, #tpu.memory_space<vmem>> -> memref<1x128xf32, #tpu.memory_space<vmem>>
        %dma_start3A_126 = tpu.memref_squeeze %dma_start3A_125 : memref<1x128xf32, #tpu.memory_space<vmem>> -> memref<128xf32, #tpu.memory_space<vmem>>
        %dma_start3A_127 = arith.constant 0 : i32
        %dma_start3A_128 = tpu.memref_slice %arg7[%dma_start3A, %dma_start3A_122, %dma_start3A_127] : memref<4x2x128xi32, #tpu.memory_space<vmem>> -> memref<1x1x128xi32, #tpu.memory_space<vmem>>
        %dma_start3A_129 = tpu.memref_squeeze %dma_start3A_128 : memref<1x1x128xi32, #tpu.memory_space<vmem>> -> memref<128xi32, #tpu.memory_space<vmem>>
        %dma_start3A_130 = arith.constant 0 : i32
        %dma_start3A_131 = tpu.memref_slice %arg3[%dma_start3A_130] : memref<10000xf32, #tpu.memory_space<hbm>> -> memref<10000xf32, #tpu.memory_space<hbm>>
        tpu.enqueue_indirect_dma source(%dma_start3A_131 : memref<10000xf32, #tpu.memory_space<hbm>>) target(%dma_start3A_126 : memref<128xf32, #tpu.memory_space<vmem>>) offsets(%dma_start3A_129 : memref<128xi32, #tpu.memory_space<vmem>>) semaphore(%arg10 : memref<!tpu.dma_semaphore, #tpu.memory_space<semaphore_mem>>)
      } else {
      }
      %add3A_71 = arith.constant 1 : i32
      %add3A_72 = arith.addi %mul3A_53, %add3A_71 : i32
      %mul3A_73 = arith.constant 32 : i32
      %mul3A_74 = arith.muli %mul3A_73, %add3A_72 : i32
      %add3A_75 = arith.addi %add3A, %mul3A_74 : i32
      %lt3A_76 = arith.constant 2500 : i32
      %lt3A_77 = arith.cmpi slt, %add3A_75, %lt3A_76 : i32
      %convert_element_type3A_78 = arith.extui %lt3A_77 : i1 to i32
      %cond3A_79 = arith.constant 0 : i32
      %cond3A_80 = arith.cmpi ne, %convert_element_type3A_78, %cond3A_79 : i32
      scf.if %cond3A_80 {
        %dma_wait3A = arith.constant 1 : i32
        %dma_wait3A_122 = arith.constant 0 : i32
        %dma_wait3A_123 = arith.constant 1 : i32
        %dma_wait3A_124 = arith.constant 0 : i32
        %dma_wait3A_125 = tpu.memref_slice %arg8[%dma_wait3A_123, %dma_wait3A_124] : memref<4x128xf32, #tpu.memory_space<vmem>> -> memref<1x128xf32, #tpu.memory_space<vmem>>
        %dma_wait3A_126 = tpu.memref_squeeze %dma_wait3A_125 : memref<1x128xf32, #tpu.memory_space<vmem>> -> memref<128xf32, #tpu.memory_space<vmem>>
        %dma_wait3A_127 = arith.constant 0 : i32
        %dma_wait3A_128 = tpu.memref_slice %arg7[%dma_wait3A, %dma_wait3A_122, %dma_wait3A_127] : memref<4x2x128xi32, #tpu.memory_space<vmem>> -> memref<1x1x128xi32, #tpu.memory_space<vmem>>
        %dma_wait3A_129 = tpu.memref_squeeze %dma_wait3A_128 : memref<1x1x128xi32, #tpu.memory_space<vmem>> -> memref<128xi32, #tpu.memory_space<vmem>>
        %dma_wait3A_130 = arith.constant 0 : i32
        %dma_wait3A_131 = tpu.memref_slice %arg3[%dma_wait3A_130] : memref<10000xf32, #tpu.memory_space<hbm>> -> memref<10000xf32, #tpu.memory_space<hbm>>
        tpu.wait_indirect_dma semaphore(%arg11 : memref<!tpu.dma_semaphore, #tpu.memory_space<semaphore_mem>>) src(%dma_wait3A_131 : memref<10000xf32, #tpu.memory_space<hbm>>) dst(%dma_wait3A_126 : memref<128xf32, #tpu.memory_space<vmem>>)
        %run_scoped3A = arith.constant 1 : i32
        %run_scoped3A_132 = arith.constant 1 : i32
        %run_scoped3A_133 = arith.constant 1 : i32
        "tpu.region"() ({
          %run_scoped3A_134 = tpu.sem_alloc : memref<!tpu.dma_semaphore, #tpu.memory_space<semaphore_mem>>
          %dma_start3A = arith.constant 0 : i32
          %dma_start3A_135 = tpu.memref_slice %arg8[%run_scoped3A, %dma_start3A] : memref<4x128xf32, #tpu.memory_space<vmem>> -> memref<1x128xf32, #tpu.memory_space<vmem>>
          %dma_start3A_136 = tpu.memref_squeeze %dma_start3A_135 : memref<1x128xf32, #tpu.memory_space<vmem>> -> memref<128xf32, #tpu.memory_space<vmem>>
          %dma_start3A_137 = arith.constant 0 : i32
          %dma_start3A_138 = tpu.memref_slice %arg7[%run_scoped3A_132, %run_scoped3A_133, %dma_start3A_137] : memref<4x2x128xi32, #tpu.memory_space<vmem>> -> memref<1x1x128xi32, #tpu.memory_space<vmem>>
          %dma_start3A_139 = tpu.memref_squeeze %dma_start3A_138 : memref<1x1x128xi32, #tpu.memory_space<vmem>> -> memref<128xi32, #tpu.memory_space<vmem>>
          %dma_start3A_140 = arith.constant 0 : i32
          %dma_start3A_141 = tpu.memref_slice %arg9[%dma_start3A_140] : memref<10112xf32, #tpu.memory_space<vmem_shared>> -> memref<10112xf32, #tpu.memory_space<vmem_shared>>
          tpu.enqueue_indirect_dma source(%dma_start3A_136 : memref<128xf32, #tpu.memory_space<vmem>>) target(%dma_start3A_141 : memref<10112xf32, #tpu.memory_space<vmem_shared>>) offsets(%dma_start3A_139 : memref<128xi32, #tpu.memory_space<vmem>>) semaphore(%run_scoped3A_134 : memref<!tpu.dma_semaphore, #tpu.memory_space<semaphore_mem>>) {add = true}
          %dma_wait3A_142 = arith.constant 0 : i32
          %dma_wait3A_143 = tpu.memref_slice %arg8[%run_scoped3A, %dma_wait3A_142] : memref<4x128xf32, #tpu.memory_space<vmem>> -> memref<1x128xf32, #tpu.memory_space<vmem>>
          %dma_wait3A_144 = tpu.memref_squeeze %dma_wait3A_143 : memref<1x128xf32, #tpu.memory_space<vmem>> -> memref<128xf32, #tpu.memory_space<vmem>>
          %dma_wait3A_145 = arith.constant 0 : i32
          %dma_wait3A_146 = tpu.memref_slice %arg7[%run_scoped3A_132, %run_scoped3A_133, %dma_wait3A_145] : memref<4x2x128xi32, #tpu.memory_space<vmem>> -> memref<1x1x128xi32, #tpu.memory_space<vmem>>
          %dma_wait3A_147 = tpu.memref_squeeze %dma_wait3A_146 : memref<1x1x128xi32, #tpu.memory_space<vmem>> -> memref<128xi32, #tpu.memory_space<vmem>>
          %dma_wait3A_148 = arith.constant 0 : i32
          %dma_wait3A_149 = tpu.memref_slice %arg9[%dma_wait3A_148] : memref<10112xf32, #tpu.memory_space<vmem_shared>> -> memref<10112xf32, #tpu.memory_space<vmem_shared>>
          tpu.wait_indirect_dma semaphore(%run_scoped3A_134 : memref<!tpu.dma_semaphore, #tpu.memory_space<semaphore_mem>>) src(%dma_wait3A_144 : memref<128xf32, #tpu.memory_space<vmem>>) dst(%dma_wait3A_149 : memref<10112xf32, #tpu.memory_space<vmem_shared>>)
          tpu.yield
        }) : () -> ()
      } else {
      }
      %add3A_81 = arith.constant 128 : i32
      %add3A_82 = arith.addi %add3A_75, %add3A_81 : i32
      %lt3A_83 = arith.constant 2500 : i32
      %lt3A_84 = arith.cmpi slt, %add3A_82, %lt3A_83 : i32
      %convert_element_type3A_85 = arith.extui %lt3A_84 : i1 to i32
      %cond3A_86 = arith.constant 0 : i32
      %cond3A_87 = arith.cmpi ne, %convert_element_type3A_85, %cond3A_86 : i32
      scf.if %cond3A_87 {
        %run_scoped3A = arith.constant 1 : i32
        "tpu.region"() ({
          %run_scoped3A_132 = tpu.sem_alloc : memref<!tpu.dma_semaphore, #tpu.memory_space<semaphore_mem>>
          %dma_start3A_133 = arith.constant 0 : i32
          %dma_start3A_134 = arith.constant 0 : i32
          %dma_start3A_135 = tpu.memref_slice %arg7[%run_scoped3A, %dma_start3A_133, %dma_start3A_134] : memref<4x2x128xi32, #tpu.memory_space<vmem>> -> memref<1x2x128xi32, #tpu.memory_space<vmem>>
          %dma_start3A_136 = tpu.memref_squeeze %dma_start3A_135 : memref<1x2x128xi32, #tpu.memory_space<vmem>> -> memref<2x128xi32, #tpu.memory_space<vmem>>
          %dma_start3A_137 = arith.constant 0 : i32
          %dma_start3A_138 = arith.constant 0 : i32
          %dma_start3A_139 = tpu.memref_slice %arg2[%add3A_82, %dma_start3A_137, %dma_start3A_138] : memref<2500x2x128xi32, #tpu.memory_space<hbm>> -> memref<1x2x128xi32, #tpu.memory_space<hbm>>
          %dma_start3A_140 = tpu.memref_squeeze %dma_start3A_139 : memref<1x2x128xi32, #tpu.memory_space<hbm>> -> memref<2x128xi32, #tpu.memory_space<hbm>>
          %dma_start3A_141 = arith.constant 0 : i32
          %dma_start3A_142 = arith.constant 0 : i32
          %dma_start3A_143 = tpu.memref_slice %arg7[%run_scoped3A, %dma_start3A_141, %dma_start3A_142] : memref<4x2x128xi32, #tpu.memory_space<vmem>> -> memref<1x2x128xi32, #tpu.memory_space<vmem>>
          %dma_start3A_144 = tpu.memref_squeeze %dma_start3A_143 : memref<1x2x128xi32, #tpu.memory_space<vmem>> -> memref<2x128xi32, #tpu.memory_space<vmem>>
          %dma_start3A_145 = arith.constant 0 : i32
          %dma_start3A_146 = arith.constant 0 : i32
          %dma_start3A_147 = tpu.memref_slice %arg2[%add3A_82, %dma_start3A_145, %dma_start3A_146] : memref<2500x2x128xi32, #tpu.memory_space<hbm>> -> memref<1x2x128xi32, #tpu.memory_space<hbm>>
          %dma_start3A_148 = tpu.memref_squeeze %dma_start3A_147 : memref<1x2x128xi32, #tpu.memory_space<hbm>> -> memref<2x128xi32, #tpu.memory_space<hbm>>
          tpu.enqueue_dma source(%dma_start3A_148 : memref<2x128xi32, #tpu.memory_space<hbm>>) target(%dma_start3A_144 : memref<2x128xi32, #tpu.memory_space<vmem>>) target_semaphore(%run_scoped3A_132 : memref<!tpu.dma_semaphore, #tpu.memory_space<semaphore_mem>>)
          %dma_wait3A = arith.constant 0 : i32
          %dma_wait3A_149 = arith.constant 0 : i32
          %dma_wait3A_150 = tpu.memref_slice %arg7[%run_scoped3A, %dma_wait3A, %dma_wait3A_149] : memref<4x2x128xi32, #tpu.memory_space<vmem>> -> memref<1x2x128xi32, #tpu.memory_space<vmem>>
          %dma_wait3A_151 = tpu.memref_squeeze %dma_wait3A_150 : memref<1x2x128xi32, #tpu.memory_space<vmem>> -> memref<2x128xi32, #tpu.memory_space<vmem>>
          %dma_wait3A_152 = arith.constant 0 : i32
          %dma_wait3A_153 = arith.constant 0 : i32
          %dma_wait3A_154 = tpu.memref_slice %arg2[%add3A_82, %dma_wait3A_152, %dma_wait3A_153] : memref<2500x2x128xi32, #tpu.memory_space<hbm>> -> memref<1x2x128xi32, #tpu.memory_space<hbm>>
          %dma_wait3A_155 = tpu.memref_squeeze %dma_wait3A_154 : memref<1x2x128xi32, #tpu.memory_space<hbm>> -> memref<2x128xi32, #tpu.memory_space<hbm>>
          %dma_wait3A_156 = arith.constant 0 : i32
          %dma_wait3A_157 = arith.constant 0 : i32
          %dma_wait3A_158 = tpu.memref_slice %arg7[%run_scoped3A, %dma_wait3A_156, %dma_wait3A_157] : memref<4x2x128xi32, #tpu.memory_space<vmem>> -> memref<1x2x128xi32, #tpu.memory_space<vmem>>
          %dma_wait3A_159 = tpu.memref_squeeze %dma_wait3A_158 : memref<1x2x128xi32, #tpu.memory_space<vmem>> -> memref<2x128xi32, #tpu.memory_space<vmem>>
          %dma_wait3A_160 = arith.constant 0 : i32
          %dma_wait3A_161 = arith.constant 0 : i32
          %dma_wait3A_162 = tpu.memref_slice %arg2[%add3A_82, %dma_wait3A_160, %dma_wait3A_161] : memref<2500x2x128xi32, #tpu.memory_space<hbm>> -> memref<1x2x128xi32, #tpu.memory_space<hbm>>
          %dma_wait3A_163 = tpu.memref_squeeze %dma_wait3A_162 : memref<1x2x128xi32, #tpu.memory_space<hbm>> -> memref<2x128xi32, #tpu.memory_space<hbm>>
          tpu.wait_dma2 semaphore(%run_scoped3A_132 : memref<!tpu.dma_semaphore, #tpu.memory_space<semaphore_mem>>) src(%dma_wait3A_163 : memref<2x128xi32, #tpu.memory_space<hbm>>) dst(%dma_wait3A_159 : memref<2x128xi32, #tpu.memory_space<vmem>>)
          tpu.yield
        }) : () -> ()
        %dma_start3A = arith.constant 1 : i32
        %dma_start3A_122 = arith.constant 0 : i32
        %dma_start3A_123 = arith.constant 1 : i32
        %dma_start3A_124 = arith.constant 0 : i32
        %dma_start3A_125 = tpu.memref_slice %arg8[%dma_start3A_123, %dma_start3A_124] : memref<4x128xf32, #tpu.memory_space<vmem>> -> memref<1x128xf32, #tpu.memory_space<vmem>>
        %dma_start3A_126 = tpu.memref_squeeze %dma_start3A_125 : memref<1x128xf32, #tpu.memory_space<vmem>> -> memref<128xf32, #tpu.memory_space<vmem>>
        %dma_start3A_127 = arith.constant 0 : i32
        %dma_start3A_128 = tpu.memref_slice %arg7[%dma_start3A, %dma_start3A_122, %dma_start3A_127] : memref<4x2x128xi32, #tpu.memory_space<vmem>> -> memref<1x1x128xi32, #tpu.memory_space<vmem>>
        %dma_start3A_129 = tpu.memref_squeeze %dma_start3A_128 : memref<1x1x128xi32, #tpu.memory_space<vmem>> -> memref<128xi32, #tpu.memory_space<vmem>>
        %dma_start3A_130 = arith.constant 0 : i32
        %dma_start3A_131 = tpu.memref_slice %arg3[%dma_start3A_130] : memref<10000xf32, #tpu.memory_space<hbm>> -> memref<10000xf32, #tpu.memory_space<hbm>>
        tpu.enqueue_indirect_dma source(%dma_start3A_131 : memref<10000xf32, #tpu.memory_space<hbm>>) target(%dma_start3A_126 : memref<128xf32, #tpu.memory_space<vmem>>) offsets(%dma_start3A_129 : memref<128xi32, #tpu.memory_space<vmem>>) semaphore(%arg11 : memref<!tpu.dma_semaphore, #tpu.memory_space<semaphore_mem>>)
      } else {
      }
      %add3A_88 = arith.constant 2 : i32
      %add3A_89 = arith.addi %mul3A_53, %add3A_88 : i32
      %mul3A_90 = arith.constant 32 : i32
      %mul3A_91 = arith.muli %mul3A_90, %add3A_89 : i32
      %add3A_92 = arith.addi %add3A, %mul3A_91 : i32
      %lt3A_93 = arith.constant 2500 : i32
      %lt3A_94 = arith.cmpi slt, %add3A_92, %lt3A_93 : i32
      %convert_element_type3A_95 = arith.extui %lt3A_94 : i1 to i32
      %cond3A_96 = arith.constant 0 : i32
      %cond3A_97 = arith.cmpi ne, %convert_element_type3A_95, %cond3A_96 : i32
      scf.if %cond3A_97 {
        %dma_wait3A = arith.constant 2 : i32
        %dma_wait3A_122 = arith.constant 0 : i32
        %dma_wait3A_123 = arith.constant 2 : i32
        %dma_wait3A_124 = arith.constant 0 : i32
        %dma_wait3A_125 = tpu.memref_slice %arg8[%dma_wait3A_123, %dma_wait3A_124] : memref<4x128xf32, #tpu.memory_space<vmem>> -> memref<1x128xf32, #tpu.memory_space<vmem>>
        %dma_wait3A_126 = tpu.memref_squeeze %dma_wait3A_125 : memref<1x128xf32, #tpu.memory_space<vmem>> -> memref<128xf32, #tpu.memory_space<vmem>>
        %dma_wait3A_127 = arith.constant 0 : i32
        %dma_wait3A_128 = tpu.memref_slice %arg7[%dma_wait3A, %dma_wait3A_122, %dma_wait3A_127] : memref<4x2x128xi32, #tpu.memory_space<vmem>> -> memref<1x1x128xi32, #tpu.memory_space<vmem>>
        %dma_wait3A_129 = tpu.memref_squeeze %dma_wait3A_128 : memref<1x1x128xi32, #tpu.memory_space<vmem>> -> memref<128xi32, #tpu.memory_space<vmem>>
        %dma_wait3A_130 = arith.constant 0 : i32
        %dma_wait3A_131 = tpu.memref_slice %arg3[%dma_wait3A_130] : memref<10000xf32, #tpu.memory_space<hbm>> -> memref<10000xf32, #tpu.memory_space<hbm>>
        tpu.wait_indirect_dma semaphore(%arg12 : memref<!tpu.dma_semaphore, #tpu.memory_space<semaphore_mem>>) src(%dma_wait3A_131 : memref<10000xf32, #tpu.memory_space<hbm>>) dst(%dma_wait3A_126 : memref<128xf32, #tpu.memory_space<vmem>>)
        %run_scoped3A = arith.constant 2 : i32
        %run_scoped3A_132 = arith.constant 2 : i32
        %run_scoped3A_133 = arith.constant 1 : i32
        "tpu.region"() ({
          %run_scoped3A_134 = tpu.sem_alloc : memref<!tpu.dma_semaphore, #tpu.memory_space<semaphore_mem>>
          %dma_start3A = arith.constant 0 : i32
          %dma_start3A_135 = tpu.memref_slice %arg8[%run_scoped3A, %dma_start3A] : memref<4x128xf32, #tpu.memory_space<vmem>> -> memref<1x128xf32, #tpu.memory_space<vmem>>
          %dma_start3A_136 = tpu.memref_squeeze %dma_start3A_135 : memref<1x128xf32, #tpu.memory_space<vmem>> -> memref<128xf32, #tpu.memory_space<vmem>>
          %dma_start3A_137 = arith.constant 0 : i32
          %dma_start3A_138 = tpu.memref_slice %arg7[%run_scoped3A_132, %run_scoped3A_133, %dma_start3A_137] : memref<4x2x128xi32, #tpu.memory_space<vmem>> -> memref<1x1x128xi32, #tpu.memory_space<vmem>>
          %dma_start3A_139 = tpu.memref_squeeze %dma_start3A_138 : memref<1x1x128xi32, #tpu.memory_space<vmem>> -> memref<128xi32, #tpu.memory_space<vmem>>
          %dma_start3A_140 = arith.constant 0 : i32
          %dma_start3A_141 = tpu.memref_slice %arg9[%dma_start3A_140] : memref<10112xf32, #tpu.memory_space<vmem_shared>> -> memref<10112xf32, #tpu.memory_space<vmem_shared>>
          tpu.enqueue_indirect_dma source(%dma_start3A_136 : memref<128xf32, #tpu.memory_space<vmem>>) target(%dma_start3A_141 : memref<10112xf32, #tpu.memory_space<vmem_shared>>) offsets(%dma_start3A_139 : memref<128xi32, #tpu.memory_space<vmem>>) semaphore(%run_scoped3A_134 : memref<!tpu.dma_semaphore, #tpu.memory_space<semaphore_mem>>) {add = true}
          %dma_wait3A_142 = arith.constant 0 : i32
          %dma_wait3A_143 = tpu.memref_slice %arg8[%run_scoped3A, %dma_wait3A_142] : memref<4x128xf32, #tpu.memory_space<vmem>> -> memref<1x128xf32, #tpu.memory_space<vmem>>
          %dma_wait3A_144 = tpu.memref_squeeze %dma_wait3A_143 : memref<1x128xf32, #tpu.memory_space<vmem>> -> memref<128xf32, #tpu.memory_space<vmem>>
          %dma_wait3A_145 = arith.constant 0 : i32
          %dma_wait3A_146 = tpu.memref_slice %arg7[%run_scoped3A_132, %run_scoped3A_133, %dma_wait3A_145] : memref<4x2x128xi32, #tpu.memory_space<vmem>> -> memref<1x1x128xi32, #tpu.memory_space<vmem>>
          %dma_wait3A_147 = tpu.memref_squeeze %dma_wait3A_146 : memref<1x1x128xi32, #tpu.memory_space<vmem>> -> memref<128xi32, #tpu.memory_space<vmem>>
          %dma_wait3A_148 = arith.constant 0 : i32
          %dma_wait3A_149 = tpu.memref_slice %arg9[%dma_wait3A_148] : memref<10112xf32, #tpu.memory_space<vmem_shared>> -> memref<10112xf32, #tpu.memory_space<vmem_shared>>
          tpu.wait_indirect_dma semaphore(%run_scoped3A_134 : memref<!tpu.dma_semaphore, #tpu.memory_space<semaphore_mem>>) src(%dma_wait3A_144 : memref<128xf32, #tpu.memory_space<vmem>>) dst(%dma_wait3A_149 : memref<10112xf32, #tpu.memory_space<vmem_shared>>)
          tpu.yield
        }) : () -> ()
      } else {
      }
      %add3A_98 = arith.constant 128 : i32
      %add3A_99 = arith.addi %add3A_92, %add3A_98 : i32
      %lt3A_100 = arith.constant 2500 : i32
      %lt3A_101 = arith.cmpi slt, %add3A_99, %lt3A_100 : i32
      %convert_element_type3A_102 = arith.extui %lt3A_101 : i1 to i32
      %cond3A_103 = arith.constant 0 : i32
      %cond3A_104 = arith.cmpi ne, %convert_element_type3A_102, %cond3A_103 : i32
      scf.if %cond3A_104 {
        %run_scoped3A = arith.constant 2 : i32
        "tpu.region"() ({
          %run_scoped3A_132 = tpu.sem_alloc : memref<!tpu.dma_semaphore, #tpu.memory_space<semaphore_mem>>
          %dma_start3A_133 = arith.constant 0 : i32
          %dma_start3A_134 = arith.constant 0 : i32
          %dma_start3A_135 = tpu.memref_slice %arg7[%run_scoped3A, %dma_start3A_133, %dma_start3A_134] : memref<4x2x128xi32, #tpu.memory_space<vmem>> -> memref<1x2x128xi32, #tpu.memory_space<vmem>>
          %dma_start3A_136 = tpu.memref_squeeze %dma_start3A_135 : memref<1x2x128xi32, #tpu.memory_space<vmem>> -> memref<2x128xi32, #tpu.memory_space<vmem>>
          %dma_start3A_137 = arith.constant 0 : i32
          %dma_start3A_138 = arith.constant 0 : i32
          %dma_start3A_139 = tpu.memref_slice %arg2[%add3A_99, %dma_start3A_137, %dma_start3A_138] : memref<2500x2x128xi32, #tpu.memory_space<hbm>> -> memref<1x2x128xi32, #tpu.memory_space<hbm>>
          %dma_start3A_140 = tpu.memref_squeeze %dma_start3A_139 : memref<1x2x128xi32, #tpu.memory_space<hbm>> -> memref<2x128xi32, #tpu.memory_space<hbm>>
          %dma_start3A_141 = arith.constant 0 : i32
          %dma_start3A_142 = arith.constant 0 : i32
          %dma_start3A_143 = tpu.memref_slice %arg7[%run_scoped3A, %dma_start3A_141, %dma_start3A_142] : memref<4x2x128xi32, #tpu.memory_space<vmem>> -> memref<1x2x128xi32, #tpu.memory_space<vmem>>
          %dma_start3A_144 = tpu.memref_squeeze %dma_start3A_143 : memref<1x2x128xi32, #tpu.memory_space<vmem>> -> memref<2x128xi32, #tpu.memory_space<vmem>>
          %dma_start3A_145 = arith.constant 0 : i32
          %dma_start3A_146 = arith.constant 0 : i32
          %dma_start3A_147 = tpu.memref_slice %arg2[%add3A_99, %dma_start3A_145, %dma_start3A_146] : memref<2500x2x128xi32, #tpu.memory_space<hbm>> -> memref<1x2x128xi32, #tpu.memory_space<hbm>>
          %dma_start3A_148 = tpu.memref_squeeze %dma_start3A_147 : memref<1x2x128xi32, #tpu.memory_space<hbm>> -> memref<2x128xi32, #tpu.memory_space<hbm>>
          tpu.enqueue_dma source(%dma_start3A_148 : memref<2x128xi32, #tpu.memory_space<hbm>>) target(%dma_start3A_144 : memref<2x128xi32, #tpu.memory_space<vmem>>) target_semaphore(%run_scoped3A_132 : memref<!tpu.dma_semaphore, #tpu.memory_space<semaphore_mem>>)
          %dma_wait3A = arith.constant 0 : i32
          %dma_wait3A_149 = arith.constant 0 : i32
          %dma_wait3A_150 = tpu.memref_slice %arg7[%run_scoped3A, %dma_wait3A, %dma_wait3A_149] : memref<4x2x128xi32, #tpu.memory_space<vmem>> -> memref<1x2x128xi32, #tpu.memory_space<vmem>>
          %dma_wait3A_151 = tpu.memref_squeeze %dma_wait3A_150 : memref<1x2x128xi32, #tpu.memory_space<vmem>> -> memref<2x128xi32, #tpu.memory_space<vmem>>
          %dma_wait3A_152 = arith.constant 0 : i32
          %dma_wait3A_153 = arith.constant 0 : i32
          %dma_wait3A_154 = tpu.memref_slice %arg2[%add3A_99, %dma_wait3A_152, %dma_wait3A_153] : memref<2500x2x128xi32, #tpu.memory_space<hbm>> -> memref<1x2x128xi32, #tpu.memory_space<hbm>>
          %dma_wait3A_155 = tpu.memref_squeeze %dma_wait3A_154 : memref<1x2x128xi32, #tpu.memory_space<hbm>> -> memref<2x128xi32, #tpu.memory_space<hbm>>
          %dma_wait3A_156 = arith.constant 0 : i32
          %dma_wait3A_157 = arith.constant 0 : i32
          %dma_wait3A_158 = tpu.memref_slice %arg7[%run_scoped3A, %dma_wait3A_156, %dma_wait3A_157] : memref<4x2x128xi32, #tpu.memory_space<vmem>> -> memref<1x2x128xi32, #tpu.memory_space<vmem>>
          %dma_wait3A_159 = tpu.memref_squeeze %dma_wait3A_158 : memref<1x2x128xi32, #tpu.memory_space<vmem>> -> memref<2x128xi32, #tpu.memory_space<vmem>>
          %dma_wait3A_160 = arith.constant 0 : i32
          %dma_wait3A_161 = arith.constant 0 : i32
          %dma_wait3A_162 = tpu.memref_slice %arg2[%add3A_99, %dma_wait3A_160, %dma_wait3A_161] : memref<2500x2x128xi32, #tpu.memory_space<hbm>> -> memref<1x2x128xi32, #tpu.memory_space<hbm>>
          %dma_wait3A_163 = tpu.memref_squeeze %dma_wait3A_162 : memref<1x2x128xi32, #tpu.memory_space<hbm>> -> memref<2x128xi32, #tpu.memory_space<hbm>>
          tpu.wait_dma2 semaphore(%run_scoped3A_132 : memref<!tpu.dma_semaphore, #tpu.memory_space<semaphore_mem>>) src(%dma_wait3A_163 : memref<2x128xi32, #tpu.memory_space<hbm>>) dst(%dma_wait3A_159 : memref<2x128xi32, #tpu.memory_space<vmem>>)
          tpu.yield
        }) : () -> ()
        %dma_start3A = arith.constant 2 : i32
        %dma_start3A_122 = arith.constant 0 : i32
        %dma_start3A_123 = arith.constant 2 : i32
        %dma_start3A_124 = arith.constant 0 : i32
        %dma_start3A_125 = tpu.memref_slice %arg8[%dma_start3A_123, %dma_start3A_124] : memref<4x128xf32, #tpu.memory_space<vmem>> -> memref<1x128xf32, #tpu.memory_space<vmem>>
        %dma_start3A_126 = tpu.memref_squeeze %dma_start3A_125 : memref<1x128xf32, #tpu.memory_space<vmem>> -> memref<128xf32, #tpu.memory_space<vmem>>
        %dma_start3A_127 = arith.constant 0 : i32
        %dma_start3A_128 = tpu.memref_slice %arg7[%dma_start3A, %dma_start3A_122, %dma_start3A_127] : memref<4x2x128xi32, #tpu.memory_space<vmem>> -> memref<1x1x128xi32, #tpu.memory_space<vmem>>
        %dma_start3A_129 = tpu.memref_squeeze %dma_start3A_128 : memref<1x1x128xi32, #tpu.memory_space<vmem>> -> memref<128xi32, #tpu.memory_space<vmem>>
        %dma_start3A_130 = arith.constant 0 : i32
        %dma_start3A_131 = tpu.memref_slice %arg3[%dma_start3A_130] : memref<10000xf32, #tpu.memory_space<hbm>> -> memref<10000xf32, #tpu.memory_space<hbm>>
        tpu.enqueue_indirect_dma source(%dma_start3A_131 : memref<10000xf32, #tpu.memory_space<hbm>>) target(%dma_start3A_126 : memref<128xf32, #tpu.memory_space<vmem>>) offsets(%dma_start3A_129 : memref<128xi32, #tpu.memory_space<vmem>>) semaphore(%arg12 : memref<!tpu.dma_semaphore, #tpu.memory_space<semaphore_mem>>)
      } else {
      }
      %add3A_105 = arith.constant 3 : i32
      %add3A_106 = arith.addi %mul3A_53, %add3A_105 : i32
      %mul3A_107 = arith.constant 32 : i32
      %mul3A_108 = arith.muli %mul3A_107, %add3A_106 : i32
      %add3A_109 = arith.addi %add3A, %mul3A_108 : i32
      %lt3A_110 = arith.constant 2500 : i32
      %lt3A_111 = arith.cmpi slt, %add3A_109, %lt3A_110 : i32
      %convert_element_type3A_112 = arith.extui %lt3A_111 : i1 to i32
      %cond3A_113 = arith.constant 0 : i32
      %cond3A_114 = arith.cmpi ne, %convert_element_type3A_112, %cond3A_113 : i32
      scf.if %cond3A_114 {
        %dma_wait3A = arith.constant 3 : i32
        %dma_wait3A_122 = arith.constant 0 : i32
        %dma_wait3A_123 = arith.constant 3 : i32
        %dma_wait3A_124 = arith.constant 0 : i32
        %dma_wait3A_125 = tpu.memref_slice %arg8[%dma_wait3A_123, %dma_wait3A_124] : memref<4x128xf32, #tpu.memory_space<vmem>> -> memref<1x128xf32, #tpu.memory_space<vmem>>
        %dma_wait3A_126 = tpu.memref_squeeze %dma_wait3A_125 : memref<1x128xf32, #tpu.memory_space<vmem>> -> memref<128xf32, #tpu.memory_space<vmem>>
        %dma_wait3A_127 = arith.constant 0 : i32
        %dma_wait3A_128 = tpu.memref_slice %arg7[%dma_wait3A, %dma_wait3A_122, %dma_wait3A_127] : memref<4x2x128xi32, #tpu.memory_space<vmem>> -> memref<1x1x128xi32, #tpu.memory_space<vmem>>
        %dma_wait3A_129 = tpu.memref_squeeze %dma_wait3A_128 : memref<1x1x128xi32, #tpu.memory_space<vmem>> -> memref<128xi32, #tpu.memory_space<vmem>>
        %dma_wait3A_130 = arith.constant 0 : i32
        %dma_wait3A_131 = tpu.memref_slice %arg3[%dma_wait3A_130] : memref<10000xf32, #tpu.memory_space<hbm>> -> memref<10000xf32, #tpu.memory_space<hbm>>
        tpu.wait_indirect_dma semaphore(%arg13 : memref<!tpu.dma_semaphore, #tpu.memory_space<semaphore_mem>>) src(%dma_wait3A_131 : memref<10000xf32, #tpu.memory_space<hbm>>) dst(%dma_wait3A_126 : memref<128xf32, #tpu.memory_space<vmem>>)
        %run_scoped3A = arith.constant 3 : i32
        %run_scoped3A_132 = arith.constant 3 : i32
        %run_scoped3A_133 = arith.constant 1 : i32
        "tpu.region"() ({
          %run_scoped3A_134 = tpu.sem_alloc : memref<!tpu.dma_semaphore, #tpu.memory_space<semaphore_mem>>
          %dma_start3A = arith.constant 0 : i32
          %dma_start3A_135 = tpu.memref_slice %arg8[%run_scoped3A, %dma_start3A] : memref<4x128xf32, #tpu.memory_space<vmem>> -> memref<1x128xf32, #tpu.memory_space<vmem>>
          %dma_start3A_136 = tpu.memref_squeeze %dma_start3A_135 : memref<1x128xf32, #tpu.memory_space<vmem>> -> memref<128xf32, #tpu.memory_space<vmem>>
          %dma_start3A_137 = arith.constant 0 : i32
          %dma_start3A_138 = tpu.memref_slice %arg7[%run_scoped3A_132, %run_scoped3A_133, %dma_start3A_137] : memref<4x2x128xi32, #tpu.memory_space<vmem>> -> memref<1x1x128xi32, #tpu.memory_space<vmem>>
          %dma_start3A_139 = tpu.memref_squeeze %dma_start3A_138 : memref<1x1x128xi32, #tpu.memory_space<vmem>> -> memref<128xi32, #tpu.memory_space<vmem>>
          %dma_start3A_140 = arith.constant 0 : i32
          %dma_start3A_141 = tpu.memref_slice %arg9[%dma_start3A_140] : memref<10112xf32, #tpu.memory_space<vmem_shared>> -> memref<10112xf32, #tpu.memory_space<vmem_shared>>
          tpu.enqueue_indirect_dma source(%dma_start3A_136 : memref<128xf32, #tpu.memory_space<vmem>>) target(%dma_start3A_141 : memref<10112xf32, #tpu.memory_space<vmem_shared>>) offsets(%dma_start3A_139 : memref<128xi32, #tpu.memory_space<vmem>>) semaphore(%run_scoped3A_134 : memref<!tpu.dma_semaphore, #tpu.memory_space<semaphore_mem>>) {add = true}
          %dma_wait3A_142 = arith.constant 0 : i32
          %dma_wait3A_143 = tpu.memref_slice %arg8[%run_scoped3A, %dma_wait3A_142] : memref<4x128xf32, #tpu.memory_space<vmem>> -> memref<1x128xf32, #tpu.memory_space<vmem>>
          %dma_wait3A_144 = tpu.memref_squeeze %dma_wait3A_143 : memref<1x128xf32, #tpu.memory_space<vmem>> -> memref<128xf32, #tpu.memory_space<vmem>>
          %dma_wait3A_145 = arith.constant 0 : i32
          %dma_wait3A_146 = tpu.memref_slice %arg7[%run_scoped3A_132, %run_scoped3A_133, %dma_wait3A_145] : memref<4x2x128xi32, #tpu.memory_space<vmem>> -> memref<1x1x128xi32, #tpu.memory_space<vmem>>
          %dma_wait3A_147 = tpu.memref_squeeze %dma_wait3A_146 : memref<1x1x128xi32, #tpu.memory_space<vmem>> -> memref<128xi32, #tpu.memory_space<vmem>>
          %dma_wait3A_148 = arith.constant 0 : i32
          %dma_wait3A_149 = tpu.memref_slice %arg9[%dma_wait3A_148] : memref<10112xf32, #tpu.memory_space<vmem_shared>> -> memref<10112xf32, #tpu.memory_space<vmem_shared>>
          tpu.wait_indirect_dma semaphore(%run_scoped3A_134 : memref<!tpu.dma_semaphore, #tpu.memory_space<semaphore_mem>>) src(%dma_wait3A_144 : memref<128xf32, #tpu.memory_space<vmem>>) dst(%dma_wait3A_149 : memref<10112xf32, #tpu.memory_space<vmem_shared>>)
          tpu.yield
        }) : () -> ()
      } else {
      }
      %add3A_115 = arith.constant 128 : i32
      %add3A_116 = arith.addi %add3A_109, %add3A_115 : i32
      %lt3A_117 = arith.constant 2500 : i32
      %lt3A_118 = arith.cmpi slt, %add3A_116, %lt3A_117 : i32
      %convert_element_type3A_119 = arith.extui %lt3A_118 : i1 to i32
      %cond3A_120 = arith.constant 0 : i32
      %cond3A_121 = arith.cmpi ne, %convert_element_type3A_119, %cond3A_120 : i32
      scf.if %cond3A_121 {
        %run_scoped3A = arith.constant 3 : i32
        "tpu.region"() ({
          %run_scoped3A_132 = tpu.sem_alloc : memref<!tpu.dma_semaphore, #tpu.memory_space<semaphore_mem>>
          %dma_start3A_133 = arith.constant 0 : i32
          %dma_start3A_134 = arith.constant 0 : i32
          %dma_start3A_135 = tpu.memref_slice %arg7[%run_scoped3A, %dma_start3A_133, %dma_start3A_134] : memref<4x2x128xi32, #tpu.memory_space<vmem>> -> memref<1x2x128xi32, #tpu.memory_space<vmem>>
          %dma_start3A_136 = tpu.memref_squeeze %dma_start3A_135 : memref<1x2x128xi32, #tpu.memory_space<vmem>> -> memref<2x128xi32, #tpu.memory_space<vmem>>
          %dma_start3A_137 = arith.constant 0 : i32
          %dma_start3A_138 = arith.constant 0 : i32
          %dma_start3A_139 = tpu.memref_slice %arg2[%add3A_116, %dma_start3A_137, %dma_start3A_138] : memref<2500x2x128xi32, #tpu.memory_space<hbm>> -> memref<1x2x128xi32, #tpu.memory_space<hbm>>
          %dma_start3A_140 = tpu.memref_squeeze %dma_start3A_139 : memref<1x2x128xi32, #tpu.memory_space<hbm>> -> memref<2x128xi32, #tpu.memory_space<hbm>>
          %dma_start3A_141 = arith.constant 0 : i32
          %dma_start3A_142 = arith.constant 0 : i32
          %dma_start3A_143 = tpu.memref_slice %arg7[%run_scoped3A, %dma_start3A_141, %dma_start3A_142] : memref<4x2x128xi32, #tpu.memory_space<vmem>> -> memref<1x2x128xi32, #tpu.memory_space<vmem>>
          %dma_start3A_144 = tpu.memref_squeeze %dma_start3A_143 : memref<1x2x128xi32, #tpu.memory_space<vmem>> -> memref<2x128xi32, #tpu.memory_space<vmem>>
          %dma_start3A_145 = arith.constant 0 : i32
          %dma_start3A_146 = arith.constant 0 : i32
          %dma_start3A_147 = tpu.memref_slice %arg2[%add3A_116, %dma_start3A_145, %dma_start3A_146] : memref<2500x2x128xi32, #tpu.memory_space<hbm>> -> memref<1x2x128xi32, #tpu.memory_space<hbm>>
          %dma_start3A_148 = tpu.memref_squeeze %dma_start3A_147 : memref<1x2x128xi32, #tpu.memory_space<hbm>> -> memref<2x128xi32, #tpu.memory_space<hbm>>
          tpu.enqueue_dma source(%dma_start3A_148 : memref<2x128xi32, #tpu.memory_space<hbm>>) target(%dma_start3A_144 : memref<2x128xi32, #tpu.memory_space<vmem>>) target_semaphore(%run_scoped3A_132 : memref<!tpu.dma_semaphore, #tpu.memory_space<semaphore_mem>>)
          %dma_wait3A = arith.constant 0 : i32
          %dma_wait3A_149 = arith.constant 0 : i32
          %dma_wait3A_150 = tpu.memref_slice %arg7[%run_scoped3A, %dma_wait3A, %dma_wait3A_149] : memref<4x2x128xi32, #tpu.memory_space<vmem>> -> memref<1x2x128xi32, #tpu.memory_space<vmem>>
          %dma_wait3A_151 = tpu.memref_squeeze %dma_wait3A_150 : memref<1x2x128xi32, #tpu.memory_space<vmem>> -> memref<2x128xi32, #tpu.memory_space<vmem>>
          %dma_wait3A_152 = arith.constant 0 : i32
          %dma_wait3A_153 = arith.constant 0 : i32
          %dma_wait3A_154 = tpu.memref_slice %arg2[%add3A_116, %dma_wait3A_152, %dma_wait3A_153] : memref<2500x2x128xi32, #tpu.memory_space<hbm>> -> memref<1x2x128xi32, #tpu.memory_space<hbm>>
          %dma_wait3A_155 = tpu.memref_squeeze %dma_wait3A_154 : memref<1x2x128xi32, #tpu.memory_space<hbm>> -> memref<2x128xi32, #tpu.memory_space<hbm>>
          %dma_wait3A_156 = arith.constant 0 : i32
          %dma_wait3A_157 = arith.constant 0 : i32
          %dma_wait3A_158 = tpu.memref_slice %arg7[%run_scoped3A, %dma_wait3A_156, %dma_wait3A_157] : memref<4x2x128xi32, #tpu.memory_space<vmem>> -> memref<1x2x128xi32, #tpu.memory_space<vmem>>
          %dma_wait3A_159 = tpu.memref_squeeze %dma_wait3A_158 : memref<1x2x128xi32, #tpu.memory_space<vmem>> -> memref<2x128xi32, #tpu.memory_space<vmem>>
          %dma_wait3A_160 = arith.constant 0 : i32
          %dma_wait3A_161 = arith.constant 0 : i32
          %dma_wait3A_162 = tpu.memref_slice %arg2[%add3A_116, %dma_wait3A_160, %dma_wait3A_161] : memref<2500x2x128xi32, #tpu.memory_space<hbm>> -> memref<1x2x128xi32, #tpu.memory_space<hbm>>
          %dma_wait3A_163 = tpu.memref_squeeze %dma_wait3A_162 : memref<1x2x128xi32, #tpu.memory_space<hbm>> -> memref<2x128xi32, #tpu.memory_space<hbm>>
          tpu.wait_dma2 semaphore(%run_scoped3A_132 : memref<!tpu.dma_semaphore, #tpu.memory_space<semaphore_mem>>) src(%dma_wait3A_163 : memref<2x128xi32, #tpu.memory_space<hbm>>) dst(%dma_wait3A_159 : memref<2x128xi32, #tpu.memory_space<vmem>>)
          tpu.yield
        }) : () -> ()
        %dma_start3A = arith.constant 3 : i32
        %dma_start3A_122 = arith.constant 0 : i32
        %dma_start3A_123 = arith.constant 3 : i32
        %dma_start3A_124 = arith.constant 0 : i32
        %dma_start3A_125 = tpu.memref_slice %arg8[%dma_start3A_123, %dma_start3A_124] : memref<4x128xf32, #tpu.memory_space<vmem>> -> memref<1x128xf32, #tpu.memory_space<vmem>>
        %dma_start3A_126 = tpu.memref_squeeze %dma_start3A_125 : memref<1x128xf32, #tpu.memory_space<vmem>> -> memref<128xf32, #tpu.memory_space<vmem>>
        %dma_start3A_127 = arith.constant 0 : i32
        %dma_start3A_128 = tpu.memref_slice %arg7[%dma_start3A, %dma_start3A_122, %dma_start3A_127] : memref<4x2x128xi32, #tpu.memory_space<vmem>> -> memref<1x1x128xi32, #tpu.memory_space<vmem>>
        %dma_start3A_129 = tpu.memref_squeeze %dma_start3A_128 : memref<1x1x128xi32, #tpu.memory_space<vmem>> -> memref<128xi32, #tpu.memory_space<vmem>>
        %dma_start3A_130 = arith.constant 0 : i32
        %dma_start3A_131 = tpu.memref_slice %arg3[%dma_start3A_130] : memref<10000xf32, #tpu.memory_space<hbm>> -> memref<10000xf32, #tpu.memory_space<hbm>>
        tpu.enqueue_indirect_dma source(%dma_start3A_131 : memref<10000xf32, #tpu.memory_space<hbm>>) target(%dma_start3A_126 : memref<128xf32, #tpu.memory_space<vmem>>) offsets(%dma_start3A_129 : memref<128xi32, #tpu.memory_space<vmem>>) semaphore(%arg13 : memref<!tpu.dma_semaphore, #tpu.memory_space<semaphore_mem>>)
      } else {
      }
    }
    %scan3A_34 = arith.constant 20 : i32
    %barrier3A_35 = arith.constant 0 : index
    tpu.barrier barrier_id(%barrier3A_35)
    %eq3A_36 = arith.constant 0 : i32
    %eq3A_37 = arith.cmpi eq, %arg1, %eq3A_36 : i32
    %eq3A_38 = arith.constant 0 : i32
    %eq3A_39 = arith.cmpi eq, %arg0, %eq3A_38 : i32
    %and3A = arith.andi %eq3A_37, %eq3A_39 : i1
    %convert_element_type3A_40 = arith.extui %and3A : i1 to i32
    %cond3A_41 = arith.constant 0 : i32
    %cond3A_42 = arith.cmpi ne, %convert_element_type3A_40, %cond3A_41 : i32
    scf.if %cond3A_42 {
      "tpu.region"() ({
        %run_scoped3A = tpu.sem_alloc : memref<!tpu.dma_semaphore, #tpu.memory_space<semaphore_mem>>
        tpu.enqueue_dma source(%arg9 : memref<10112xf32, #tpu.memory_space<vmem_shared>>) target(%arg5 : memref<10112xf32, #tpu.memory_space<hbm>>) target_semaphore(%run_scoped3A : memref<!tpu.dma_semaphore, #tpu.memory_space<semaphore_mem>>)
        tpu.wait_dma2 semaphore(%run_scoped3A : memref<!tpu.dma_semaphore, #tpu.memory_space<semaphore_mem>>) src(%arg9 : memref<10112xf32, #tpu.memory_space<vmem_shared>>) dst(%arg5 : memref<10112xf32, #tpu.memory_space<hbm>>)
        tpu.yield
      }) : () -> ()
    } else {
    }
    %eq3A_43 = arith.constant 0 : i32
    %eq3A_44 = arith.cmpi eq, %arg1, %eq3A_43 : i32
    %eq3A_45 = arith.constant 1 : i32
    %eq3A_46 = arith.cmpi eq, %arg0, %eq3A_45 : i32
    %and3A_47 = arith.andi %eq3A_44, %eq3A_46 : i1
    %convert_element_type3A_48 = arith.extui %and3A_47 : i1 to i32
    %cond3A_49 = arith.constant 0 : i32
    %cond3A_50 = arith.cmpi ne, %convert_element_type3A_48, %cond3A_49 : i32
    scf.if %cond3A_50 {
      "tpu.region"() ({
        %run_scoped3A = tpu.sem_alloc : memref<!tpu.dma_semaphore, #tpu.memory_space<semaphore_mem>>
        tpu.enqueue_dma source(%arg9 : memref<10112xf32, #tpu.memory_space<vmem_shared>>) target(%arg6 : memref<10112xf32, #tpu.memory_space<hbm>>) target_semaphore(%run_scoped3A : memref<!tpu.dma_semaphore, #tpu.memory_space<semaphore_mem>>)
        tpu.wait_dma2 semaphore(%run_scoped3A : memref<!tpu.dma_semaphore, #tpu.memory_space<semaphore_mem>>) src(%arg9 : memref<10112xf32, #tpu.memory_space<vmem_shared>>) dst(%arg6 : memref<10112xf32, #tpu.memory_space<hbm>>)
        tpu.yield
      }) : () -> ()
    } else {
    }
    return
  }
}

#map = affine_map<(d0, d1) -> (0, 0, 0)>
#map1 = affine_map<(d0, d1) -> (0, 0)>
module attributes {stable_mosaic.version = 14 : i64} {
  func.func @body(%arg0: i32, %arg1: i32, %arg2: memref<2500x2x128xi32, #tpu.memory_space<hbm>>, %arg3: memref<10000x128xf32, #tpu.memory_space<hbm>>, %arg4: memref<10112x128xf32, #tpu.memory_space<hbm>>, %arg5: memref<10112x128xf32, #tpu.memory_space<hbm>>, %arg6: memref<10112x128xf32, #tpu.memory_space<hbm>>, %arg7: memref<2x2x128xi32, #tpu.memory_space<vmem>>, %arg8: memref<2x128x128xf32, #tpu.memory_space<vmem>>, %arg9: memref<10112x128xf32, #tpu.memory_space<vmem_shared>>, %arg10: memref<!tpu.dma_semaphore, #tpu.memory_space<semaphore_mem>>, %arg11: memref<!tpu.dma_semaphore, #tpu.memory_space<semaphore_mem>>) attributes {dimension_semantics = [#tpu.dimension_semantics<core_parallel>, #tpu.dimension_semantics<subcore_parallel>], iteration_bounds = array<i64: 2, 16>, scalar_prefetch = 0 : i64, scratch_operands = 5 : i64, tpu.core_type = #tpu.core_type<sc_vector_subcore>, window_params = [{transform_indices = #map}, {transform_indices = #map1}, {transform_indices = #map1}, {transform_indices = #map1}, {transform_indices = #map1}]} {
    %mul3A = arith.constant 2 : i32
    %mul3A_0 = arith.muli %arg1, %mul3A : i32
    %add3A = arith.addi %mul3A_0, %arg0 : i32
    %eq3A = arith.constant 0 : i32
    %eq3A_1 = arith.cmpi eq, %arg1, %eq3A : i32
    %convert_element_type3A = arith.extui %eq3A_1 : i1 to i32
    %cond3A = arith.constant 0 : i32
    %cond3A_2 = arith.cmpi ne, %convert_element_type3A, %cond3A : i32
    scf.if %cond3A_2 {
      "tpu.region"() ({
        %run_scoped3A = tpu.sem_alloc : memref<!tpu.dma_semaphore, #tpu.memory_space<semaphore_mem>>
        tpu.enqueue_dma source(%arg4 : memref<10112x128xf32, #tpu.memory_space<hbm>>) target(%arg9 : memref<10112x128xf32, #tpu.memory_space<vmem_shared>>) target_semaphore(%run_scoped3A : memref<!tpu.dma_semaphore, #tpu.memory_space<semaphore_mem>>)
        tpu.wait_dma2 semaphore(%run_scoped3A : memref<!tpu.dma_semaphore, #tpu.memory_space<semaphore_mem>>) src(%arg4 : memref<10112x128xf32, #tpu.memory_space<hbm>>) dst(%arg9 : memref<10112x128xf32, #tpu.memory_space<vmem_shared>>)
        tpu.yield
      }) : () -> ()
    } else {
    }
    %barrier3A = arith.constant 0 : index
    tpu.barrier barrier_id(%barrier3A)
    %add3A_3 = arith.constant 0 : i32
    %add3A_4 = arith.addi %add3A, %add3A_3 : i32
    %lt3A = arith.constant 2500 : i32
    %lt3A_5 = arith.cmpi slt, %add3A_4, %lt3A : i32
    %convert_element_type3A_6 = arith.extui %lt3A_5 : i1 to i32
    %cond3A_7 = arith.constant 0 : i32
    %cond3A_8 = arith.cmpi ne, %convert_element_type3A_6, %cond3A_7 : i32
    scf.if %cond3A_8 {
      %run_scoped3A = arith.constant 0 : i32
      "tpu.region"() ({
        %run_scoped3A_49 = tpu.sem_alloc : memref<!tpu.dma_semaphore, #tpu.memory_space<semaphore_mem>>
        %dma_start3A_50 = arith.constant 0 : i32
        %dma_start3A_51 = arith.constant 0 : i32
        %dma_start3A_52 = tpu.memref_slice %arg7[%run_scoped3A, %dma_start3A_50, %dma_start3A_51] : memref<2x2x128xi32, #tpu.memory_space<vmem>> -> memref<1x2x128xi32, #tpu.memory_space<vmem>>
        %dma_start3A_53 = tpu.memref_squeeze %dma_start3A_52 : memref<1x2x128xi32, #tpu.memory_space<vmem>> -> memref<2x128xi32, #tpu.memory_space<vmem>>
        %dma_start3A_54 = arith.constant 0 : i32
        %dma_start3A_55 = arith.constant 0 : i32
        %dma_start3A_56 = tpu.memref_slice %arg2[%add3A_4, %dma_start3A_54, %dma_start3A_55] : memref<2500x2x128xi32, #tpu.memory_space<hbm>> -> memref<1x2x128xi32, #tpu.memory_space<hbm>>
        %dma_start3A_57 = tpu.memref_squeeze %dma_start3A_56 : memref<1x2x128xi32, #tpu.memory_space<hbm>> -> memref<2x128xi32, #tpu.memory_space<hbm>>
        %dma_start3A_58 = arith.constant 0 : i32
        %dma_start3A_59 = arith.constant 0 : i32
        %dma_start3A_60 = tpu.memref_slice %arg7[%run_scoped3A, %dma_start3A_58, %dma_start3A_59] : memref<2x2x128xi32, #tpu.memory_space<vmem>> -> memref<1x2x128xi32, #tpu.memory_space<vmem>>
        %dma_start3A_61 = tpu.memref_squeeze %dma_start3A_60 : memref<1x2x128xi32, #tpu.memory_space<vmem>> -> memref<2x128xi32, #tpu.memory_space<vmem>>
        %dma_start3A_62 = arith.constant 0 : i32
        %dma_start3A_63 = arith.constant 0 : i32
        %dma_start3A_64 = tpu.memref_slice %arg2[%add3A_4, %dma_start3A_62, %dma_start3A_63] : memref<2500x2x128xi32, #tpu.memory_space<hbm>> -> memref<1x2x128xi32, #tpu.memory_space<hbm>>
        %dma_start3A_65 = tpu.memref_squeeze %dma_start3A_64 : memref<1x2x128xi32, #tpu.memory_space<hbm>> -> memref<2x128xi32, #tpu.memory_space<hbm>>
        tpu.enqueue_dma source(%dma_start3A_65 : memref<2x128xi32, #tpu.memory_space<hbm>>) target(%dma_start3A_61 : memref<2x128xi32, #tpu.memory_space<vmem>>) target_semaphore(%run_scoped3A_49 : memref<!tpu.dma_semaphore, #tpu.memory_space<semaphore_mem>>)
        %dma_wait3A = arith.constant 0 : i32
        %dma_wait3A_66 = arith.constant 0 : i32
        %dma_wait3A_67 = tpu.memref_slice %arg7[%run_scoped3A, %dma_wait3A, %dma_wait3A_66] : memref<2x2x128xi32, #tpu.memory_space<vmem>> -> memref<1x2x128xi32, #tpu.memory_space<vmem>>
        %dma_wait3A_68 = tpu.memref_squeeze %dma_wait3A_67 : memref<1x2x128xi32, #tpu.memory_space<vmem>> -> memref<2x128xi32, #tpu.memory_space<vmem>>
        %dma_wait3A_69 = arith.constant 0 : i32
        %dma_wait3A_70 = arith.constant 0 : i32
        %dma_wait3A_71 = tpu.memref_slice %arg2[%add3A_4, %dma_wait3A_69, %dma_wait3A_70] : memref<2500x2x128xi32, #tpu.memory_space<hbm>> -> memref<1x2x128xi32, #tpu.memory_space<hbm>>
        %dma_wait3A_72 = tpu.memref_squeeze %dma_wait3A_71 : memref<1x2x128xi32, #tpu.memory_space<hbm>> -> memref<2x128xi32, #tpu.memory_space<hbm>>
        %dma_wait3A_73 = arith.constant 0 : i32
        %dma_wait3A_74 = arith.constant 0 : i32
        %dma_wait3A_75 = tpu.memref_slice %arg7[%run_scoped3A, %dma_wait3A_73, %dma_wait3A_74] : memref<2x2x128xi32, #tpu.memory_space<vmem>> -> memref<1x2x128xi32, #tpu.memory_space<vmem>>
        %dma_wait3A_76 = tpu.memref_squeeze %dma_wait3A_75 : memref<1x2x128xi32, #tpu.memory_space<vmem>> -> memref<2x128xi32, #tpu.memory_space<vmem>>
        %dma_wait3A_77 = arith.constant 0 : i32
        %dma_wait3A_78 = arith.constant 0 : i32
        %dma_wait3A_79 = tpu.memref_slice %arg2[%add3A_4, %dma_wait3A_77, %dma_wait3A_78] : memref<2500x2x128xi32, #tpu.memory_space<hbm>> -> memref<1x2x128xi32, #tpu.memory_space<hbm>>
        %dma_wait3A_80 = tpu.memref_squeeze %dma_wait3A_79 : memref<1x2x128xi32, #tpu.memory_space<hbm>> -> memref<2x128xi32, #tpu.memory_space<hbm>>
        tpu.wait_dma2 semaphore(%run_scoped3A_49 : memref<!tpu.dma_semaphore, #tpu.memory_space<semaphore_mem>>) src(%dma_wait3A_80 : memref<2x128xi32, #tpu.memory_space<hbm>>) dst(%dma_wait3A_76 : memref<2x128xi32, #tpu.memory_space<vmem>>)
        tpu.yield
      }) : () -> ()
      %dma_start3A = arith.constant 0 : i32
      %dma_start3A_37 = arith.constant 0 : i32
      %dma_start3A_38 = arith.constant 0 : i32
      %dma_start3A_39 = arith.constant 0 : i32
      %dma_start3A_40 = arith.constant 0 : i32
      %dma_start3A_41 = tpu.memref_slice %arg8[%dma_start3A_38, %dma_start3A_39, %dma_start3A_40] : memref<2x128x128xf32, #tpu.memory_space<vmem>> -> memref<1x128x128xf32, #tpu.memory_space<vmem>>
      %dma_start3A_42 = tpu.memref_squeeze %dma_start3A_41 : memref<1x128x128xf32, #tpu.memory_space<vmem>> -> memref<128x128xf32, #tpu.memory_space<vmem>>
      %dma_start3A_43 = arith.constant 0 : i32
      %dma_start3A_44 = tpu.memref_slice %arg7[%dma_start3A, %dma_start3A_37, %dma_start3A_43] : memref<2x2x128xi32, #tpu.memory_space<vmem>> -> memref<1x1x128xi32, #tpu.memory_space<vmem>>
      %dma_start3A_45 = tpu.memref_squeeze %dma_start3A_44 : memref<1x1x128xi32, #tpu.memory_space<vmem>> -> memref<128xi32, #tpu.memory_space<vmem>>
      %dma_start3A_46 = arith.constant 0 : i32
      %dma_start3A_47 = arith.constant 0 : i32
      %dma_start3A_48 = tpu.memref_slice %arg3[%dma_start3A_46, %dma_start3A_47] : memref<10000x128xf32, #tpu.memory_space<hbm>> -> memref<10000x128xf32, #tpu.memory_space<hbm>>
      tpu.enqueue_indirect_dma source(%dma_start3A_48 : memref<10000x128xf32, #tpu.memory_space<hbm>>) target(%dma_start3A_42 : memref<128x128xf32, #tpu.memory_space<vmem>>) offsets(%dma_start3A_45 : memref<128xi32, #tpu.memory_space<vmem>>) semaphore(%arg10 : memref<!tpu.dma_semaphore, #tpu.memory_space<semaphore_mem>>)
    } else {
    }
    %add3A_9 = arith.constant 32 : i32
    %add3A_10 = arith.addi %add3A, %add3A_9 : i32
    %lt3A_11 = arith.constant 2500 : i32
    %lt3A_12 = arith.cmpi slt, %add3A_10, %lt3A_11 : i32
    %convert_element_type3A_13 = arith.extui %lt3A_12 : i1 to i32
    %cond3A_14 = arith.constant 0 : i32
    %cond3A_15 = arith.cmpi ne, %convert_element_type3A_13, %cond3A_14 : i32
    scf.if %cond3A_15 {
      %run_scoped3A = arith.constant 1 : i32
      "tpu.region"() ({
        %run_scoped3A_49 = tpu.sem_alloc : memref<!tpu.dma_semaphore, #tpu.memory_space<semaphore_mem>>
        %dma_start3A_50 = arith.constant 0 : i32
        %dma_start3A_51 = arith.constant 0 : i32
        %dma_start3A_52 = tpu.memref_slice %arg7[%run_scoped3A, %dma_start3A_50, %dma_start3A_51] : memref<2x2x128xi32, #tpu.memory_space<vmem>> -> memref<1x2x128xi32, #tpu.memory_space<vmem>>
        %dma_start3A_53 = tpu.memref_squeeze %dma_start3A_52 : memref<1x2x128xi32, #tpu.memory_space<vmem>> -> memref<2x128xi32, #tpu.memory_space<vmem>>
        %dma_start3A_54 = arith.constant 0 : i32
        %dma_start3A_55 = arith.constant 0 : i32
        %dma_start3A_56 = tpu.memref_slice %arg2[%add3A_10, %dma_start3A_54, %dma_start3A_55] : memref<2500x2x128xi32, #tpu.memory_space<hbm>> -> memref<1x2x128xi32, #tpu.memory_space<hbm>>
        %dma_start3A_57 = tpu.memref_squeeze %dma_start3A_56 : memref<1x2x128xi32, #tpu.memory_space<hbm>> -> memref<2x128xi32, #tpu.memory_space<hbm>>
        %dma_start3A_58 = arith.constant 0 : i32
        %dma_start3A_59 = arith.constant 0 : i32
        %dma_start3A_60 = tpu.memref_slice %arg7[%run_scoped3A, %dma_start3A_58, %dma_start3A_59] : memref<2x2x128xi32, #tpu.memory_space<vmem>> -> memref<1x2x128xi32, #tpu.memory_space<vmem>>
        %dma_start3A_61 = tpu.memref_squeeze %dma_start3A_60 : memref<1x2x128xi32, #tpu.memory_space<vmem>> -> memref<2x128xi32, #tpu.memory_space<vmem>>
        %dma_start3A_62 = arith.constant 0 : i32
        %dma_start3A_63 = arith.constant 0 : i32
        %dma_start3A_64 = tpu.memref_slice %arg2[%add3A_10, %dma_start3A_62, %dma_start3A_63] : memref<2500x2x128xi32, #tpu.memory_space<hbm>> -> memref<1x2x128xi32, #tpu.memory_space<hbm>>
        %dma_start3A_65 = tpu.memref_squeeze %dma_start3A_64 : memref<1x2x128xi32, #tpu.memory_space<hbm>> -> memref<2x128xi32, #tpu.memory_space<hbm>>
        tpu.enqueue_dma source(%dma_start3A_65 : memref<2x128xi32, #tpu.memory_space<hbm>>) target(%dma_start3A_61 : memref<2x128xi32, #tpu.memory_space<vmem>>) target_semaphore(%run_scoped3A_49 : memref<!tpu.dma_semaphore, #tpu.memory_space<semaphore_mem>>)
        %dma_wait3A = arith.constant 0 : i32
        %dma_wait3A_66 = arith.constant 0 : i32
        %dma_wait3A_67 = tpu.memref_slice %arg7[%run_scoped3A, %dma_wait3A, %dma_wait3A_66] : memref<2x2x128xi32, #tpu.memory_space<vmem>> -> memref<1x2x128xi32, #tpu.memory_space<vmem>>
        %dma_wait3A_68 = tpu.memref_squeeze %dma_wait3A_67 : memref<1x2x128xi32, #tpu.memory_space<vmem>> -> memref<2x128xi32, #tpu.memory_space<vmem>>
        %dma_wait3A_69 = arith.constant 0 : i32
        %dma_wait3A_70 = arith.constant 0 : i32
        %dma_wait3A_71 = tpu.memref_slice %arg2[%add3A_10, %dma_wait3A_69, %dma_wait3A_70] : memref<2500x2x128xi32, #tpu.memory_space<hbm>> -> memref<1x2x128xi32, #tpu.memory_space<hbm>>
        %dma_wait3A_72 = tpu.memref_squeeze %dma_wait3A_71 : memref<1x2x128xi32, #tpu.memory_space<hbm>> -> memref<2x128xi32, #tpu.memory_space<hbm>>
        %dma_wait3A_73 = arith.constant 0 : i32
        %dma_wait3A_74 = arith.constant 0 : i32
        %dma_wait3A_75 = tpu.memref_slice %arg7[%run_scoped3A, %dma_wait3A_73, %dma_wait3A_74] : memref<2x2x128xi32, #tpu.memory_space<vmem>> -> memref<1x2x128xi32, #tpu.memory_space<vmem>>
        %dma_wait3A_76 = tpu.memref_squeeze %dma_wait3A_75 : memref<1x2x128xi32, #tpu.memory_space<vmem>> -> memref<2x128xi32, #tpu.memory_space<vmem>>
        %dma_wait3A_77 = arith.constant 0 : i32
        %dma_wait3A_78 = arith.constant 0 : i32
        %dma_wait3A_79 = tpu.memref_slice %arg2[%add3A_10, %dma_wait3A_77, %dma_wait3A_78] : memref<2500x2x128xi32, #tpu.memory_space<hbm>> -> memref<1x2x128xi32, #tpu.memory_space<hbm>>
        %dma_wait3A_80 = tpu.memref_squeeze %dma_wait3A_79 : memref<1x2x128xi32, #tpu.memory_space<hbm>> -> memref<2x128xi32, #tpu.memory_space<hbm>>
        tpu.wait_dma2 semaphore(%run_scoped3A_49 : memref<!tpu.dma_semaphore, #tpu.memory_space<semaphore_mem>>) src(%dma_wait3A_80 : memref<2x128xi32, #tpu.memory_space<hbm>>) dst(%dma_wait3A_76 : memref<2x128xi32, #tpu.memory_space<vmem>>)
        tpu.yield
      }) : () -> ()
      %dma_start3A = arith.constant 1 : i32
      %dma_start3A_37 = arith.constant 0 : i32
      %dma_start3A_38 = arith.constant 1 : i32
      %dma_start3A_39 = arith.constant 0 : i32
      %dma_start3A_40 = arith.constant 0 : i32
      %dma_start3A_41 = tpu.memref_slice %arg8[%dma_start3A_38, %dma_start3A_39, %dma_start3A_40] : memref<2x128x128xf32, #tpu.memory_space<vmem>> -> memref<1x128x128xf32, #tpu.memory_space<vmem>>
      %dma_start3A_42 = tpu.memref_squeeze %dma_start3A_41 : memref<1x128x128xf32, #tpu.memory_space<vmem>> -> memref<128x128xf32, #tpu.memory_space<vmem>>
      %dma_start3A_43 = arith.constant 0 : i32
      %dma_start3A_44 = tpu.memref_slice %arg7[%dma_start3A, %dma_start3A_37, %dma_start3A_43] : memref<2x2x128xi32, #tpu.memory_space<vmem>> -> memref<1x1x128xi32, #tpu.memory_space<vmem>>
      %dma_start3A_45 = tpu.memref_squeeze %dma_start3A_44 : memref<1x1x128xi32, #tpu.memory_space<vmem>> -> memref<128xi32, #tpu.memory_space<vmem>>
      %dma_start3A_46 = arith.constant 0 : i32
      %dma_start3A_47 = arith.constant 0 : i32
      %dma_start3A_48 = tpu.memref_slice %arg3[%dma_start3A_46, %dma_start3A_47] : memref<10000x128xf32, #tpu.memory_space<hbm>> -> memref<10000x128xf32, #tpu.memory_space<hbm>>
      tpu.enqueue_indirect_dma source(%dma_start3A_48 : memref<10000x128xf32, #tpu.memory_space<hbm>>) target(%dma_start3A_42 : memref<128x128xf32, #tpu.memory_space<vmem>>) offsets(%dma_start3A_45 : memref<128xi32, #tpu.memory_space<vmem>>) semaphore(%arg11 : memref<!tpu.dma_semaphore, #tpu.memory_space<semaphore_mem>>)
    } else {
    }
    %scan3A = arith.constant 0 : i32
    %scan3A_16 = arith.constant 0 : i32
    %scan3A_17 = arith.constant 40 : i32
    %scan3A_18 = arith.addi %scan3A_16, %scan3A_17 : i32
    %scan3A_19 = arith.constant 1 : i32
    scf.for %scan3A_37 = %scan3A_16 to %scan3A_18 step %scan3A_19  : i32 {
      %mul3A_38 = arith.constant 2 : i32
      %mul3A_39 = arith.muli %scan3A_37, %mul3A_38 : i32
      %add3A_40 = arith.constant 0 : i32
      %add3A_41 = arith.addi %mul3A_39, %add3A_40 : i32
      %mul3A_42 = arith.constant 32 : i32
      %mul3A_43 = arith.muli %mul3A_42, %add3A_41 : i32
      %add3A_44 = arith.addi %add3A, %mul3A_43 : i32
      %lt3A_45 = arith.constant 2500 : i32
      %lt3A_46 = arith.cmpi slt, %add3A_44, %lt3A_45 : i32
      %convert_element_type3A_47 = arith.extui %lt3A_46 : i1 to i32
      %cond3A_48 = arith.constant 0 : i32
      %cond3A_49 = arith.cmpi ne, %convert_element_type3A_47, %cond3A_48 : i32
      scf.if %cond3A_49 {
        %dma_wait3A = arith.constant 0 : i32
        %dma_wait3A_74 = arith.constant 0 : i32
        %dma_wait3A_75 = arith.constant 0 : i32
        %dma_wait3A_76 = arith.constant 0 : i32
        %dma_wait3A_77 = arith.constant 0 : i32
        %dma_wait3A_78 = tpu.memref_slice %arg8[%dma_wait3A_75, %dma_wait3A_76, %dma_wait3A_77] : memref<2x128x128xf32, #tpu.memory_space<vmem>> -> memref<1x128x128xf32, #tpu.memory_space<vmem>>
        %dma_wait3A_79 = tpu.memref_squeeze %dma_wait3A_78 : memref<1x128x128xf32, #tpu.memory_space<vmem>> -> memref<128x128xf32, #tpu.memory_space<vmem>>
        %dma_wait3A_80 = arith.constant 0 : i32
        %dma_wait3A_81 = tpu.memref_slice %arg7[%dma_wait3A, %dma_wait3A_74, %dma_wait3A_80] : memref<2x2x128xi32, #tpu.memory_space<vmem>> -> memref<1x1x128xi32, #tpu.memory_space<vmem>>
        %dma_wait3A_82 = tpu.memref_squeeze %dma_wait3A_81 : memref<1x1x128xi32, #tpu.memory_space<vmem>> -> memref<128xi32, #tpu.memory_space<vmem>>
        %dma_wait3A_83 = arith.constant 0 : i32
        %dma_wait3A_84 = arith.constant 0 : i32
        %dma_wait3A_85 = tpu.memref_slice %arg3[%dma_wait3A_83, %dma_wait3A_84] : memref<10000x128xf32, #tpu.memory_space<hbm>> -> memref<10000x128xf32, #tpu.memory_space<hbm>>
        tpu.wait_indirect_dma semaphore(%arg10 : memref<!tpu.dma_semaphore, #tpu.memory_space<semaphore_mem>>) src(%dma_wait3A_85 : memref<10000x128xf32, #tpu.memory_space<hbm>>) dst(%dma_wait3A_79 : memref<128x128xf32, #tpu.memory_space<vmem>>)
        %run_scoped3A = arith.constant 0 : i32
        %run_scoped3A_86 = arith.constant 0 : i32
        %run_scoped3A_87 = arith.constant 1 : i32
        "tpu.region"() ({
          %run_scoped3A_88 = tpu.sem_alloc : memref<!tpu.dma_semaphore, #tpu.memory_space<semaphore_mem>>
          %dma_start3A = arith.constant 0 : i32
          %dma_start3A_89 = arith.constant 0 : i32
          %dma_start3A_90 = tpu.memref_slice %arg8[%run_scoped3A, %dma_start3A, %dma_start3A_89] : memref<2x128x128xf32, #tpu.memory_space<vmem>> -> memref<1x128x128xf32, #tpu.memory_space<vmem>>
          %dma_start3A_91 = tpu.memref_squeeze %dma_start3A_90 : memref<1x128x128xf32, #tpu.memory_space<vmem>> -> memref<128x128xf32, #tpu.memory_space<vmem>>
          %dma_start3A_92 = arith.constant 0 : i32
          %dma_start3A_93 = tpu.memref_slice %arg7[%run_scoped3A_86, %run_scoped3A_87, %dma_start3A_92] : memref<2x2x128xi32, #tpu.memory_space<vmem>> -> memref<1x1x128xi32, #tpu.memory_space<vmem>>
          %dma_start3A_94 = tpu.memref_squeeze %dma_start3A_93 : memref<1x1x128xi32, #tpu.memory_space<vmem>> -> memref<128xi32, #tpu.memory_space<vmem>>
          %dma_start3A_95 = arith.constant 0 : i32
          %dma_start3A_96 = arith.constant 0 : i32
          %dma_start3A_97 = tpu.memref_slice %arg9[%dma_start3A_95, %dma_start3A_96] : memref<10112x128xf32, #tpu.memory_space<vmem_shared>> -> memref<10112x128xf32, #tpu.memory_space<vmem_shared>>
          tpu.enqueue_indirect_dma source(%dma_start3A_91 : memref<128x128xf32, #tpu.memory_space<vmem>>) target(%dma_start3A_97 : memref<10112x128xf32, #tpu.memory_space<vmem_shared>>) offsets(%dma_start3A_94 : memref<128xi32, #tpu.memory_space<vmem>>) semaphore(%run_scoped3A_88 : memref<!tpu.dma_semaphore, #tpu.memory_space<semaphore_mem>>) {add = true}
          %dma_wait3A_98 = arith.constant 0 : i32
          %dma_wait3A_99 = arith.constant 0 : i32
          %dma_wait3A_100 = tpu.memref_slice %arg8[%run_scoped3A, %dma_wait3A_98, %dma_wait3A_99] : memref<2x128x128xf32, #tpu.memory_space<vmem>> -> memref<1x128x128xf32, #tpu.memory_space<vmem>>
          %dma_wait3A_101 = tpu.memref_squeeze %dma_wait3A_100 : memref<1x128x128xf32, #tpu.memory_space<vmem>> -> memref<128x128xf32, #tpu.memory_space<vmem>>
          %dma_wait3A_102 = arith.constant 0 : i32
          %dma_wait3A_103 = tpu.memref_slice %arg7[%run_scoped3A_86, %run_scoped3A_87, %dma_wait3A_102] : memref<2x2x128xi32, #tpu.memory_space<vmem>> -> memref<1x1x128xi32, #tpu.memory_space<vmem>>
          %dma_wait3A_104 = tpu.memref_squeeze %dma_wait3A_103 : memref<1x1x128xi32, #tpu.memory_space<vmem>> -> memref<128xi32, #tpu.memory_space<vmem>>
          %dma_wait3A_105 = arith.constant 0 : i32
          %dma_wait3A_106 = arith.constant 0 : i32
          %dma_wait3A_107 = tpu.memref_slice %arg9[%dma_wait3A_105, %dma_wait3A_106] : memref<10112x128xf32, #tpu.memory_space<vmem_shared>> -> memref<10112x128xf32, #tpu.memory_space<vmem_shared>>
          tpu.wait_indirect_dma semaphore(%run_scoped3A_88 : memref<!tpu.dma_semaphore, #tpu.memory_space<semaphore_mem>>) src(%dma_wait3A_101 : memref<128x128xf32, #tpu.memory_space<vmem>>) dst(%dma_wait3A_107 : memref<10112x128xf32, #tpu.memory_space<vmem_shared>>)
          tpu.yield
        }) : () -> ()
      } else {
      }
      %add3A_50 = arith.constant 64 : i32
      %add3A_51 = arith.addi %add3A_44, %add3A_50 : i32
      %lt3A_52 = arith.constant 2500 : i32
      %lt3A_53 = arith.cmpi slt, %add3A_51, %lt3A_52 : i32
      %convert_element_type3A_54 = arith.extui %lt3A_53 : i1 to i32
      %cond3A_55 = arith.constant 0 : i32
      %cond3A_56 = arith.cmpi ne, %convert_element_type3A_54, %cond3A_55 : i32
      scf.if %cond3A_56 {
        %run_scoped3A = arith.constant 0 : i32
        "tpu.region"() ({
          %run_scoped3A_86 = tpu.sem_alloc : memref<!tpu.dma_semaphore, #tpu.memory_space<semaphore_mem>>
          %dma_start3A_87 = arith.constant 0 : i32
          %dma_start3A_88 = arith.constant 0 : i32
          %dma_start3A_89 = tpu.memref_slice %arg7[%run_scoped3A, %dma_start3A_87, %dma_start3A_88] : memref<2x2x128xi32, #tpu.memory_space<vmem>> -> memref<1x2x128xi32, #tpu.memory_space<vmem>>
          %dma_start3A_90 = tpu.memref_squeeze %dma_start3A_89 : memref<1x2x128xi32, #tpu.memory_space<vmem>> -> memref<2x128xi32, #tpu.memory_space<vmem>>
          %dma_start3A_91 = arith.constant 0 : i32
          %dma_start3A_92 = arith.constant 0 : i32
          %dma_start3A_93 = tpu.memref_slice %arg2[%add3A_51, %dma_start3A_91, %dma_start3A_92] : memref<2500x2x128xi32, #tpu.memory_space<hbm>> -> memref<1x2x128xi32, #tpu.memory_space<hbm>>
          %dma_start3A_94 = tpu.memref_squeeze %dma_start3A_93 : memref<1x2x128xi32, #tpu.memory_space<hbm>> -> memref<2x128xi32, #tpu.memory_space<hbm>>
          %dma_start3A_95 = arith.constant 0 : i32
          %dma_start3A_96 = arith.constant 0 : i32
          %dma_start3A_97 = tpu.memref_slice %arg7[%run_scoped3A, %dma_start3A_95, %dma_start3A_96] : memref<2x2x128xi32, #tpu.memory_space<vmem>> -> memref<1x2x128xi32, #tpu.memory_space<vmem>>
          %dma_start3A_98 = tpu.memref_squeeze %dma_start3A_97 : memref<1x2x128xi32, #tpu.memory_space<vmem>> -> memref<2x128xi32, #tpu.memory_space<vmem>>
          %dma_start3A_99 = arith.constant 0 : i32
          %dma_start3A_100 = arith.constant 0 : i32
          %dma_start3A_101 = tpu.memref_slice %arg2[%add3A_51, %dma_start3A_99, %dma_start3A_100] : memref<2500x2x128xi32, #tpu.memory_space<hbm>> -> memref<1x2x128xi32, #tpu.memory_space<hbm>>
          %dma_start3A_102 = tpu.memref_squeeze %dma_start3A_101 : memref<1x2x128xi32, #tpu.memory_space<hbm>> -> memref<2x128xi32, #tpu.memory_space<hbm>>
          tpu.enqueue_dma source(%dma_start3A_102 : memref<2x128xi32, #tpu.memory_space<hbm>>) target(%dma_start3A_98 : memref<2x128xi32, #tpu.memory_space<vmem>>) target_semaphore(%run_scoped3A_86 : memref<!tpu.dma_semaphore, #tpu.memory_space<semaphore_mem>>)
          %dma_wait3A = arith.constant 0 : i32
          %dma_wait3A_103 = arith.constant 0 : i32
          %dma_wait3A_104 = tpu.memref_slice %arg7[%run_scoped3A, %dma_wait3A, %dma_wait3A_103] : memref<2x2x128xi32, #tpu.memory_space<vmem>> -> memref<1x2x128xi32, #tpu.memory_space<vmem>>
          %dma_wait3A_105 = tpu.memref_squeeze %dma_wait3A_104 : memref<1x2x128xi32, #tpu.memory_space<vmem>> -> memref<2x128xi32, #tpu.memory_space<vmem>>
          %dma_wait3A_106 = arith.constant 0 : i32
          %dma_wait3A_107 = arith.constant 0 : i32
          %dma_wait3A_108 = tpu.memref_slice %arg2[%add3A_51, %dma_wait3A_106, %dma_wait3A_107] : memref<2500x2x128xi32, #tpu.memory_space<hbm>> -> memref<1x2x128xi32, #tpu.memory_space<hbm>>
          %dma_wait3A_109 = tpu.memref_squeeze %dma_wait3A_108 : memref<1x2x128xi32, #tpu.memory_space<hbm>> -> memref<2x128xi32, #tpu.memory_space<hbm>>
          %dma_wait3A_110 = arith.constant 0 : i32
          %dma_wait3A_111 = arith.constant 0 : i32
          %dma_wait3A_112 = tpu.memref_slice %arg7[%run_scoped3A, %dma_wait3A_110, %dma_wait3A_111] : memref<2x2x128xi32, #tpu.memory_space<vmem>> -> memref<1x2x128xi32, #tpu.memory_space<vmem>>
          %dma_wait3A_113 = tpu.memref_squeeze %dma_wait3A_112 : memref<1x2x128xi32, #tpu.memory_space<vmem>> -> memref<2x128xi32, #tpu.memory_space<vmem>>
          %dma_wait3A_114 = arith.constant 0 : i32
          %dma_wait3A_115 = arith.constant 0 : i32
          %dma_wait3A_116 = tpu.memref_slice %arg2[%add3A_51, %dma_wait3A_114, %dma_wait3A_115] : memref<2500x2x128xi32, #tpu.memory_space<hbm>> -> memref<1x2x128xi32, #tpu.memory_space<hbm>>
          %dma_wait3A_117 = tpu.memref_squeeze %dma_wait3A_116 : memref<1x2x128xi32, #tpu.memory_space<hbm>> -> memref<2x128xi32, #tpu.memory_space<hbm>>
          tpu.wait_dma2 semaphore(%run_scoped3A_86 : memref<!tpu.dma_semaphore, #tpu.memory_space<semaphore_mem>>) src(%dma_wait3A_117 : memref<2x128xi32, #tpu.memory_space<hbm>>) dst(%dma_wait3A_113 : memref<2x128xi32, #tpu.memory_space<vmem>>)
          tpu.yield
        }) : () -> ()
        %dma_start3A = arith.constant 0 : i32
        %dma_start3A_74 = arith.constant 0 : i32
        %dma_start3A_75 = arith.constant 0 : i32
        %dma_start3A_76 = arith.constant 0 : i32
        %dma_start3A_77 = arith.constant 0 : i32
        %dma_start3A_78 = tpu.memref_slice %arg8[%dma_start3A_75, %dma_start3A_76, %dma_start3A_77] : memref<2x128x128xf32, #tpu.memory_space<vmem>> -> memref<1x128x128xf32, #tpu.memory_space<vmem>>
        %dma_start3A_79 = tpu.memref_squeeze %dma_start3A_78 : memref<1x128x128xf32, #tpu.memory_space<vmem>> -> memref<128x128xf32, #tpu.memory_space<vmem>>
        %dma_start3A_80 = arith.constant 0 : i32
        %dma_start3A_81 = tpu.memref_slice %arg7[%dma_start3A, %dma_start3A_74, %dma_start3A_80] : memref<2x2x128xi32, #tpu.memory_space<vmem>> -> memref<1x1x128xi32, #tpu.memory_space<vmem>>
        %dma_start3A_82 = tpu.memref_squeeze %dma_start3A_81 : memref<1x1x128xi32, #tpu.memory_space<vmem>> -> memref<128xi32, #tpu.memory_space<vmem>>
        %dma_start3A_83 = arith.constant 0 : i32
        %dma_start3A_84 = arith.constant 0 : i32
        %dma_start3A_85 = tpu.memref_slice %arg3[%dma_start3A_83, %dma_start3A_84] : memref<10000x128xf32, #tpu.memory_space<hbm>> -> memref<10000x128xf32, #tpu.memory_space<hbm>>
        tpu.enqueue_indirect_dma source(%dma_start3A_85 : memref<10000x128xf32, #tpu.memory_space<hbm>>) target(%dma_start3A_79 : memref<128x128xf32, #tpu.memory_space<vmem>>) offsets(%dma_start3A_82 : memref<128xi32, #tpu.memory_space<vmem>>) semaphore(%arg10 : memref<!tpu.dma_semaphore, #tpu.memory_space<semaphore_mem>>)
      } else {
      }
      %add3A_57 = arith.constant 1 : i32
      %add3A_58 = arith.addi %mul3A_39, %add3A_57 : i32
      %mul3A_59 = arith.constant 32 : i32
      %mul3A_60 = arith.muli %mul3A_59, %add3A_58 : i32
      %add3A_61 = arith.addi %add3A, %mul3A_60 : i32
      %lt3A_62 = arith.constant 2500 : i32
      %lt3A_63 = arith.cmpi slt, %add3A_61, %lt3A_62 : i32
      %convert_element_type3A_64 = arith.extui %lt3A_63 : i1 to i32
      %cond3A_65 = arith.constant 0 : i32
      %cond3A_66 = arith.cmpi ne, %convert_element_type3A_64, %cond3A_65 : i32
      scf.if %cond3A_66 {
        %dma_wait3A = arith.constant 1 : i32
        %dma_wait3A_74 = arith.constant 0 : i32
        %dma_wait3A_75 = arith.constant 1 : i32
        %dma_wait3A_76 = arith.constant 0 : i32
        %dma_wait3A_77 = arith.constant 0 : i32
        %dma_wait3A_78 = tpu.memref_slice %arg8[%dma_wait3A_75, %dma_wait3A_76, %dma_wait3A_77] : memref<2x128x128xf32, #tpu.memory_space<vmem>> -> memref<1x128x128xf32, #tpu.memory_space<vmem>>
        %dma_wait3A_79 = tpu.memref_squeeze %dma_wait3A_78 : memref<1x128x128xf32, #tpu.memory_space<vmem>> -> memref<128x128xf32, #tpu.memory_space<vmem>>
        %dma_wait3A_80 = arith.constant 0 : i32
        %dma_wait3A_81 = tpu.memref_slice %arg7[%dma_wait3A, %dma_wait3A_74, %dma_wait3A_80] : memref<2x2x128xi32, #tpu.memory_space<vmem>> -> memref<1x1x128xi32, #tpu.memory_space<vmem>>
        %dma_wait3A_82 = tpu.memref_squeeze %dma_wait3A_81 : memref<1x1x128xi32, #tpu.memory_space<vmem>> -> memref<128xi32, #tpu.memory_space<vmem>>
        %dma_wait3A_83 = arith.constant 0 : i32
        %dma_wait3A_84 = arith.constant 0 : i32
        %dma_wait3A_85 = tpu.memref_slice %arg3[%dma_wait3A_83, %dma_wait3A_84] : memref<10000x128xf32, #tpu.memory_space<hbm>> -> memref<10000x128xf32, #tpu.memory_space<hbm>>
        tpu.wait_indirect_dma semaphore(%arg11 : memref<!tpu.dma_semaphore, #tpu.memory_space<semaphore_mem>>) src(%dma_wait3A_85 : memref<10000x128xf32, #tpu.memory_space<hbm>>) dst(%dma_wait3A_79 : memref<128x128xf32, #tpu.memory_space<vmem>>)
        %run_scoped3A = arith.constant 1 : i32
        %run_scoped3A_86 = arith.constant 1 : i32
        %run_scoped3A_87 = arith.constant 1 : i32
        "tpu.region"() ({
          %run_scoped3A_88 = tpu.sem_alloc : memref<!tpu.dma_semaphore, #tpu.memory_space<semaphore_mem>>
          %dma_start3A = arith.constant 0 : i32
          %dma_start3A_89 = arith.constant 0 : i32
          %dma_start3A_90 = tpu.memref_slice %arg8[%run_scoped3A, %dma_start3A, %dma_start3A_89] : memref<2x128x128xf32, #tpu.memory_space<vmem>> -> memref<1x128x128xf32, #tpu.memory_space<vmem>>
          %dma_start3A_91 = tpu.memref_squeeze %dma_start3A_90 : memref<1x128x128xf32, #tpu.memory_space<vmem>> -> memref<128x128xf32, #tpu.memory_space<vmem>>
          %dma_start3A_92 = arith.constant 0 : i32
          %dma_start3A_93 = tpu.memref_slice %arg7[%run_scoped3A_86, %run_scoped3A_87, %dma_start3A_92] : memref<2x2x128xi32, #tpu.memory_space<vmem>> -> memref<1x1x128xi32, #tpu.memory_space<vmem>>
          %dma_start3A_94 = tpu.memref_squeeze %dma_start3A_93 : memref<1x1x128xi32, #tpu.memory_space<vmem>> -> memref<128xi32, #tpu.memory_space<vmem>>
          %dma_start3A_95 = arith.constant 0 : i32
          %dma_start3A_96 = arith.constant 0 : i32
          %dma_start3A_97 = tpu.memref_slice %arg9[%dma_start3A_95, %dma_start3A_96] : memref<10112x128xf32, #tpu.memory_space<vmem_shared>> -> memref<10112x128xf32, #tpu.memory_space<vmem_shared>>
          tpu.enqueue_indirect_dma source(%dma_start3A_91 : memref<128x128xf32, #tpu.memory_space<vmem>>) target(%dma_start3A_97 : memref<10112x128xf32, #tpu.memory_space<vmem_shared>>) offsets(%dma_start3A_94 : memref<128xi32, #tpu.memory_space<vmem>>) semaphore(%run_scoped3A_88 : memref<!tpu.dma_semaphore, #tpu.memory_space<semaphore_mem>>) {add = true}
          %dma_wait3A_98 = arith.constant 0 : i32
          %dma_wait3A_99 = arith.constant 0 : i32
          %dma_wait3A_100 = tpu.memref_slice %arg8[%run_scoped3A, %dma_wait3A_98, %dma_wait3A_99] : memref<2x128x128xf32, #tpu.memory_space<vmem>> -> memref<1x128x128xf32, #tpu.memory_space<vmem>>
          %dma_wait3A_101 = tpu.memref_squeeze %dma_wait3A_100 : memref<1x128x128xf32, #tpu.memory_space<vmem>> -> memref<128x128xf32, #tpu.memory_space<vmem>>
          %dma_wait3A_102 = arith.constant 0 : i32
          %dma_wait3A_103 = tpu.memref_slice %arg7[%run_scoped3A_86, %run_scoped3A_87, %dma_wait3A_102] : memref<2x2x128xi32, #tpu.memory_space<vmem>> -> memref<1x1x128xi32, #tpu.memory_space<vmem>>
          %dma_wait3A_104 = tpu.memref_squeeze %dma_wait3A_103 : memref<1x1x128xi32, #tpu.memory_space<vmem>> -> memref<128xi32, #tpu.memory_space<vmem>>
          %dma_wait3A_105 = arith.constant 0 : i32
          %dma_wait3A_106 = arith.constant 0 : i32
          %dma_wait3A_107 = tpu.memref_slice %arg9[%dma_wait3A_105, %dma_wait3A_106] : memref<10112x128xf32, #tpu.memory_space<vmem_shared>> -> memref<10112x128xf32, #tpu.memory_space<vmem_shared>>
          tpu.wait_indirect_dma semaphore(%run_scoped3A_88 : memref<!tpu.dma_semaphore, #tpu.memory_space<semaphore_mem>>) src(%dma_wait3A_101 : memref<128x128xf32, #tpu.memory_space<vmem>>) dst(%dma_wait3A_107 : memref<10112x128xf32, #tpu.memory_space<vmem_shared>>)
          tpu.yield
        }) : () -> ()
      } else {
      }
      %add3A_67 = arith.constant 64 : i32
      %add3A_68 = arith.addi %add3A_61, %add3A_67 : i32
      %lt3A_69 = arith.constant 2500 : i32
      %lt3A_70 = arith.cmpi slt, %add3A_68, %lt3A_69 : i32
      %convert_element_type3A_71 = arith.extui %lt3A_70 : i1 to i32
      %cond3A_72 = arith.constant 0 : i32
      %cond3A_73 = arith.cmpi ne, %convert_element_type3A_71, %cond3A_72 : i32
      scf.if %cond3A_73 {
        %run_scoped3A = arith.constant 1 : i32
        "tpu.region"() ({
          %run_scoped3A_86 = tpu.sem_alloc : memref<!tpu.dma_semaphore, #tpu.memory_space<semaphore_mem>>
          %dma_start3A_87 = arith.constant 0 : i32
          %dma_start3A_88 = arith.constant 0 : i32
          %dma_start3A_89 = tpu.memref_slice %arg7[%run_scoped3A, %dma_start3A_87, %dma_start3A_88] : memref<2x2x128xi32, #tpu.memory_space<vmem>> -> memref<1x2x128xi32, #tpu.memory_space<vmem>>
          %dma_start3A_90 = tpu.memref_squeeze %dma_start3A_89 : memref<1x2x128xi32, #tpu.memory_space<vmem>> -> memref<2x128xi32, #tpu.memory_space<vmem>>
          %dma_start3A_91 = arith.constant 0 : i32
          %dma_start3A_92 = arith.constant 0 : i32
          %dma_start3A_93 = tpu.memref_slice %arg2[%add3A_68, %dma_start3A_91, %dma_start3A_92] : memref<2500x2x128xi32, #tpu.memory_space<hbm>> -> memref<1x2x128xi32, #tpu.memory_space<hbm>>
          %dma_start3A_94 = tpu.memref_squeeze %dma_start3A_93 : memref<1x2x128xi32, #tpu.memory_space<hbm>> -> memref<2x128xi32, #tpu.memory_space<hbm>>
          %dma_start3A_95 = arith.constant 0 : i32
          %dma_start3A_96 = arith.constant 0 : i32
          %dma_start3A_97 = tpu.memref_slice %arg7[%run_scoped3A, %dma_start3A_95, %dma_start3A_96] : memref<2x2x128xi32, #tpu.memory_space<vmem>> -> memref<1x2x128xi32, #tpu.memory_space<vmem>>
          %dma_start3A_98 = tpu.memref_squeeze %dma_start3A_97 : memref<1x2x128xi32, #tpu.memory_space<vmem>> -> memref<2x128xi32, #tpu.memory_space<vmem>>
          %dma_start3A_99 = arith.constant 0 : i32
          %dma_start3A_100 = arith.constant 0 : i32
          %dma_start3A_101 = tpu.memref_slice %arg2[%add3A_68, %dma_start3A_99, %dma_start3A_100] : memref<2500x2x128xi32, #tpu.memory_space<hbm>> -> memref<1x2x128xi32, #tpu.memory_space<hbm>>
          %dma_start3A_102 = tpu.memref_squeeze %dma_start3A_101 : memref<1x2x128xi32, #tpu.memory_space<hbm>> -> memref<2x128xi32, #tpu.memory_space<hbm>>
          tpu.enqueue_dma source(%dma_start3A_102 : memref<2x128xi32, #tpu.memory_space<hbm>>) target(%dma_start3A_98 : memref<2x128xi32, #tpu.memory_space<vmem>>) target_semaphore(%run_scoped3A_86 : memref<!tpu.dma_semaphore, #tpu.memory_space<semaphore_mem>>)
          %dma_wait3A = arith.constant 0 : i32
          %dma_wait3A_103 = arith.constant 0 : i32
          %dma_wait3A_104 = tpu.memref_slice %arg7[%run_scoped3A, %dma_wait3A, %dma_wait3A_103] : memref<2x2x128xi32, #tpu.memory_space<vmem>> -> memref<1x2x128xi32, #tpu.memory_space<vmem>>
          %dma_wait3A_105 = tpu.memref_squeeze %dma_wait3A_104 : memref<1x2x128xi32, #tpu.memory_space<vmem>> -> memref<2x128xi32, #tpu.memory_space<vmem>>
          %dma_wait3A_106 = arith.constant 0 : i32
          %dma_wait3A_107 = arith.constant 0 : i32
          %dma_wait3A_108 = tpu.memref_slice %arg2[%add3A_68, %dma_wait3A_106, %dma_wait3A_107] : memref<2500x2x128xi32, #tpu.memory_space<hbm>> -> memref<1x2x128xi32, #tpu.memory_space<hbm>>
          %dma_wait3A_109 = tpu.memref_squeeze %dma_wait3A_108 : memref<1x2x128xi32, #tpu.memory_space<hbm>> -> memref<2x128xi32, #tpu.memory_space<hbm>>
          %dma_wait3A_110 = arith.constant 0 : i32
          %dma_wait3A_111 = arith.constant 0 : i32
          %dma_wait3A_112 = tpu.memref_slice %arg7[%run_scoped3A, %dma_wait3A_110, %dma_wait3A_111] : memref<2x2x128xi32, #tpu.memory_space<vmem>> -> memref<1x2x128xi32, #tpu.memory_space<vmem>>
          %dma_wait3A_113 = tpu.memref_squeeze %dma_wait3A_112 : memref<1x2x128xi32, #tpu.memory_space<vmem>> -> memref<2x128xi32, #tpu.memory_space<vmem>>
          %dma_wait3A_114 = arith.constant 0 : i32
          %dma_wait3A_115 = arith.constant 0 : i32
          %dma_wait3A_116 = tpu.memref_slice %arg2[%add3A_68, %dma_wait3A_114, %dma_wait3A_115] : memref<2500x2x128xi32, #tpu.memory_space<hbm>> -> memref<1x2x128xi32, #tpu.memory_space<hbm>>
          %dma_wait3A_117 = tpu.memref_squeeze %dma_wait3A_116 : memref<1x2x128xi32, #tpu.memory_space<hbm>> -> memref<2x128xi32, #tpu.memory_space<hbm>>
          tpu.wait_dma2 semaphore(%run_scoped3A_86 : memref<!tpu.dma_semaphore, #tpu.memory_space<semaphore_mem>>) src(%dma_wait3A_117 : memref<2x128xi32, #tpu.memory_space<hbm>>) dst(%dma_wait3A_113 : memref<2x128xi32, #tpu.memory_space<vmem>>)
          tpu.yield
        }) : () -> ()
        %dma_start3A = arith.constant 1 : i32
        %dma_start3A_74 = arith.constant 0 : i32
        %dma_start3A_75 = arith.constant 1 : i32
        %dma_start3A_76 = arith.constant 0 : i32
        %dma_start3A_77 = arith.constant 0 : i32
        %dma_start3A_78 = tpu.memref_slice %arg8[%dma_start3A_75, %dma_start3A_76, %dma_start3A_77] : memref<2x128x128xf32, #tpu.memory_space<vmem>> -> memref<1x128x128xf32, #tpu.memory_space<vmem>>
        %dma_start3A_79 = tpu.memref_squeeze %dma_start3A_78 : memref<1x128x128xf32, #tpu.memory_space<vmem>> -> memref<128x128xf32, #tpu.memory_space<vmem>>
        %dma_start3A_80 = arith.constant 0 : i32
        %dma_start3A_81 = tpu.memref_slice %arg7[%dma_start3A, %dma_start3A_74, %dma_start3A_80] : memref<2x2x128xi32, #tpu.memory_space<vmem>> -> memref<1x1x128xi32, #tpu.memory_space<vmem>>
        %dma_start3A_82 = tpu.memref_squeeze %dma_start3A_81 : memref<1x1x128xi32, #tpu.memory_space<vmem>> -> memref<128xi32, #tpu.memory_space<vmem>>
        %dma_start3A_83 = arith.constant 0 : i32
        %dma_start3A_84 = arith.constant 0 : i32
        %dma_start3A_85 = tpu.memref_slice %arg3[%dma_start3A_83, %dma_start3A_84] : memref<10000x128xf32, #tpu.memory_space<hbm>> -> memref<10000x128xf32, #tpu.memory_space<hbm>>
        tpu.enqueue_indirect_dma source(%dma_start3A_85 : memref<10000x128xf32, #tpu.memory_space<hbm>>) target(%dma_start3A_79 : memref<128x128xf32, #tpu.memory_space<vmem>>) offsets(%dma_start3A_82 : memref<128xi32, #tpu.memory_space<vmem>>) semaphore(%arg11 : memref<!tpu.dma_semaphore, #tpu.memory_space<semaphore_mem>>)
      } else {
      }
    }
    %scan3A_20 = arith.constant 40 : i32
    %barrier3A_21 = arith.constant 0 : index
    tpu.barrier barrier_id(%barrier3A_21)
    %eq3A_22 = arith.constant 0 : i32
    %eq3A_23 = arith.cmpi eq, %arg1, %eq3A_22 : i32
    %eq3A_24 = arith.constant 0 : i32
    %eq3A_25 = arith.cmpi eq, %arg0, %eq3A_24 : i32
    %and3A = arith.andi %eq3A_23, %eq3A_25 : i1
    %convert_element_type3A_26 = arith.extui %and3A : i1 to i32
    %cond3A_27 = arith.constant 0 : i32
    %cond3A_28 = arith.cmpi ne, %convert_element_type3A_26, %cond3A_27 : i32
    scf.if %cond3A_28 {
      "tpu.region"() ({
        %run_scoped3A = tpu.sem_alloc : memref<!tpu.dma_semaphore, #tpu.memory_space<semaphore_mem>>
        tpu.enqueue_dma source(%arg9 : memref<10112x128xf32, #tpu.memory_space<vmem_shared>>) target(%arg5 : memref<10112x128xf32, #tpu.memory_space<hbm>>) target_semaphore(%run_scoped3A : memref<!tpu.dma_semaphore, #tpu.memory_space<semaphore_mem>>)
        tpu.wait_dma2 semaphore(%run_scoped3A : memref<!tpu.dma_semaphore, #tpu.memory_space<semaphore_mem>>) src(%arg9 : memref<10112x128xf32, #tpu.memory_space<vmem_shared>>) dst(%arg5 : memref<10112x128xf32, #tpu.memory_space<hbm>>)
        tpu.yield
      }) : () -> ()
    } else {
    }
    %eq3A_29 = arith.constant 0 : i32
    %eq3A_30 = arith.cmpi eq, %arg1, %eq3A_29 : i32
    %eq3A_31 = arith.constant 1 : i32
    %eq3A_32 = arith.cmpi eq, %arg0, %eq3A_31 : i32
    %and3A_33 = arith.andi %eq3A_30, %eq3A_32 : i1
    %convert_element_type3A_34 = arith.extui %and3A_33 : i1 to i32
    %cond3A_35 = arith.constant 0 : i32
    %cond3A_36 = arith.cmpi ne, %convert_element_type3A_34, %cond3A_35 : i32
    scf.if %cond3A_36 {
      "tpu.region"() ({
        %run_scoped3A = tpu.sem_alloc : memref<!tpu.dma_semaphore, #tpu.memory_space<semaphore_mem>>
        tpu.enqueue_dma source(%arg9 : memref<10112x128xf32, #tpu.memory_space<vmem_shared>>) target(%arg6 : memref<10112x128xf32, #tpu.memory_space<hbm>>) target_semaphore(%run_scoped3A : memref<!tpu.dma_semaphore, #tpu.memory_space<semaphore_mem>>)
        tpu.wait_dma2 semaphore(%run_scoped3A : memref<!tpu.dma_semaphore, #tpu.memory_space<semaphore_mem>>) src(%arg9 : memref<10112x128xf32, #tpu.memory_space<vmem_shared>>) dst(%arg6 : memref<10112x128xf32, #tpu.memory_space<hbm>>)
        tpu.yield
      }) : () -> ()
    } else {
    }
    return
  }
}

#map = affine_map<(d0, d1) -> (0, 0)>
#map1 = affine_map<(d0, d1) -> (0)>
module attributes {stable_mosaic.version = 14 : i64} {
  func.func @body(%arg0: i32, %arg1: i32, %arg2: memref<2500x128xi32, #tpu.memory_space<hbm>>, %arg3: memref<10112xf32, #tpu.memory_space<hbm>>, %arg4: memref<10112xf32, #tpu.memory_space<hbm>>, %arg5: memref<10112xf32, #tpu.memory_space<hbm>>, %arg6: memref<2x1x128xi32, #tpu.memory_space<vmem>>, %arg7: memref<128xf32, #tpu.memory_space<vmem>>, %arg8: memref<10112xf32, #tpu.memory_space<vmem_shared>>, %arg9: memref<!tpu.dma_semaphore, #tpu.memory_space<semaphore_mem>>, %arg10: memref<!tpu.dma_semaphore, #tpu.memory_space<semaphore_mem>>) attributes {dimension_semantics = [#tpu.dimension_semantics<core_parallel>, #tpu.dimension_semantics<subcore_parallel>], iteration_bounds = array<i64: 2, 16>, scalar_prefetch = 0 : i64, scratch_operands = 5 : i64, tpu.core_type = #tpu.core_type<sc_vector_subcore>, window_params = [{transform_indices = #map}, {transform_indices = #map1}, {transform_indices = #map1}, {transform_indices = #map1}]} {
    %mul3A = arith.constant 2 : i32
    %mul3A_0 = arith.muli %arg1, %mul3A : i32
    %add3A = arith.addi %mul3A_0, %arg0 : i32
    %broadcast_in_dim3A = arith.constant 1.000000e+00 : f32
    %broadcast_in_dim3A_1 = vector.broadcast %broadcast_in_dim3A : f32 to vector<16xf32>
    %swap3A = arith.constant 0 : index
    %swap3A_2 = tpu.vector_load %arg7[%swap3A] {strides = array<i32>} : memref<128xf32, #tpu.memory_space<vmem>>, vector<16xf32>,
    %swap3A_3 = vector.shape_cast %swap3A_2 : vector<16xf32> to vector<16xf32>
    %swap3A_4 = vector.shape_cast %broadcast_in_dim3A_1 : vector<16xf32> to vector<16xf32>
    tpu.vector_store %arg7[%swap3A], %swap3A_4 {strides = array<i32>} : memref<128xf32, #tpu.memory_space<vmem>>, vector<16xf32>,
    %broadcast_in_dim3A_5 = arith.constant 1.000000e+00 : f32
    %broadcast_in_dim3A_6 = vector.broadcast %broadcast_in_dim3A_5 : f32 to vector<16xf32>
    %swap3A_7 = arith.constant 16 : index
    %swap3A_8 = tpu.vector_load %arg7[%swap3A_7] {strides = array<i32>} : memref<128xf32, #tpu.memory_space<vmem>>, vector<16xf32>,
    %swap3A_9 = vector.shape_cast %swap3A_8 : vector<16xf32> to vector<16xf32>
    %swap3A_10 = vector.shape_cast %broadcast_in_dim3A_6 : vector<16xf32> to vector<16xf32>
    tpu.vector_store %arg7[%swap3A_7], %swap3A_10 {strides = array<i32>} : memref<128xf32, #tpu.memory_space<vmem>>, vector<16xf32>,
    %broadcast_in_dim3A_11 = arith.constant 1.000000e+00 : f32
    %broadcast_in_dim3A_12 = vector.broadcast %broadcast_in_dim3A_11 : f32 to vector<16xf32>
    %swap3A_13 = arith.constant 32 : index
    %swap3A_14 = tpu.vector_load %arg7[%swap3A_13] {strides = array<i32>} : memref<128xf32, #tpu.memory_space<vmem>>, vector<16xf32>,
    %swap3A_15 = vector.shape_cast %swap3A_14 : vector<16xf32> to vector<16xf32>
    %swap3A_16 = vector.shape_cast %broadcast_in_dim3A_12 : vector<16xf32> to vector<16xf32>
    tpu.vector_store %arg7[%swap3A_13], %swap3A_16 {strides = array<i32>} : memref<128xf32, #tpu.memory_space<vmem>>, vector<16xf32>,
    %broadcast_in_dim3A_17 = arith.constant 1.000000e+00 : f32
    %broadcast_in_dim3A_18 = vector.broadcast %broadcast_in_dim3A_17 : f32 to vector<16xf32>
    %swap3A_19 = arith.constant 48 : index
    %swap3A_20 = tpu.vector_load %arg7[%swap3A_19] {strides = array<i32>} : memref<128xf32, #tpu.memory_space<vmem>>, vector<16xf32>,
    %swap3A_21 = vector.shape_cast %swap3A_20 : vector<16xf32> to vector<16xf32>
    %swap3A_22 = vector.shape_cast %broadcast_in_dim3A_18 : vector<16xf32> to vector<16xf32>
    tpu.vector_store %arg7[%swap3A_19], %swap3A_22 {strides = array<i32>} : memref<128xf32, #tpu.memory_space<vmem>>, vector<16xf32>,
    %broadcast_in_dim3A_23 = arith.constant 1.000000e+00 : f32
    %broadcast_in_dim3A_24 = vector.broadcast %broadcast_in_dim3A_23 : f32 to vector<16xf32>
    %swap3A_25 = arith.constant 64 : index
    %swap3A_26 = tpu.vector_load %arg7[%swap3A_25] {strides = array<i32>} : memref<128xf32, #tpu.memory_space<vmem>>, vector<16xf32>,
    %swap3A_27 = vector.shape_cast %swap3A_26 : vector<16xf32> to vector<16xf32>
    %swap3A_28 = vector.shape_cast %broadcast_in_dim3A_24 : vector<16xf32> to vector<16xf32>
    tpu.vector_store %arg7[%swap3A_25], %swap3A_28 {strides = array<i32>} : memref<128xf32, #tpu.memory_space<vmem>>, vector<16xf32>,
    %broadcast_in_dim3A_29 = arith.constant 1.000000e+00 : f32
    %broadcast_in_dim3A_30 = vector.broadcast %broadcast_in_dim3A_29 : f32 to vector<16xf32>
    %swap3A_31 = arith.constant 80 : index
    %swap3A_32 = tpu.vector_load %arg7[%swap3A_31] {strides = array<i32>} : memref<128xf32, #tpu.memory_space<vmem>>, vector<16xf32>,
    %swap3A_33 = vector.shape_cast %swap3A_32 : vector<16xf32> to vector<16xf32>
    %swap3A_34 = vector.shape_cast %broadcast_in_dim3A_30 : vector<16xf32> to vector<16xf32>
    tpu.vector_store %arg7[%swap3A_31], %swap3A_34 {strides = array<i32>} : memref<128xf32, #tpu.memory_space<vmem>>, vector<16xf32>,
    %broadcast_in_dim3A_35 = arith.constant 1.000000e+00 : f32
    %broadcast_in_dim3A_36 = vector.broadcast %broadcast_in_dim3A_35 : f32 to vector<16xf32>
    %swap3A_37 = arith.constant 96 : index
    %swap3A_38 = tpu.vector_load %arg7[%swap3A_37] {strides = array<i32>} : memref<128xf32, #tpu.memory_space<vmem>>, vector<16xf32>,
    %swap3A_39 = vector.shape_cast %swap3A_38 : vector<16xf32> to vector<16xf32>
    %swap3A_40 = vector.shape_cast %broadcast_in_dim3A_36 : vector<16xf32> to vector<16xf32>
    tpu.vector_store %arg7[%swap3A_37], %swap3A_40 {strides = array<i32>} : memref<128xf32, #tpu.memory_space<vmem>>, vector<16xf32>,
    %broadcast_in_dim3A_41 = arith.constant 1.000000e+00 : f32
    %broadcast_in_dim3A_42 = vector.broadcast %broadcast_in_dim3A_41 : f32 to vector<16xf32>
    %swap3A_43 = arith.constant 112 : index
    %swap3A_44 = tpu.vector_load %arg7[%swap3A_43] {strides = array<i32>} : memref<128xf32, #tpu.memory_space<vmem>>, vector<16xf32>,
    %swap3A_45 = vector.shape_cast %swap3A_44 : vector<16xf32> to vector<16xf32>
    %swap3A_46 = vector.shape_cast %broadcast_in_dim3A_42 : vector<16xf32> to vector<16xf32>
    tpu.vector_store %arg7[%swap3A_43], %swap3A_46 {strides = array<i32>} : memref<128xf32, #tpu.memory_space<vmem>>, vector<16xf32>,
    %eq3A = arith.constant 0 : i32
    %eq3A_47 = arith.cmpi eq, %arg1, %eq3A : i32
    %convert_element_type3A = arith.extui %eq3A_47 : i1 to i32
    %cond3A = arith.constant 0 : i32
    %cond3A_48 = arith.cmpi ne, %convert_element_type3A, %cond3A : i32
    scf.if %cond3A_48 {
      "tpu.region"() ({
        %run_scoped3A = tpu.sem_alloc : memref<!tpu.dma_semaphore, #tpu.memory_space<semaphore_mem>>
        tpu.enqueue_dma source(%arg3 : memref<10112xf32, #tpu.memory_space<hbm>>) target(%arg8 : memref<10112xf32, #tpu.memory_space<vmem_shared>>) target_semaphore(%run_scoped3A : memref<!tpu.dma_semaphore, #tpu.memory_space<semaphore_mem>>)
        tpu.wait_dma2 semaphore(%run_scoped3A : memref<!tpu.dma_semaphore, #tpu.memory_space<semaphore_mem>>) src(%arg3 : memref<10112xf32, #tpu.memory_space<hbm>>) dst(%arg8 : memref<10112xf32, #tpu.memory_space<vmem_shared>>)
        tpu.yield
      }) : () -> ()
    } else {
    }
    %barrier3A = arith.constant 0 : index
    tpu.barrier barrier_id(%barrier3A)
    %add3A_49 = arith.constant 0 : i32
    %add3A_50 = arith.addi %add3A, %add3A_49 : i32
    %lt3A = arith.constant 2500 : i32
    %lt3A_51 = arith.cmpi slt, %add3A_50, %lt3A : i32
    %convert_element_type3A_52 = arith.extui %lt3A_51 : i1 to i32
    %cond3A_53 = arith.constant 0 : i32
    %cond3A_54 = arith.cmpi ne, %convert_element_type3A_52, %cond3A_53 : i32
    scf.if %cond3A_54 {
      %dma_start3A = arith.constant 0 : i32
      %dma_start3A_83 = arith.constant 0 : i32
      %dma_start3A_84 = arith.constant 0 : i32
      %dma_start3A_85 = tpu.memref_slice %arg6[%dma_start3A, %dma_start3A_83, %dma_start3A_84] : memref<2x1x128xi32, #tpu.memory_space<vmem>> -> memref<1x1x128xi32, #tpu.memory_space<vmem>>
      %dma_start3A_86 = tpu.memref_squeeze %dma_start3A_85 : memref<1x1x128xi32, #tpu.memory_space<vmem>> -> memref<128xi32, #tpu.memory_space<vmem>>
      %dma_start3A_87 = arith.constant 0 : i32
      %dma_start3A_88 = tpu.memref_slice %arg2[%add3A_50, %dma_start3A_87] : memref<2500x128xi32, #tpu.memory_space<hbm>> -> memref<1x128xi32, #tpu.memory_space<hbm>>
      %dma_start3A_89 = tpu.memref_squeeze %dma_start3A_88 : memref<1x128xi32, #tpu.memory_space<hbm>> -> memref<128xi32, #tpu.memory_space<hbm>>
      %dma_start3A_90 = arith.constant 0 : i32
      %dma_start3A_91 = tpu.memref_slice %arg6[%dma_start3A, %dma_start3A_83, %dma_start3A_90] : memref<2x1x128xi32, #tpu.memory_space<vmem>> -> memref<1x1x128xi32, #tpu.memory_space<vmem>>
      %dma_start3A_92 = tpu.memref_squeeze %dma_start3A_91 : memref<1x1x128xi32, #tpu.memory_space<vmem>> -> memref<128xi32, #tpu.memory_space<vmem>>
      %dma_start3A_93 = arith.constant 0 : i32
      %dma_start3A_94 = tpu.memref_slice %arg2[%add3A_50, %dma_start3A_93] : memref<2500x128xi32, #tpu.memory_space<hbm>> -> memref<1x128xi32, #tpu.memory_space<hbm>>
      %dma_start3A_95 = tpu.memref_squeeze %dma_start3A_94 : memref<1x128xi32, #tpu.memory_space<hbm>> -> memref<128xi32, #tpu.memory_space<hbm>>
      tpu.enqueue_dma source(%dma_start3A_95 : memref<128xi32, #tpu.memory_space<hbm>>) target(%dma_start3A_92 : memref<128xi32, #tpu.memory_space<vmem>>) target_semaphore(%arg9 : memref<!tpu.dma_semaphore, #tpu.memory_space<semaphore_mem>>)
    } else {
    }
    %add3A_55 = arith.constant 32 : i32
    %add3A_56 = arith.addi %add3A, %add3A_55 : i32
    %lt3A_57 = arith.constant 2500 : i32
    %lt3A_58 = arith.cmpi slt, %add3A_56, %lt3A_57 : i32
    %convert_element_type3A_59 = arith.extui %lt3A_58 : i1 to i32
    %cond3A_60 = arith.constant 0 : i32
    %cond3A_61 = arith.cmpi ne, %convert_element_type3A_59, %cond3A_60 : i32
    scf.if %cond3A_61 {
      %dma_start3A = arith.constant 1 : i32
      %dma_start3A_83 = arith.constant 0 : i32
      %dma_start3A_84 = arith.constant 0 : i32
      %dma_start3A_85 = tpu.memref_slice %arg6[%dma_start3A, %dma_start3A_83, %dma_start3A_84] : memref<2x1x128xi32, #tpu.memory_space<vmem>> -> memref<1x1x128xi32, #tpu.memory_space<vmem>>
      %dma_start3A_86 = tpu.memref_squeeze %dma_start3A_85 : memref<1x1x128xi32, #tpu.memory_space<vmem>> -> memref<128xi32, #tpu.memory_space<vmem>>
      %dma_start3A_87 = arith.constant 0 : i32
      %dma_start3A_88 = tpu.memref_slice %arg2[%add3A_56, %dma_start3A_87] : memref<2500x128xi32, #tpu.memory_space<hbm>> -> memref<1x128xi32, #tpu.memory_space<hbm>>
      %dma_start3A_89 = tpu.memref_squeeze %dma_start3A_88 : memref<1x128xi32, #tpu.memory_space<hbm>> -> memref<128xi32, #tpu.memory_space<hbm>>
      %dma_start3A_90 = arith.constant 0 : i32
      %dma_start3A_91 = tpu.memref_slice %arg6[%dma_start3A, %dma_start3A_83, %dma_start3A_90] : memref<2x1x128xi32, #tpu.memory_space<vmem>> -> memref<1x1x128xi32, #tpu.memory_space<vmem>>
      %dma_start3A_92 = tpu.memref_squeeze %dma_start3A_91 : memref<1x1x128xi32, #tpu.memory_space<vmem>> -> memref<128xi32, #tpu.memory_space<vmem>>
      %dma_start3A_93 = arith.constant 0 : i32
      %dma_start3A_94 = tpu.memref_slice %arg2[%add3A_56, %dma_start3A_93] : memref<2500x128xi32, #tpu.memory_space<hbm>> -> memref<1x128xi32, #tpu.memory_space<hbm>>
      %dma_start3A_95 = tpu.memref_squeeze %dma_start3A_94 : memref<1x128xi32, #tpu.memory_space<hbm>> -> memref<128xi32, #tpu.memory_space<hbm>>
      tpu.enqueue_dma source(%dma_start3A_95 : memref<128xi32, #tpu.memory_space<hbm>>) target(%dma_start3A_92 : memref<128xi32, #tpu.memory_space<vmem>>) target_semaphore(%arg10 : memref<!tpu.dma_semaphore, #tpu.memory_space<semaphore_mem>>)
    } else {
    }
    %scan3A = arith.constant 0 : i32
    %scan3A_62 = arith.constant 0 : i32
    %scan3A_63 = arith.constant 40 : i32
    %scan3A_64 = arith.addi %scan3A_62, %scan3A_63 : i32
    %scan3A_65 = arith.constant 1 : i32
    scf.for %scan3A_83 = %scan3A_62 to %scan3A_64 step %scan3A_65  : i32 {
      %mul3A_84 = arith.constant 2 : i32
      %mul3A_85 = arith.muli %scan3A_83, %mul3A_84 : i32
      %add3A_86 = arith.constant 0 : i32
      %add3A_87 = arith.addi %mul3A_85, %add3A_86 : i32
      %mul3A_88 = arith.constant 32 : i32
      %mul3A_89 = arith.muli %mul3A_88, %add3A_87 : i32
      %add3A_90 = arith.addi %add3A, %mul3A_89 : i32
      %lt3A_91 = arith.constant 2500 : i32
      %lt3A_92 = arith.cmpi slt, %add3A_90, %lt3A_91 : i32
      %convert_element_type3A_93 = arith.extui %lt3A_92 : i1 to i32
      %cond3A_94 = arith.constant 0 : i32
      %cond3A_95 = arith.cmpi ne, %convert_element_type3A_93, %cond3A_94 : i32
      scf.if %cond3A_95 {
        %dma_wait3A = arith.constant 0 : i32
        %dma_wait3A_120 = arith.constant 0 : i32
        %dma_wait3A_121 = arith.constant 0 : i32
        %dma_wait3A_122 = tpu.memref_slice %arg6[%dma_wait3A, %dma_wait3A_120, %dma_wait3A_121] : memref<2x1x128xi32, #tpu.memory_space<vmem>> -> memref<1x1x128xi32, #tpu.memory_space<vmem>>
        %dma_wait3A_123 = tpu.memref_squeeze %dma_wait3A_122 : memref<1x1x128xi32, #tpu.memory_space<vmem>> -> memref<128xi32, #tpu.memory_space<vmem>>
        %dma_wait3A_124 = arith.constant 0 : i32
        %dma_wait3A_125 = tpu.memref_slice %arg2[%add3A_90, %dma_wait3A_124] : memref<2500x128xi32, #tpu.memory_space<hbm>> -> memref<1x128xi32, #tpu.memory_space<hbm>>
        %dma_wait3A_126 = tpu.memref_squeeze %dma_wait3A_125 : memref<1x128xi32, #tpu.memory_space<hbm>> -> memref<128xi32, #tpu.memory_space<hbm>>
        %dma_wait3A_127 = arith.constant 0 : i32
        %dma_wait3A_128 = tpu.memref_slice %arg6[%dma_wait3A, %dma_wait3A_120, %dma_wait3A_127] : memref<2x1x128xi32, #tpu.memory_space<vmem>> -> memref<1x1x128xi32, #tpu.memory_space<vmem>>
        %dma_wait3A_129 = tpu.memref_squeeze %dma_wait3A_128 : memref<1x1x128xi32, #tpu.memory_space<vmem>> -> memref<128xi32, #tpu.memory_space<vmem>>
        %dma_wait3A_130 = arith.constant 0 : i32
        %dma_wait3A_131 = tpu.memref_slice %arg2[%add3A_90, %dma_wait3A_130] : memref<2500x128xi32, #tpu.memory_space<hbm>> -> memref<1x128xi32, #tpu.memory_space<hbm>>
        %dma_wait3A_132 = tpu.memref_squeeze %dma_wait3A_131 : memref<1x128xi32, #tpu.memory_space<hbm>> -> memref<128xi32, #tpu.memory_space<hbm>>
        tpu.wait_dma2 semaphore(%arg9 : memref<!tpu.dma_semaphore, #tpu.memory_space<semaphore_mem>>) src(%dma_wait3A_132 : memref<128xi32, #tpu.memory_space<hbm>>) dst(%dma_wait3A_129 : memref<128xi32, #tpu.memory_space<vmem>>)
        %run_scoped3A = arith.constant 0 : i32
        %run_scoped3A_133 = arith.constant 0 : i32
        "tpu.region"() ({
          %run_scoped3A_134 = tpu.sem_alloc : memref<!tpu.dma_semaphore, #tpu.memory_space<semaphore_mem>>
          %dma_start3A = arith.constant 0 : i32
          %dma_start3A_135 = tpu.memref_slice %arg6[%run_scoped3A, %run_scoped3A_133, %dma_start3A] : memref<2x1x128xi32, #tpu.memory_space<vmem>> -> memref<1x1x128xi32, #tpu.memory_space<vmem>>
          %dma_start3A_136 = tpu.memref_squeeze %dma_start3A_135 : memref<1x1x128xi32, #tpu.memory_space<vmem>> -> memref<128xi32, #tpu.memory_space<vmem>>
          %dma_start3A_137 = arith.constant 0 : i32
          %dma_start3A_138 = tpu.memref_slice %arg8[%dma_start3A_137] : memref<10112xf32, #tpu.memory_space<vmem_shared>> -> memref<10112xf32, #tpu.memory_space<vmem_shared>>
          tpu.enqueue_indirect_dma source(%arg7 : memref<128xf32, #tpu.memory_space<vmem>>) target(%dma_start3A_138 : memref<10112xf32, #tpu.memory_space<vmem_shared>>) offsets(%dma_start3A_136 : memref<128xi32, #tpu.memory_space<vmem>>) semaphore(%run_scoped3A_134 : memref<!tpu.dma_semaphore, #tpu.memory_space<semaphore_mem>>) {add = true}
          %dma_wait3A_139 = arith.constant 0 : i32
          %dma_wait3A_140 = tpu.memref_slice %arg6[%run_scoped3A, %run_scoped3A_133, %dma_wait3A_139] : memref<2x1x128xi32, #tpu.memory_space<vmem>> -> memref<1x1x128xi32, #tpu.memory_space<vmem>>
          %dma_wait3A_141 = tpu.memref_squeeze %dma_wait3A_140 : memref<1x1x128xi32, #tpu.memory_space<vmem>> -> memref<128xi32, #tpu.memory_space<vmem>>
          %dma_wait3A_142 = arith.constant 0 : i32
          %dma_wait3A_143 = tpu.memref_slice %arg8[%dma_wait3A_142] : memref<10112xf32, #tpu.memory_space<vmem_shared>> -> memref<10112xf32, #tpu.memory_space<vmem_shared>>
          tpu.wait_indirect_dma semaphore(%run_scoped3A_134 : memref<!tpu.dma_semaphore, #tpu.memory_space<semaphore_mem>>) src(%arg7 : memref<128xf32, #tpu.memory_space<vmem>>) dst(%dma_wait3A_143 : memref<10112xf32, #tpu.memory_space<vmem_shared>>)
          tpu.yield
        }) : () -> ()
      } else {
      }
      %add3A_96 = arith.constant 64 : i32
      %add3A_97 = arith.addi %add3A_90, %add3A_96 : i32
      %lt3A_98 = arith.constant 2500 : i32
      %lt3A_99 = arith.cmpi slt, %add3A_97, %lt3A_98 : i32
      %convert_element_type3A_100 = arith.extui %lt3A_99 : i1 to i32
      %cond3A_101 = arith.constant 0 : i32
      %cond3A_102 = arith.cmpi ne, %convert_element_type3A_100, %cond3A_101 : i32
      scf.if %cond3A_102 {
        %dma_start3A = arith.constant 0 : i32
        %dma_start3A_120 = arith.constant 0 : i32
        %dma_start3A_121 = arith.constant 0 : i32
        %dma_start3A_122 = tpu.memref_slice %arg6[%dma_start3A, %dma_start3A_120, %dma_start3A_121] : memref<2x1x128xi32, #tpu.memory_space<vmem>> -> memref<1x1x128xi32, #tpu.memory_space<vmem>>
        %dma_start3A_123 = tpu.memref_squeeze %dma_start3A_122 : memref<1x1x128xi32, #tpu.memory_space<vmem>> -> memref<128xi32, #tpu.memory_space<vmem>>
        %dma_start3A_124 = arith.constant 0 : i32
        %dma_start3A_125 = tpu.memref_slice %arg2[%add3A_97, %dma_start3A_124] : memref<2500x128xi32, #tpu.memory_space<hbm>> -> memref<1x128xi32, #tpu.memory_space<hbm>>
        %dma_start3A_126 = tpu.memref_squeeze %dma_start3A_125 : memref<1x128xi32, #tpu.memory_space<hbm>> -> memref<128xi32, #tpu.memory_space<hbm>>
        %dma_start3A_127 = arith.constant 0 : i32
        %dma_start3A_128 = tpu.memref_slice %arg6[%dma_start3A, %dma_start3A_120, %dma_start3A_127] : memref<2x1x128xi32, #tpu.memory_space<vmem>> -> memref<1x1x128xi32, #tpu.memory_space<vmem>>
        %dma_start3A_129 = tpu.memref_squeeze %dma_start3A_128 : memref<1x1x128xi32, #tpu.memory_space<vmem>> -> memref<128xi32, #tpu.memory_space<vmem>>
        %dma_start3A_130 = arith.constant 0 : i32
        %dma_start3A_131 = tpu.memref_slice %arg2[%add3A_97, %dma_start3A_130] : memref<2500x128xi32, #tpu.memory_space<hbm>> -> memref<1x128xi32, #tpu.memory_space<hbm>>
        %dma_start3A_132 = tpu.memref_squeeze %dma_start3A_131 : memref<1x128xi32, #tpu.memory_space<hbm>> -> memref<128xi32, #tpu.memory_space<hbm>>
        tpu.enqueue_dma source(%dma_start3A_132 : memref<128xi32, #tpu.memory_space<hbm>>) target(%dma_start3A_129 : memref<128xi32, #tpu.memory_space<vmem>>) target_semaphore(%arg9 : memref<!tpu.dma_semaphore, #tpu.memory_space<semaphore_mem>>)
      } else {
      }
      %add3A_103 = arith.constant 1 : i32
      %add3A_104 = arith.addi %mul3A_85, %add3A_103 : i32
      %mul3A_105 = arith.constant 32 : i32
      %mul3A_106 = arith.muli %mul3A_105, %add3A_104 : i32
      %add3A_107 = arith.addi %add3A, %mul3A_106 : i32
      %lt3A_108 = arith.constant 2500 : i32
      %lt3A_109 = arith.cmpi slt, %add3A_107, %lt3A_108 : i32
      %convert_element_type3A_110 = arith.extui %lt3A_109 : i1 to i32
      %cond3A_111 = arith.constant 0 : i32
      %cond3A_112 = arith.cmpi ne, %convert_element_type3A_110, %cond3A_111 : i32
      scf.if %cond3A_112 {
        %dma_wait3A = arith.constant 1 : i32
        %dma_wait3A_120 = arith.constant 0 : i32
        %dma_wait3A_121 = arith.constant 0 : i32
        %dma_wait3A_122 = tpu.memref_slice %arg6[%dma_wait3A, %dma_wait3A_120, %dma_wait3A_121] : memref<2x1x128xi32, #tpu.memory_space<vmem>> -> memref<1x1x128xi32, #tpu.memory_space<vmem>>
        %dma_wait3A_123 = tpu.memref_squeeze %dma_wait3A_122 : memref<1x1x128xi32, #tpu.memory_space<vmem>> -> memref<128xi32, #tpu.memory_space<vmem>>
        %dma_wait3A_124 = arith.constant 0 : i32
        %dma_wait3A_125 = tpu.memref_slice %arg2[%add3A_107, %dma_wait3A_124] : memref<2500x128xi32, #tpu.memory_space<hbm>> -> memref<1x128xi32, #tpu.memory_space<hbm>>
        %dma_wait3A_126 = tpu.memref_squeeze %dma_wait3A_125 : memref<1x128xi32, #tpu.memory_space<hbm>> -> memref<128xi32, #tpu.memory_space<hbm>>
        %dma_wait3A_127 = arith.constant 0 : i32
        %dma_wait3A_128 = tpu.memref_slice %arg6[%dma_wait3A, %dma_wait3A_120, %dma_wait3A_127] : memref<2x1x128xi32, #tpu.memory_space<vmem>> -> memref<1x1x128xi32, #tpu.memory_space<vmem>>
        %dma_wait3A_129 = tpu.memref_squeeze %dma_wait3A_128 : memref<1x1x128xi32, #tpu.memory_space<vmem>> -> memref<128xi32, #tpu.memory_space<vmem>>
        %dma_wait3A_130 = arith.constant 0 : i32
        %dma_wait3A_131 = tpu.memref_slice %arg2[%add3A_107, %dma_wait3A_130] : memref<2500x128xi32, #tpu.memory_space<hbm>> -> memref<1x128xi32, #tpu.memory_space<hbm>>
        %dma_wait3A_132 = tpu.memref_squeeze %dma_wait3A_131 : memref<1x128xi32, #tpu.memory_space<hbm>> -> memref<128xi32, #tpu.memory_space<hbm>>
        tpu.wait_dma2 semaphore(%arg10 : memref<!tpu.dma_semaphore, #tpu.memory_space<semaphore_mem>>) src(%dma_wait3A_132 : memref<128xi32, #tpu.memory_space<hbm>>) dst(%dma_wait3A_129 : memref<128xi32, #tpu.memory_space<vmem>>)
        %run_scoped3A = arith.constant 1 : i32
        %run_scoped3A_133 = arith.constant 0 : i32
        "tpu.region"() ({
          %run_scoped3A_134 = tpu.sem_alloc : memref<!tpu.dma_semaphore, #tpu.memory_space<semaphore_mem>>
          %dma_start3A = arith.constant 0 : i32
          %dma_start3A_135 = tpu.memref_slice %arg6[%run_scoped3A, %run_scoped3A_133, %dma_start3A] : memref<2x1x128xi32, #tpu.memory_space<vmem>> -> memref<1x1x128xi32, #tpu.memory_space<vmem>>
          %dma_start3A_136 = tpu.memref_squeeze %dma_start3A_135 : memref<1x1x128xi32, #tpu.memory_space<vmem>> -> memref<128xi32, #tpu.memory_space<vmem>>
          %dma_start3A_137 = arith.constant 0 : i32
          %dma_start3A_138 = tpu.memref_slice %arg8[%dma_start3A_137] : memref<10112xf32, #tpu.memory_space<vmem_shared>> -> memref<10112xf32, #tpu.memory_space<vmem_shared>>
          tpu.enqueue_indirect_dma source(%arg7 : memref<128xf32, #tpu.memory_space<vmem>>) target(%dma_start3A_138 : memref<10112xf32, #tpu.memory_space<vmem_shared>>) offsets(%dma_start3A_136 : memref<128xi32, #tpu.memory_space<vmem>>) semaphore(%run_scoped3A_134 : memref<!tpu.dma_semaphore, #tpu.memory_space<semaphore_mem>>) {add = true}
          %dma_wait3A_139 = arith.constant 0 : i32
          %dma_wait3A_140 = tpu.memref_slice %arg6[%run_scoped3A, %run_scoped3A_133, %dma_wait3A_139] : memref<2x1x128xi32, #tpu.memory_space<vmem>> -> memref<1x1x128xi32, #tpu.memory_space<vmem>>
          %dma_wait3A_141 = tpu.memref_squeeze %dma_wait3A_140 : memref<1x1x128xi32, #tpu.memory_space<vmem>> -> memref<128xi32, #tpu.memory_space<vmem>>
          %dma_wait3A_142 = arith.constant 0 : i32
          %dma_wait3A_143 = tpu.memref_slice %arg8[%dma_wait3A_142] : memref<10112xf32, #tpu.memory_space<vmem_shared>> -> memref<10112xf32, #tpu.memory_space<vmem_shared>>
          tpu.wait_indirect_dma semaphore(%run_scoped3A_134 : memref<!tpu.dma_semaphore, #tpu.memory_space<semaphore_mem>>) src(%arg7 : memref<128xf32, #tpu.memory_space<vmem>>) dst(%dma_wait3A_143 : memref<10112xf32, #tpu.memory_space<vmem_shared>>)
          tpu.yield
        }) : () -> ()
      } else {
      }
      %add3A_113 = arith.constant 64 : i32
      %add3A_114 = arith.addi %add3A_107, %add3A_113 : i32
      %lt3A_115 = arith.constant 2500 : i32
      %lt3A_116 = arith.cmpi slt, %add3A_114, %lt3A_115 : i32
      %convert_element_type3A_117 = arith.extui %lt3A_116 : i1 to i32
      %cond3A_118 = arith.constant 0 : i32
      %cond3A_119 = arith.cmpi ne, %convert_element_type3A_117, %cond3A_118 : i32
      scf.if %cond3A_119 {
        %dma_start3A = arith.constant 1 : i32
        %dma_start3A_120 = arith.constant 0 : i32
        %dma_start3A_121 = arith.constant 0 : i32
        %dma_start3A_122 = tpu.memref_slice %arg6[%dma_start3A, %dma_start3A_120, %dma_start3A_121] : memref<2x1x128xi32, #tpu.memory_space<vmem>> -> memref<1x1x128xi32, #tpu.memory_space<vmem>>
        %dma_start3A_123 = tpu.memref_squeeze %dma_start3A_122 : memref<1x1x128xi32, #tpu.memory_space<vmem>> -> memref<128xi32, #tpu.memory_space<vmem>>
        %dma_start3A_124 = arith.constant 0 : i32
        %dma_start3A_125 = tpu.memref_slice %arg2[%add3A_114, %dma_start3A_124] : memref<2500x128xi32, #tpu.memory_space<hbm>> -> memref<1x128xi32, #tpu.memory_space<hbm>>
        %dma_start3A_126 = tpu.memref_squeeze %dma_start3A_125 : memref<1x128xi32, #tpu.memory_space<hbm>> -> memref<128xi32, #tpu.memory_space<hbm>>
        %dma_start3A_127 = arith.constant 0 : i32
        %dma_start3A_128 = tpu.memref_slice %arg6[%dma_start3A, %dma_start3A_120, %dma_start3A_127] : memref<2x1x128xi32, #tpu.memory_space<vmem>> -> memref<1x1x128xi32, #tpu.memory_space<vmem>>
        %dma_start3A_129 = tpu.memref_squeeze %dma_start3A_128 : memref<1x1x128xi32, #tpu.memory_space<vmem>> -> memref<128xi32, #tpu.memory_space<vmem>>
        %dma_start3A_130 = arith.constant 0 : i32
        %dma_start3A_131 = tpu.memref_slice %arg2[%add3A_114, %dma_start3A_130] : memref<2500x128xi32, #tpu.memory_space<hbm>> -> memref<1x128xi32, #tpu.memory_space<hbm>>
        %dma_start3A_132 = tpu.memref_squeeze %dma_start3A_131 : memref<1x128xi32, #tpu.memory_space<hbm>> -> memref<128xi32, #tpu.memory_space<hbm>>
        tpu.enqueue_dma source(%dma_start3A_132 : memref<128xi32, #tpu.memory_space<hbm>>) target(%dma_start3A_129 : memref<128xi32, #tpu.memory_space<vmem>>) target_semaphore(%arg10 : memref<!tpu.dma_semaphore, #tpu.memory_space<semaphore_mem>>)
      } else {
      }
    }
    %scan3A_66 = arith.constant 40 : i32
    %barrier3A_67 = arith.constant 0 : index
    tpu.barrier barrier_id(%barrier3A_67)
    %eq3A_68 = arith.constant 0 : i32
    %eq3A_69 = arith.cmpi eq, %arg1, %eq3A_68 : i32
    %eq3A_70 = arith.constant 0 : i32
    %eq3A_71 = arith.cmpi eq, %arg0, %eq3A_70 : i32
    %and3A = arith.andi %eq3A_69, %eq3A_71 : i1
    %convert_element_type3A_72 = arith.extui %and3A : i1 to i32
    %cond3A_73 = arith.constant 0 : i32
    %cond3A_74 = arith.cmpi ne, %convert_element_type3A_72, %cond3A_73 : i32
    scf.if %cond3A_74 {
      "tpu.region"() ({
        %run_scoped3A = tpu.sem_alloc : memref<!tpu.dma_semaphore, #tpu.memory_space<semaphore_mem>>
        tpu.enqueue_dma source(%arg8 : memref<10112xf32, #tpu.memory_space<vmem_shared>>) target(%arg4 : memref<10112xf32, #tpu.memory_space<hbm>>) target_semaphore(%run_scoped3A : memref<!tpu.dma_semaphore, #tpu.memory_space<semaphore_mem>>)
        tpu.wait_dma2 semaphore(%run_scoped3A : memref<!tpu.dma_semaphore, #tpu.memory_space<semaphore_mem>>) src(%arg8 : memref<10112xf32, #tpu.memory_space<vmem_shared>>) dst(%arg4 : memref<10112xf32, #tpu.memory_space<hbm>>)
        tpu.yield
      }) : () -> ()
    } else {
    }
    %eq3A_75 = arith.constant 0 : i32
    %eq3A_76 = arith.cmpi eq, %arg1, %eq3A_75 : i32
    %eq3A_77 = arith.constant 1 : i32
    %eq3A_78 = arith.cmpi eq, %arg0, %eq3A_77 : i32
    %and3A_79 = arith.andi %eq3A_76, %eq3A_78 : i1
    %convert_element_type3A_80 = arith.extui %and3A_79 : i1 to i32
    %cond3A_81 = arith.constant 0 : i32
    %cond3A_82 = arith.cmpi ne, %convert_element_type3A_80, %cond3A_81 : i32
    scf.if %cond3A_82 {
      "tpu.region"() ({
        %run_scoped3A = tpu.sem_alloc : memref<!tpu.dma_semaphore, #tpu.memory_space<semaphore_mem>>
        tpu.enqueue_dma source(%arg8 : memref<10112xf32, #tpu.memory_space<vmem_shared>>) target(%arg5 : memref<10112xf32, #tpu.memory_space<hbm>>) target_semaphore(%run_scoped3A : memref<!tpu.dma_semaphore, #tpu.memory_space<semaphore_mem>>)
        tpu.wait_dma2 semaphore(%run_scoped3A : memref<!tpu.dma_semaphore, #tpu.memory_space<semaphore_mem>>) src(%arg8 : memref<10112xf32, #tpu.memory_space<vmem_shared>>) dst(%arg5 : memref<10112xf32, #tpu.memory_space<hbm>>)
        tpu.yield
      }) : () -> ()
    } else {
    }
    return
  }
}

module attributes {stable_mosaic.version = 14 : i64} {
  func.func @_tc_mm_body(%arg0: i32, %arg1: memref<1000x128xf32, #tpu.memory_space<vmem>>, %arg2: memref<128x128xf32, #tpu.memory_space<vmem>>, %arg3: memref<1000x128xf32, #tpu.memory_space<vmem>>) attributes {dimension_semantics = [#tpu.dimension_semantics<arbitrary>], iteration_bounds = array<i64: 10>, scalar_prefetch = 0 : i64, scratch_operands = 0 : i64, tpu.core_type = #tpu.core_type<tc>, window_params = [{transform_indices = @transform_0, window_bounds = array<i64: 1000, 128>}, {pipeline_mode = #tpu.pipeline_mode<synchronous>, transform_indices = @transform_1, window_bounds = array<i64: 128, 128>}, {transform_indices = @transform_2, window_bounds = array<i64: 1000, 128>}]} {
    %get3A = arith.constant 0 : index
    %get3A_0 = arith.constant 0 : index
    %get3A_1 = vector.load %arg1[%get3A, %get3A_0] : memref<1000x128xf32, #tpu.memory_space<vmem>>, vector<1000x128xf32>
    %get3A_2 = arith.constant 0 : index
    %get3A_3 = arith.constant 0 : index
    %get3A_4 = vector.load %arg2[%get3A_2, %get3A_3] : memref<128x128xf32, #tpu.memory_space<vmem>>, vector<128x128xf32>
    %dot_general3A = arith.constant dense<0.000000e+00> : vector<1000x128xf32>
    %dot_general3A_5 = tpu.matmul %get3A_1, %get3A_4, %dot_general3A {dimension_numbers = #tpu.dot_dimension_numbers<[1], [0], [0], [1], [0, 0, 1, 1], [], []>, transpose_lhs_hint = false} : vector<1000x128xf32>, vector<128x128xf32>, vector<1000x128xf32> -> vector<1000x128xf32>
    %swap3A = arith.constant 0 : index
    %swap3A_6 = arith.constant 0 : index
    %swap3A_7 = vector.load %arg3[%swap3A, %swap3A_6] : memref<1000x128xf32, #tpu.memory_space<vmem>>, vector<1000x128xf32>
    tpu.vector_store %arg3[%swap3A, %swap3A_6], %dot_general3A_5 {strides = array<i32>} : memref<1000x128xf32, #tpu.memory_space<vmem>>, vector<1000x128xf32>,
    return
  }
  func.func @transform_0(%arg0: i32) -> (i32, i32) {
    %c0_i32 = arith.constant 0 : i32
    %c0_i32_0 = arith.constant 0 : i32
    return %arg0, %c0_i32 : i32, i32
  }
  func.func @transform_1(%arg0: i32) -> (i32, i32) {
    %c0_i32 = arith.constant 0 : i32
    %c0_i32_0 = arith.constant 0 : i32
    %c0_i32_1 = arith.constant 0 : i32
    return %c0_i32, %c0_i32_0 : i32, i32
  }
  func.func @transform_2(%arg0: i32) -> (i32, i32) {
    %c0_i32 = arith.constant 0 : i32
    %c0_i32_0 = arith.constant 0 : i32
    return %arg0, %c0_i32 : i32, i32
  }
}

module attributes {stable_mosaic.version = 14 : i64} {
  func.func @_tc_scale_body(%arg0: i32, %arg1: memref<1000x128xf32, #tpu.memory_space<vmem>>, %arg2: memref<1000x1xf32, #tpu.memory_space<vmem>>, %arg3: memref<1000x1xf32, #tpu.memory_space<vmem>>, %arg4: memref<1000x128xf32, #tpu.memory_space<vmem>>, %arg5: memref<1000x1xf32, #tpu.memory_space<vmem>>) attributes {dimension_semantics = [#tpu.dimension_semantics<arbitrary>], iteration_bounds = array<i64: 10>, scalar_prefetch = 0 : i64, scratch_operands = 0 : i64, tpu.core_type = #tpu.core_type<tc>, window_params = [{transform_indices = @transform_0, window_bounds = array<i64: 1000, 128>}, {transform_indices = @transform_1, window_bounds = array<i64: 1000, 1>}, {transform_indices = @transform_2, window_bounds = array<i64: 1000, 1>}, {transform_indices = @transform_3, window_bounds = array<i64: 1000, 128>}, {transform_indices = @transform_4, window_bounds = array<i64: 1000, 1>}]} {
    %get3A = arith.constant 0 : index
    %get3A_0 = arith.constant 0 : index
    %get3A_1 = vector.load %arg2[%get3A, %get3A_0] : memref<1000x1xf32, #tpu.memory_space<vmem>>, vector<1000x1xf32>
    %get3A_2 = arith.constant 0 : index
    %get3A_3 = arith.constant 0 : index
    %get3A_4 = vector.load %arg3[%get3A_2, %get3A_3] : memref<1000x1xf32, #tpu.memory_space<vmem>>, vector<1000x1xf32>
    %add3A = arith.addf %get3A_1, %get3A_4 : vector<1000x1xf32>
    %add3A_5 = arith.constant 1.000000e+00 : f32
    %add3A_6 = vector.broadcast %add3A_5 : f32 to vector<1000x1xf32>
    %add3A_7 = arith.addf %add3A, %add3A_6 : vector<1000x1xf32>
    %rsqrt3A = math.rsqrt %add3A_7 : vector<1000x1xf32>
    %swap3A = arith.constant 0 : index
    %swap3A_8 = arith.constant 0 : index
    %swap3A_9 = vector.load %arg5[%swap3A, %swap3A_8] : memref<1000x1xf32, #tpu.memory_space<vmem>>, vector<1000x1xf32>
    tpu.vector_store %arg5[%swap3A, %swap3A_8], %rsqrt3A {strides = array<i32>} : memref<1000x1xf32, #tpu.memory_space<vmem>>, vector<1000x1xf32>,
    %get3A_10 = arith.constant 0 : index
    %get3A_11 = arith.constant 0 : index
    %get3A_12 = vector.load %arg1[%get3A_10, %get3A_11] : memref<1000x128xf32, #tpu.memory_space<vmem>>, vector<1000x128xf32>
    %mul3A = vector.broadcast %rsqrt3A : vector<1000x1xf32> to vector<1000x128xf32>
    %mul3A_13 = arith.mulf %mul3A, %get3A_12 : vector<1000x128xf32>
    %swap3A_14 = arith.constant 0 : index
    %swap3A_15 = arith.constant 0 : index
    %swap3A_16 = vector.load %arg4[%swap3A_14, %swap3A_15] : memref<1000x128xf32, #tpu.memory_space<vmem>>, vector<1000x128xf32>
    tpu.vector_store %arg4[%swap3A_14, %swap3A_15], %mul3A_13 {strides = array<i32>} : memref<1000x128xf32, #tpu.memory_space<vmem>>, vector<1000x128xf32>,
    return
  }
  func.func @transform_0(%arg0: i32) -> (i32, i32) {
    %c0_i32 = arith.constant 0 : i32
    %c0_i32_0 = arith.constant 0 : i32
    return %arg0, %c0_i32 : i32, i32
  }
  func.func @transform_1(%arg0: i32) -> (i32, i32) {
    %c0_i32 = arith.constant 0 : i32
    %c0_i32_0 = arith.constant 0 : i32
    return %arg0, %c0_i32 : i32, i32
  }
  func.func @transform_2(%arg0: i32) -> (i32, i32) {
    %c0_i32 = arith.constant 0 : i32
    %c0_i32_0 = arith.constant 0 : i32
    return %arg0, %c0_i32 : i32, i32
  }
  func.func @transform_3(%arg0: i32) -> (i32, i32) {
    %c0_i32 = arith.constant 0 : i32
    %c0_i32_0 = arith.constant 0 : i32
    return %arg0, %c0_i32 : i32, i32
  }
  func.func @transform_4(%arg0: i32) -> (i32, i32) {
    %c0_i32 = arith.constant 0 : i32
    %c0_i32_0 = arith.constant 0 : i32
    return %arg0, %c0_i32 : i32, i32
  }
}

module attributes {stable_mosaic.version = 14 : i64} {
  func.func @_tc2_body(%arg0: i32, %arg1: memref<1000x128xf32, #tpu.memory_space<vmem>>, %arg2: memref<1000x128xf32, #tpu.memory_space<vmem>>, %arg3: memref<1000x128xf32, #tpu.memory_space<vmem>>, %arg4: memref<1000x1xf32, #tpu.memory_space<vmem>>, %arg5: memref<1x128xf32, #tpu.memory_space<vmem>>, %arg6: memref<1x128xf32, #tpu.memory_space<vmem>>, %arg7: memref<1000x1xf32, #tpu.memory_space<vmem>>) attributes {dimension_semantics = [#tpu.dimension_semantics<arbitrary>], iteration_bounds = array<i64: 10>, scalar_prefetch = 0 : i64, scratch_operands = 0 : i64, tpu.core_type = #tpu.core_type<tc>, window_params = [{transform_indices = @transform_0, window_bounds = array<i64: 1000, 128>}, {transform_indices = @transform_1, window_bounds = array<i64: 1000, 128>}, {transform_indices = @transform_2, window_bounds = array<i64: 1000, 128>}, {transform_indices = @transform_3, window_bounds = array<i64: 1000, 1>}, {pipeline_mode = #tpu.pipeline_mode<synchronous>, transform_indices = @transform_4, window_bounds = array<i64: 1, 128>}, {pipeline_mode = #tpu.pipeline_mode<synchronous>, transform_indices = @transform_5, window_bounds = array<i64: 1, 128>}, {transform_indices = @transform_6, window_bounds = array<i64: 1000, 1>}]} {
    %get3A = arith.constant 0 : index
    %get3A_0 = arith.constant 0 : index
    %get3A_1 = vector.load %arg4[%get3A, %get3A_0] : memref<1000x1xf32, #tpu.memory_space<vmem>>, vector<1000x1xf32>
    %get3A_2 = arith.constant 0 : index
    %get3A_3 = arith.constant 0 : index
    %get3A_4 = vector.load %arg1[%get3A_2, %get3A_3] : memref<1000x128xf32, #tpu.memory_space<vmem>>, vector<1000x128xf32>
    %get3A_5 = arith.constant 0 : index
    %get3A_6 = arith.constant 0 : index
    %get3A_7 = vector.load %arg2[%get3A_5, %get3A_6] : memref<1000x128xf32, #tpu.memory_space<vmem>>, vector<1000x128xf32>
    %add3A = arith.addf %get3A_4, %get3A_7 : vector<1000x128xf32>
    %get3A_8 = arith.constant 0 : index
    %get3A_9 = arith.constant 0 : index
    %get3A_10 = vector.load %arg3[%get3A_8, %get3A_9] : memref<1000x128xf32, #tpu.memory_space<vmem>>, vector<1000x128xf32>
    %add3A_11 = arith.addf %add3A, %get3A_10 : vector<1000x128xf32>
    %mul3A = vector.broadcast %get3A_1 : vector<1000x1xf32> to vector<1000x128xf32>
    %mul3A_12 = arith.mulf %mul3A, %add3A_11 : vector<1000x128xf32>
    %get3A_13 = arith.constant 0 : index
    %get3A_14 = arith.constant 0 : index
    %get3A_15 = vector.load %arg5[%get3A_13, %get3A_14] : memref<1x128xf32, #tpu.memory_space<vmem>>, vector<1x128xf32>
    %add3A_16 = vector.broadcast %get3A_15 : vector<1x128xf32> to vector<1000x128xf32>
    %add3A_17 = arith.addf %mul3A_12, %add3A_16 : vector<1000x128xf32>
    %max3A = arith.constant 0.000000e+00 : f32
    %max3A_18 = vector.broadcast %max3A : f32 to vector<1000x128xf32>
    %max3A_19 = arith.maximumf %add3A_17, %max3A_18 : vector<1000x128xf32>
    %get3A_20 = arith.constant 0 : index
    %get3A_21 = arith.constant 0 : index
    %get3A_22 = vector.load %arg6[%get3A_20, %get3A_21] : memref<1x128xf32, #tpu.memory_space<vmem>>, vector<1x128xf32>
    %mul3A_23 = vector.broadcast %get3A_22 : vector<1x128xf32> to vector<1000x128xf32>
    %mul3A_24 = arith.mulf %max3A_19, %mul3A_23 : vector<1000x128xf32>
    %reduce_sum3A = arith.constant dense<0.000000e+00> : vector<1000xf32>
    %reduce_sum3A_25 = vector.multi_reduction <add>, %mul3A_24, %reduce_sum3A [1] : vector<1000x128xf32> to vector<1000xf32>
    %broadcast_in_dim3A = vector.shape_cast %reduce_sum3A_25 : vector<1000xf32> to vector<1000x1xf32>
    %mul3A_26 = arith.mulf %get3A_1, %broadcast_in_dim3A : vector<1000x1xf32>
    %swap3A = arith.constant 0 : index
    %swap3A_27 = arith.constant 0 : index
    %swap3A_28 = vector.load %arg7[%swap3A, %swap3A_27] : memref<1000x1xf32, #tpu.memory_space<vmem>>, vector<1000x1xf32>
    tpu.vector_store %arg7[%swap3A, %swap3A_27], %mul3A_26 {strides = array<i32>} : memref<1000x1xf32, #tpu.memory_space<vmem>>, vector<1000x1xf32>,
    return
  }
  func.func @transform_0(%arg0: i32) -> (i32, i32) {
    %c0_i32 = arith.constant 0 : i32
    %c0_i32_0 = arith.constant 0 : i32
    return %arg0, %c0_i32 : i32, i32
  }
  func.func @transform_1(%arg0: i32) -> (i32, i32) {
    %c0_i32 = arith.constant 0 : i32
    %c0_i32_0 = arith.constant 0 : i32
    return %arg0, %c0_i32 : i32, i32
  }
  func.func @transform_2(%arg0: i32) -> (i32, i32) {
    %c0_i32 = arith.constant 0 : i32
    %c0_i32_0 = arith.constant 0 : i32
    return %arg0, %c0_i32 : i32, i32
  }
  func.func @transform_3(%arg0: i32) -> (i32, i32) {
    %c0_i32 = arith.constant 0 : i32
    %c0_i32_0 = arith.constant 0 : i32
    return %arg0, %c0_i32 : i32, i32
  }
  func.func @transform_4(%arg0: i32) -> (i32, i32) {
    %c0_i32 = arith.constant 0 : i32
    %c0_i32_0 = arith.constant 0 : i32
    %c0_i32_1 = arith.constant 0 : i32
    return %c0_i32, %c0_i32_0 : i32, i32
  }
  func.func @transform_5(%arg0: i32) -> (i32, i32) {
    %c0_i32 = arith.constant 0 : i32
    %c0_i32_0 = arith.constant 0 : i32
    %c0_i32_1 = arith.constant 0 : i32
    return %c0_i32, %c0_i32_0 : i32, i32
  }
  func.func @transform_6(%arg0: i32) -> (i32, i32) {
    %c0_i32 = arith.constant 0 : i32
    %c0_i32_0 = arith.constant 0 : i32
    return %arg0, %c0_i32 : i32, i32
  }
}

module attributes {stable_mosaic.version = 14 : i64} {
  func.func @_tc3_body(%arg0: i32, %arg1: memref<1000x1xf32, #tpu.memory_space<vmem>>, %arg2: memref<1000x1xf32, #tpu.memory_space<vmem>>, %arg3: memref<1000x1xf32, #tpu.memory_space<vmem>>, %arg4: memref<1000x1xf32, #tpu.memory_space<vmem>>, %arg5: memref<1x1xf32, #tpu.memory_space<vmem>>, %arg6: memref<1000x1xf32, #tpu.memory_space<vmem>>) attributes {dimension_semantics = [#tpu.dimension_semantics<arbitrary>], iteration_bounds = array<i64: 10>, scalar_prefetch = 0 : i64, scratch_operands = 0 : i64, tpu.core_type = #tpu.core_type<tc>, window_params = [{transform_indices = @transform_0, window_bounds = array<i64: 1000, 1>}, {transform_indices = @transform_1, window_bounds = array<i64: 1000, 1>}, {transform_indices = @transform_2, window_bounds = array<i64: 1000, 1>}, {transform_indices = @transform_3, window_bounds = array<i64: 1000, 1>}, {pipeline_mode = #tpu.pipeline_mode<synchronous>, transform_indices = @transform_4, window_bounds = array<i64: 1, 1>}, {transform_indices = @transform_5, window_bounds = array<i64: 1000, 1>}]} {
    %get3A = arith.constant 0 : index
    %get3A_0 = arith.constant 0 : index
    %get3A_1 = vector.load %arg4[%get3A, %get3A_0] : memref<1000x1xf32, #tpu.memory_space<vmem>>, vector<1000x1xf32>
    %get3A_2 = arith.constant 0 : index
    %get3A_3 = arith.constant 0 : index
    %get3A_4 = vector.load %arg1[%get3A_2, %get3A_3] : memref<1000x1xf32, #tpu.memory_space<vmem>>, vector<1000x1xf32>
    %get3A_5 = arith.constant 0 : index
    %get3A_6 = arith.constant 0 : index
    %get3A_7 = vector.load %arg2[%get3A_5, %get3A_6] : memref<1000x1xf32, #tpu.memory_space<vmem>>, vector<1000x1xf32>
    %add3A = arith.addf %get3A_4, %get3A_7 : vector<1000x1xf32>
    %get3A_8 = arith.constant 0 : index
    %get3A_9 = arith.constant 0 : index
    %get3A_10 = vector.load %arg3[%get3A_8, %get3A_9] : memref<1000x1xf32, #tpu.memory_space<vmem>>, vector<1000x1xf32>
    %add3A_11 = arith.addf %add3A, %get3A_10 : vector<1000x1xf32>
    %mul3A = arith.mulf %get3A_1, %add3A_11 : vector<1000x1xf32>
    %get3A_12 = arith.constant 0 : index
    %get3A_13 = arith.constant 0 : index
    %get3A_14 = vector.load %arg5[%get3A_12, %get3A_13] : memref<1x1xf32, #tpu.memory_space<vmem>>, vector<1x1xf32>
    %add3A_15 = vector.broadcast %get3A_14 : vector<1x1xf32> to vector<1000x1xf32>
    %add3A_16 = arith.addf %mul3A, %add3A_15 : vector<1000x1xf32>
    %swap3A = arith.constant 0 : index
    %swap3A_17 = arith.constant 0 : index
    %swap3A_18 = vector.load %arg6[%swap3A, %swap3A_17] : memref<1000x1xf32, #tpu.memory_space<vmem>>, vector<1000x1xf32>
    tpu.vector_store %arg6[%swap3A, %swap3A_17], %add3A_16 {strides = array<i32>} : memref<1000x1xf32, #tpu.memory_space<vmem>>, vector<1000x1xf32>,
    return
  }
  func.func @transform_0(%arg0: i32) -> (i32, i32) {
    %c0_i32 = arith.constant 0 : i32
    %c0_i32_0 = arith.constant 0 : i32
    return %arg0, %c0_i32 : i32, i32
  }
  func.func @transform_1(%arg0: i32) -> (i32, i32) {
    %c0_i32 = arith.constant 0 : i32
    %c0_i32_0 = arith.constant 0 : i32
    return %arg0, %c0_i32 : i32, i32
  }
  func.func @transform_2(%arg0: i32) -> (i32, i32) {
    %c0_i32 = arith.constant 0 : i32
    %c0_i32_0 = arith.constant 0 : i32
    return %arg0, %c0_i32 : i32, i32
  }
  func.func @transform_3(%arg0: i32) -> (i32, i32) {
    %c0_i32 = arith.constant 0 : i32
    %c0_i32_0 = arith.constant 0 : i32
    return %arg0, %c0_i32 : i32, i32
  }
  func.func @transform_4(%arg0: i32) -> (i32, i32) {
    %c0_i32 = arith.constant 0 : i32
    %c0_i32_0 = arith.constant 0 : i32
    %c0_i32_1 = arith.constant 0 : i32
    return %c0_i32, %c0_i32_0 : i32, i32
  }
  func.func @transform_5(%arg0: i32) -> (i32, i32) {
    %c0_i32 = arith.constant 0 : i32
    %c0_i32_0 = arith.constant 0 : i32
    return %arg0, %c0_i32 : i32, i32
  }
}

</mosaic_0001>

<sc_bundles>
// kernel: kernel.12.cloned.1.call-start
scs
__scs_entry_jumppad:
0x0: {  	(pc) =	sbr.rel $0x88, $3  }
0x1: {  	(tag) =	ssettag $0x0;
	lr =	simm.s32 $0x1  }
0x2: {  	[smem:$0x3F9B] =	sst lr;
	_ =	strace $0xD0000000  }
0x3: {  	_ = 	snop  }
0x4: {  	_ = 	snop  }
0x5: {  	_ = 	snop  }
0x6: {  	_ = 	snop  }
0x7: {  	_ = 	snop  }
__scs_overlays_trampoline_lowered:
0x8: {  	[smem:$0x3FAA] =	sst s0  }
0x9: {  	[smem:$0x3FAB] =	sst s1  }
0xa: {  	[smem:$0x3FAC] =	sst s2  }
0xb: {  	[smem:$0x3FAD] =	sst s3  }
0xc: {  	[smem:$0x3FAE] =	sst s4  }
0xd: {  	[smem:$0x3FAF] =	sst s5  }
0xe: {  	[smem:$0x3FB0] =	sst s6  }
0xf: {  	[smem:$0x3FB1] =	sst s7  }
0x10: {  	[smem:$0x3FB2] =	sst s8  }
0x11: {  	[smem:$0x3FB3] =	sst s9;
	s0 =	simm.s32 @!p0 $0x0  }
0x12: {  	s1 =	sld [smem:$0x3F99];
	s0 =	simm.s32 @p0 $0x1  }
0x13: {  	[smem:$0x3FB4] =	sst s0;
	s0 =	simm.s32 @!p1 $0x0  }
0x14: {  	s2 =	sld [smem:$0x3F98];
	s0 =	simm.s32 @p1 $0x1  }
0x15: {  	[smem:$0x3FB5] =	sst s0;
	s0 =	simm.s32 @!p2 $0x0  }
0x16: {  	s3 =	sld [smem:$0x3FDB];
	s0 =	simm.s32 @p2 $0x1  }
0x17: {  	s4 =	simm.s32 $0x1BF5;
	[smem:$0x3FB7] =	sst s0  }
0x18: {  	s0 =	sld [smem:$0x3F9A];
	_ =	swait.ge [sflag:s4], $0x0  }
0x19: {  	s7 =	sld [smem:$0x3F9B]  }
0x1a: {  	s8 =	sadd.s32 $0xFFFFE003, lr  }
0x1b: {  	s9 =	sadd.s32 $0xFFFFFEF7, lr;
	s5 =	simm.s32 $0xFFFFFFFF;
	p2 =	slt.u32 s8, $0xFFFFF086  }
0x1c: {  	p1 =	slt.u32 s9, $0xF7A;
	s5 =	simm.s32 @!p2 $0x0  }
0x1d: {  	s5 =	simm.s32 @p1 $0x1;
	p0 =	seq.s32 s7, s2  }
0x1e: {  	s7 =	smul.u32 @!p0 $0xF7A, s2;
	p2 =	seq.s32 @!p0 s5, $0x0  }
0x1f: {  	s9 =	smul.u32 $0xF7A, s1;
	s8 =	simm.s32 @!p0 $0x1BF5;
	p2 =	por !p2, p0  }
0x20: {  	[sflag:s8] =	ssyncset.s32 @!p0 $0xFFFFF086;
	s6 =	sadd.s32 @!p0 s3, s7;
	s7 =	simm.s32 @!p0 $0x108  }
0x21: {  	s3 =	sadd.s32 s3, s9;
	s6 =	sadd.s32 @!p0 $0x88, s6;
	s7 =	simm.s32 @p2 $0x1082  }
0x22: {  	[simem:s7], [sflag:s8] =	dma.local @!p0 [hbm:s6], $0xF7A  }
0x23: {  	s9 =	sor.u32 $0xD0000000, s2;
	s6 =	simm.s32 $0x108;
	_ =	swait.ge @!p0 [sflag:s8], $0x0  }
0x24: {  	s3 =	sadd.s32 $0x88, s3;
	s6 =	simm.s32 @!p1 $0x1082;
	[sflag:s4] =	ssyncset.s32 $0xFFFFF086  }
0x25: {  	[simem:s6], [sflag:s4] =	dma.local [hbm:s3], $0xF7A  }
0x26: {  	[smem:$0x3F9B] =	sst s1;
	(tag) =	ssettag s2;
	_ =	strace s9  }
0x27: {  	s1 =	sld [smem:$0x3FAB]  }
0x28: {  	s2 =	sld [smem:$0x3FAC]  }
0x29: {  	s4 =	sld [smem:$0x3FAE]  }
0x2a: {  	p0 =	seq.s32 s5, $0x0;
	s5 =	sld [smem:$0x3FAF]  }
0x2b: {  	s6 =	sld [smem:$0x3FB0]  }
0x2c: {  	s7 =	sld [smem:$0x3FB1]  }
0x2d: {  	s3 =	simm.s32 $0x108;
	s8 =	sld [smem:$0x3FB2]  }
0x2e: {  	s3 =	simm.s32 @!p0 $0x1082;
	s9 =	sld [smem:$0x3FB3]  }
0x2f: {  	lr =	sadd.s32 s0, s3;
	s0 =	sld [smem:$0x3FAA]  }
0x30: {  	s3 =	sld [smem:$0x3FAD]  }
0x31: {  	[smem:$0x3FB6] =	sst s10  }
0x32: {  	s10 =	sld [smem:$0x3FB4];
	_ =	sdelay $0x3  }
0x33: {  	p0 =	seq.s32 s10, $0x1;
	s10 =	sld [smem:$0x3FB6];
	_ =	sdelay $0x3  }
0x34: {  	[smem:$0x3FB6] =	sst s10  }
0x35: {  	s10 =	sld [smem:$0x3FB5];
	_ =	sdelay $0x3  }
0x36: {  	p1 =	seq.s32 s10, $0x1;
	s10 =	sld [smem:$0x3FB6];
	_ =	sdelay $0x3  }
0x37: {  	[smem:$0x3FB6] =	sst s10  }
0x38: {  	s10 =	sld [smem:$0x3FB7]  }
0x39: {  	_ = 	snop;
	(pc) =	sbr.ind lr, $3  }
0x3a: {  	_ = 	snop  }
0x3b: {  	_ = 	snop  }
0x3c: {  	p2 =	seq.s32 s10, $0x1;
	s10 =	sld [smem:$0x3FB6]  }
0x3d: {  	_ =	shalt  }
0x3e: {  	_ =	shalt  }
0x3f: {  	_ =	shalt  }
0x40: {  	_ =	shalt  }
0x41: {  	_ =	shalt  }
0x42: {  	_ =	shalt  }
0x43: {  	_ =	shalt  }
0x44: {  	_ =	shalt  }
0x45: {  	_ =	shalt  }
0x46: {  	_ =	shalt  }
0x47: {  	_ =	shalt  }
0x48: {  	_ =	shalt  }
0x49: {  	_ =	shalt  }
0x4a: {  	_ =	shalt  }
0x4b: {  	_ =	shalt  }
0x4c: {  	_ =	shalt  }
0x4d: {  	_ =	shalt  }
0x4e: {  	_ =	shalt  }
0x4f: {  	_ =	shalt  }
0x50: {  	_ =	shalt  }
0x51: {  	_ =	shalt  }
0x52: {  	_ =	shalt  }
0x53: {  	_ =	shalt  }
0x54: {  	_ =	shalt  }
0x55: {  	_ =	shalt  }
0x56: {  	_ =	shalt  }
0x57: {  	_ =	shalt  }
0x58: {  	_ =	shalt  }
0x59: {  	_ =	shalt  }
0x5a: {  	_ =	shalt  }
0x5b: {  	_ =	shalt  }
0x5c: {  	_ =	shalt  }
0x5d: {  	_ =	shalt  }
0x5e: {  	_ =	shalt  }
0x5f: {  	_ =	shalt  }
0x60: {  	_ =	shalt  }
0x61: {  	_ =	shalt  }
0x62: {  	_ =	shalt  }
0x63: {  	_ =	shalt  }
0x64: {  	_ =	shalt  }
0x65: {  	_ =	shalt  }
0x66: {  	_ =	shalt  }
0x67: {  	_ =	shalt  }
0x68: {  	_ =	shalt  }
0x69: {  	_ =	shalt  }
0x6a: {  	_ =	shalt  }
0x6b: {  	_ =	shalt  }
0x6c: {  	_ =	shalt  }
0x6d: {  	_ =	shalt  }
0x6e: {  	_ =	shalt  }
0x6f: {  	_ =	shalt  }
0x70: {  	_ =	shalt  }
0x71: {  	_ =	shalt  }
0x72: {  	_ =	shalt  }
0x73: {  	_ =	shalt  }
0x74: {  	_ =	shalt  }
0x75: {  	_ =	shalt  }
0x76: {  	_ =	shalt  }
0x77: {  	_ =	shalt  }
0x78: {  	_ =	shalt  }
0x79: {  	_ =	shalt  }
0x7a: {  	_ =	shalt  }
0x7b: {  	_ =	shalt  }
0x7c: {  	_ =	shalt  }
0x7d: {  	_ =	shalt  }
0x7e: {  	_ =	shalt  }
0x7f: {  	_ =	shalt  }
0x80: {  	_ =	shalt  }
0x81: {  	_ =	shalt  }
0x82: {  	_ =	shalt  }
0x83: {  	_ =	shalt  }
0x84: {  	_ =	shalt  }
0x85: {  	_ =	shalt  }
0x86: {  	_ =	shalt  }
0x87: {  	_ =	shalt  }
.Lfunc_end0:
.L_simem_size_0:
called_computation.1_lowered:
.L_overlay_start_0:
0x88: {  	s2 =	sld [smem:$0x3FD9]  }
0x89: {  	s3 =	sld [smem:$0x3FFE];
	_ =	sdelay $0x1  }
0x8a: {  	s1 =	srdreg.scid  }
0x8b: {  	s0 =	sand.u32 $0x1, s1  }
0x8c: {  	s16 =	sshll.u32 s0, $0xA;
	s2 =	sadd.s32 s3, s2  }
0x8d: {  	s2 =	sadd.s32 s2, s16  }
0x8e: {  	[smem:$0x3FC2] =	sst s2  }
0x8f: {  	_ = 	snop  }
0x90: {  	(tm) =	ssettm $0x1  }
0x91: {  	s17 =	sld [smem:$0x3FFB];
	_ =	sdelay $0x3  }
0x92: {  	_ =	strace s17  }
0x93: {  	s2 =	sld [smem:$0x3FFC];
	_ =	sdelay $0x3  }
0x94: {  	_ =	strace s2  }
0x95: {  	s2 =	sld [smem:$0x3FFD];
	_ =	sdelay $0x3  }
0x96: {  	_ =	strace s2  }
0x97: {  	_ =	strace $0x8FFFFFFF  }
0x98: {  	s18 =	sld [smem:$0x3FDB];
	_ =	sdelay $0x1  }
0x99: {  	s19 =	simm.s32 $_scs_section_size  }
0x9a: {  	s4 =	simm.s32 $_size__tile_overlayer_lowered;
	s5 =	simm.s32 $_tile_overlayer_lowered  }
0x9b: {  	s22 =	simm.s32 $0x1BFF;
	s21 =	sshll.u32 s5, $0x1;
	s2 =	sadd.s32 s19, s18  }
0x9c: {  	s6 =	simm.s32 $0x0;
	s20 =	sshll.u32 s4, $0x1;
	s4 =	sadd.s32 s21, s2  }
0x9d: {  	[timem:s6], [sflag:s22] =	dma.local [hbm:s4], s20  }
0x9e: {  	_ =	swait.ge [sflag:s22], s20  }
0x9f: {  	s3 =	ssub.s32 $0x0, s20;
	[sflag:s22] =	ssyncset.done $0x0  }
0xa0: {  	[sflag:s22] =	ssyncadd.s32 s3;
	_ =	sdelay $0x1  }
0xa1: {  	s23 =	simm.s32 $0x1B8B  }
0xa2: {  	_ =	swait.ge [sflag:s23], $0x1  }
0xa3: {  	[sflag:s23] =	ssyncset.done $0x0  }
0xa4: {  	s25 =	simm.s32 $0x1B8E;
	s24 =	sld [smem:$0x3FFE];
	[sflag:s23] =	ssyncadd.s32 $0xFFFFFFFF  }
0xa5: {  	s26 =	simm.s32 $execute0_lowered;
	[smem:$0x3FD2] =	sst s25  }
0xa6: {  	s4 =	sshll.u32 s26, $0x1;
	_ =	strace $0x80000049;
	[dreg:$0x1] =	wrdreg $0xFFFFFFFF  }
0xa7: {  	s28 =	simm.s32 $_size_execute0_lowered;
	s2 =	sadd.s32 s2, s4;
	[dreg:$0x0] =	wrdreg $0x0  }
0xa8: {  	s4 =	sshll.u32 s28, $0x1;
	[dreg:$0x2] =	wrdreg s2  }
0xa9: {  	[dreg:$0x3] =	wrdreg s4  }
0xaa: {  	[dreg:$0x4] =	wrdreg $0xC0  }
0xab: {  	_ =	task [dreg:s6], $0x5FFFF  }
0xac: {  	[dreg:$0x1] =	wrdreg $0xFFFFFFFF  }
0xad: {  	[dreg:$0x0] =	wrdreg $0x60  }
0xae: {  	[dreg:$0x2] =	wrdreg s24  }
0xaf: {  	[dreg:$0x3] =	wrdreg $0x82000  }
0xb0: {  	[dreg:$0x4] =	wrdreg $0x9  }
0xb1: {  	_ =	task.clear_ibuf [dreg:s6], $0x5FFFF;
	_ =	strace $0x90000049  }
0xb2: {  	s29 =	simm.s32 $0x9;
	_ =	strace $0x8000004B  }
0xb3: {  	_ =	swait.ge [sflag:s29], $0x1  }
0xb4: {  	[sflag:s29] =	ssyncadd.s32 $0xFFFFFFFF  }
0xb5: {  	_ =	strace $0x9000004B  }
0xb6: {  	_ =	sfence  }
0xb7: {  	s30 =	sld [smem:$0x0];
	_ =	sdelay $0x2  }
0xb8: {  	s31 =	sshll.u32 s1, $0xD;
	s1 =	sshrl.u32 s1, $0x2  }
0xb9: {  	s3 =	sand.u32 $0x4000, s31;
	s1 =	sadd.s32 s1, s30  }
0xba: {  	s0 =	sor.u32 s3, s0;
	s1 =	sshll.u32 s1, $0x11  }
0xbb: {  	s0 =	sor.u32 s1, s0  }
0xbc: {  	s0 =	sadd.s32 $0x8F2B, s0  }
0xbd: {  	[sflag:s0] =	ssyncadd.remote.s32 $0x1  }
0xbe: {  	_ =	sfence.sel $0xFFFF  }
0xbf: {  	[dreg:$0x0] =	wrdreg $0xFFFFFFFF;
	(pc) =	sbr.abs _section_cstart, $3  }
0xc0: {  	[dreg:$0x1] =	wrdreg $0xFFFFFFFF  }
0xc1: {  	_ =	task.clear_ibuf [dreg:s6], $0x2FFFF;
	_ =	strace $0x9FFFFFFF  }
0xc2: {  	(tm) =	ssettm $0x7FFFFFFF  }
0xc3: {  	_ =	shalt  }
tec
execute0_lowered:
.L_overlay_start_1:
0x0: {  	(tag) =	ssettag $0x1  }
0x1: {  	s6 =	rddreg [dreg:$0x0]  }
0x2: {  	s1 =	rddreg [dreg:$0x1]  }
0x3: {  	s0 =	rddreg [dreg:$0x2];
	s2 =	simm.s32 $0x0;
	s4 =	srdreg.scid  }
0x4: {  	s21 =	stileid.u32;
	s15 =	simm.s32 $0x200;
	s16 =	simm.s32 $0x100  }
0x5: {  	s17 =	simm.s32 $0x4200;
	s18 =	simm.s32 $0x1;
	s19 =	simm.s32 $0x2  }
0x6: {  	[smem:$0x7FF] =	sst s2;
	s10 =	sadd.s32 $0xD600, s6;
	s3 =	sadd.s32 $0x21000, s6  }
0x7: {  	s11 =	sand.u32 $0x1, s4;
	s4 =	sadd.s32 $0x6F400, s6;
	s12 =	sshll.u32 s21, $0x1  }
0x8: {  	s5 =	sadd.s32 $0x96C00, s6;
	s6 =	sadd.s32 $0xBE400, s6;
	p0 =	seq.s32 s21, $0x0  }
0x9: {  	s30 =	sshll.u32 s21, $0x6;
	_ =	strace $0x8000004A;
	s7 =	ssub.s32 $0x2, s11  }
0xa: {  	s9 =	sor.u32 s11, s12;
	p1 =	seq.s32 s11, $0x1;
	s20 =	sor.u32 s11, s21  }
0xb: {  	s23 =	sor.u32 $0x9C0, s12;
	s31 =	sadd.s32 s30, s10;
	s11 =	sshll.u32 s11, $0x5  }
0xc: {  	s8 =	sshrl.u32 s7, $0x1;
	s29 =	sshll.u32 s9, $0x5;
	s22 =	sor.u32 $0x980, s9  }
0xd: {  	p0 =	por !p0, !p1;
	s11 =	sadd.s32 s11, s31;
	p1 =	sne.s32 s21, $0x0  }
0xe: {  	p2 =	sne.s32 s20, $0x0;
	s20 =	simm.s32 $0x180;
	p4 =	sgt.u32 s23, $0x9C3  }
0xf: {  	s13 =	ssub.s32 s7, s8;
	s7 =	sadd.s32 s10, s29;
	s9 =	sshll.u32 s22, $0x5  }
0x10: {  	p0 =	por !p0, !p0;
	s12 =	sshrl.u32 @!p1 s1, $0x3;
	p3 =	sgt.u32 s22, $0x983  }
0x11: {  	s21 =	sshll.u32 @!p2 s21, $0x6;
	s22 =	simm.s32 $0x0;
	s8 =	sadd.s32 $0x400, s7  }
0x12: {  	s14 =	sadd.s32 s9, s10;
	s9 =	smax.u32 s13, $0x1;
	s13 =	simm.s32 $0x3  }
0x13: {  	s21 =	sor.u32 @!p2 $0x1C03, s21;
	s10 =	sadd.s32 $0x800, s14;
	s14 =	simm.s32 $0x80  }
.LBB2_1:
0x14: {  	s23 =	simm.s32 @!p1 $0x1C03  }
0x15: {  	[spmem:s12], [sflag:s23] =	dma.local @!p1 [hbm:s4], $0x27800  }
0x16: {  	s23 =	simm.s32 @!p1 $0x3  }
0x17: {  	_ =	swait.ge @!p1 [sflag:s23], $0x27800  }
0x18: {  	[sflag:s23] =	ssyncset.done @!p1 $0x0  }
0x19: {  	[sflag:s23] =	ssyncadd.s32 @!p1 $0xFFFD8800  }
0x1a: {  	[bflag:$0x0] =	sbarrier.arrive $0xFFFF  }
0x1b: {  	[tilespmem:s2], [sflag:$0x3] =	stream.linear.gather [hbm4b:s7+s2], $0x100, $0x38;
	[tilespmem:$0x1BE00] =	vst v63  }
0x1c: {  	_ =	swait.ge [sflag:s13], $0x100  }
0x1d: {  	[sflag:s13] =	ssyncset.done $0x0  }
0x1e: {  	[sflag:s13] =	ssyncadd.s32 $0xFFFFFF00  }
0x1f: {  	[tilespmem:s15], [sflag:$0x1] =	stream.indirect.gather [hbm4b:s3+s14], $0x80, s2, s14, $0xb8;
	[tilespmem:$0x1BE00] =	vst v63  }
0x20: {  	_ = 	snop  }
0x21: {  	[tilespmem:s16], [sflag:$0x3] =	stream.linear.gather [hbm4b:s8+s2], $0x100, $0x38;
	[tilespmem:$0x1BE00] =	vst v63  }
0x22: {  	_ =	swait.ge [sflag:s13], $0x100  }
0x23: {  	[sflag:s13] =	ssyncset.done $0x0  }
0x24: {  	[sflag:s13] =	ssyncadd.s32 $0xFFFFFF00  }
0x25: {  	[tilespmem:s17], [sflag:$0x2] =	stream.indirect.gather [hbm4b:s3+s14], $0x80, s16, s14, $0xb8;
	[tilespmem:$0x1BE00] =	vst v63  }
0x26: {  	_ =	swait.ge [sflag:s18], $0x4000  }
0x27: {  	[sflag:s18] =	ssyncset.done $0x0  }
0x28: {  	[sflag:s18] =	ssyncadd.s32 $0xFFFFC000  }
0x29: {  	[spmem:s1] =	stream.indirect.scatter.add.f32 [tilespmem:s15], [sflag:$0x3], $0x80, s14, s14, $0xb8;
	[tilespmem:$0x1BE00] =	vst v63  }
0x2a: {  	_ =	swait.ge [sflag:s13], $0x4000  }
0x2b: {  	s31 =	sadd.s32 $0xFFFED000, s11;
	[sflag:s13] =	ssyncset.done $0x0  }
0x2c: {  	s24 =	sadd.s32 $0x13800, s31;
	[sflag:s13] =	ssyncadd.s32 $0xFFFFC000  }
0x2d: {  	[tilespmem:s2], [sflag:$0x3] =	stream.linear.gather [hbm4b:s24+s2], $0x100, $0x38;
	[tilespmem:$0x1BE00] =	vst v63  }
0x2e: {  	_ =	swait.ge [sflag:s13], $0x100  }
0x2f: {  	[sflag:s13] =	ssyncset.done $0x0  }
0x30: {  	[sflag:s13] =	ssyncadd.s32 $0xFFFFFF00  }
0x31: {  	[tilespmem:s15], [sflag:$0x1] =	stream.indirect.gather [hbm4b:s3+s14], $0x80, s2, s14, $0xb8;
	[tilespmem:$0x1BE00] =	vst v63  }
0x32: {  	_ =	swait.ge [sflag:s19], $0x4000  }
0x33: {  	[sflag:s19] =	ssyncset.done $0x0  }
0x34: {  	[sflag:s19] =	ssyncadd.s32 $0xFFFFC000  }
0x35: {  	[spmem:s1] =	stream.indirect.scatter.add.f32 [tilespmem:s17], [sflag:$0x3], $0x80, s20, s14, $0xb8;
	[tilespmem:$0x1BE00] =	vst v63  }
0x36: {  	_ =	swait.ge [sflag:s13], $0x4000  }
0x37: {  	[sflag:s13] =	ssyncset.done $0x0  }
0x38: {  	s23 =	sadd.s32 $0x13C00, s31;
	[sflag:s13] =	ssyncadd.s32 $0xFFFFC000  }
0x39: {  	[tilespmem:s16], [sflag:$0x3] =	stream.linear.gather [hbm4b:s23+s2], $0x100, $0x38;
	[tilespmem:$0x1BE00] =	vst v63  }
0x3a: {  	_ =	swait.ge [sflag:s13], $0x100  }
0x3b: {  	[sflag:s13] =	ssyncset.done $0x0  }
0x3c: {  	s23 =	simm.s32 $0xFFFED800;
	[sflag:s13] =	ssyncadd.s32 $0xFFFFFF00  }
.LBB2_2:
0x3d: {  	[tilespmem:s17], [sflag:$0x2] =	stream.indirect.gather [hbm4b:s3+s14], $0x80, s16, s14, $0xb8;
	[tilespmem:$0x1BE00] =	vst v63  }
0x3e: {  	s24 =	smov.u32 s23  }
0x3f: {  	p5 =	sne.s32 s23, $0xFFFFF800;
	s23 =	sadd.s32 $0x800, s23;
	_ =	swait.ge [sflag:s18], $0x4000  }
0x40: {  	[sflag:s18] =	ssyncset.done $0x0  }
0x41: {  	[sflag:s18] =	ssyncadd.s32 $0xFFFFC000  }
0x42: {  	[spmem:s1] =	stream.indirect.scatter.add.f32 [tilespmem:s15], [sflag:$0x3], $0x80, s14, s14, $0xb8;
	[tilespmem:$0x1BE00] =	vst v63  }
0x43: {  	_ =	swait.ge [sflag:s13], $0x4000  }
0x44: {  	s24 =	sadd.s32 s24, s11;
	[sflag:s13] =	ssyncset.done $0x0  }
0x45: {  	s25 =	sadd.s32 $0x13800, s24;
	[sflag:s13] =	ssyncadd.s32 $0xFFFFC000  }
0x46: {  	[tilespmem:s2], [sflag:$0x3] =	stream.linear.gather [hbm4b:s25+s2], $0x100, $0x38;
	[tilespmem:$0x1BE00] =	vst v63  }
0x47: {  	_ =	swait.ge [sflag:s13], $0x100  }
0x48: {  	[sflag:s13] =	ssyncset.done $0x0  }
0x49: {  	[sflag:s13] =	ssyncadd.s32 $0xFFFFFF00  }
0x4a: {  	[tilespmem:s15], [sflag:$0x1] =	stream.indirect.gather [hbm4b:s3+s14], $0x80, s2, s14, $0xb8;
	[tilespmem:$0x1BE00] =	vst v63  }
0x4b: {  	_ =	swait.ge [sflag:s19], $0x4000  }
0x4c: {  	[sflag:s19] =	ssyncset.done $0x0  }
0x4d: {  	[sflag:s19] =	ssyncadd.s32 $0xFFFFC000  }
0x4e: {  	[spmem:s1] =	stream.indirect.scatter.add.f32 [tilespmem:s17], [sflag:$0x3], $0x80, s20, s14, $0xb8;
	[tilespmem:$0x1BE00] =	vst v63  }
0x4f: {  	_ =	swait.ge [sflag:s13], $0x4000  }
0x50: {  	[sflag:s13] =	ssyncset.done $0x0  }
.Ltmp0:
0x51: {  	s24 =	sadd.s32 $0x13C00, s24;
	[sflag:s13] =	ssyncadd.s32 $0xFFFFC000;
	(pc) =	sbr.rel @p5 .LBB2_2-.Ltmp0, $4  }
0x52: {  	[tilespmem:s16], [sflag:$0x3] =	stream.linear.gather [hbm4b:s24+s2], $0x100, $0x38;
	[tilespmem:$0x1BE00] =	vst v63  }
0x53: {  	_ =	swait.ge [sflag:s13], $0x100  }
0x54: {  	[sflag:s13] =	ssyncset.done $0x0  }
0x55: {  	[sflag:s13] =	ssyncadd.s32 $0xFFFFFF00  }
0x56: {  	[tilespmem:s17], [sflag:$0x2] =	stream.indirect.gather [hbm4b:s3+s14], $0x80, s16, s14, $0xb8;
	[tilespmem:$0x1BE00] =	vst v63  }
0x57: {  	_ =	swait.ge [sflag:s18], $0x4000  }
0x58: {  	[sflag:s18] =	ssyncset.done $0x0  }
0x59: {  	[sflag:s18] =	ssyncadd.s32 $0xFFFFC000  }
0x5a: {  	[spmem:s1] =	stream.indirect.scatter.add.f32 [tilespmem:s15], [sflag:$0x3], $0x80, s14, s14, $0xb8;
	[tilespmem:$0x1BE00] =	vst v63  }
0x5b: {  	_ =	swait.ge [sflag:s13], $0x4000  }
0x5c: {  	[sflag:s13] =	ssyncset.done $0x0  }
0x5d: {  	s23 =	simm.s32 @!p3 $0x0;
	s24 =	simm.s32 @!p3 $0x3;
	[sflag:s13] =	ssyncadd.s32 $0xFFFFC000  }
0x5e: {  	[tilespmem:s23], [sflag:$0x3] =	stream.linear.gather @!p3 [hbm4b:s10+s23], $0x100, $0x38;
	[tilespmem:$0x1BE00] =	vst v63  }
0x5f: {  	_ =	swait.ge @!p3 [sflag:s24], $0x100  }
0x60: {  	[sflag:s24] =	ssyncset.done @!p3 $0x0  }
0x61: {  	s25 =	simm.s32 @!p3 $0x200;
	[sflag:s24] =	ssyncadd.s32 @!p3 $0xFFFFFF00;
	s24 =	simm.s32 @!p3 $0x80  }
0x62: {  	[tilespmem:s25], [sflag:$0x1] =	stream.indirect.gather @!p3 [hbm4b:s3+s24], $0x80, s23, s24, $0xb8;
	[tilespmem:$0x1BE00] =	vst v63  }
0x63: {  	_ =	swait.ge [sflag:s19], $0x4000  }
0x64: {  	[sflag:s19] =	ssyncset.done $0x0  }
0x65: {  	[sflag:s19] =	ssyncadd.s32 $0xFFFFC000  }
0x66: {  	[spmem:s1] =	stream.indirect.scatter.add.f32 [tilespmem:s17], [sflag:$0x3], $0x80, s20, s14, $0xb8;
	[tilespmem:$0x1BE00] =	vst v63  }
0x67: {  	_ =	swait.ge [sflag:s13], $0x4000  }
0x68: {  	[sflag:s13] =	ssyncset.done $0x0  }
0x69: {  	s23 =	simm.s32 @!p4 $0x1;
	[sflag:s13] =	ssyncadd.s32 $0xFFFFC000  }
0x6a: {  	_ =	swait.ge @!p4 [sflag:s23], $0x4000  }
0x6b: {  	[sflag:s23] =	ssyncset.done @!p4 $0x0  }
0x6c: {  	s24 =	simm.s32 @!p4 $0x200;
	[sflag:s23] =	ssyncadd.s32 @!p4 $0xFFFFC000;
	s23 =	simm.s32 @!p4 $0x80  }
0x6d: {  	[spmem:s1] =	stream.indirect.scatter.add.f32 @!p4 [tilespmem:s24], [sflag:$0x3], $0x80, s23, s23, $0xb8;
	[tilespmem:$0x1BE00] =	vst v63  }
0x6e: {  	s23 =	simm.s32 @!p4 $0x3  }
0x6f: {  	_ =	swait.ge @!p4 [sflag:s23], $0x4000  }
0x70: {  	[sflag:s23] =	ssyncset.done @!p4 $0x0  }
0x71: {  	[sflag:s23] =	ssyncadd.s32 @!p4 $0xFFFFC000  }
0x72: {  	s23 =	sshrl.u32 @!p2 s1, $0x3;
	[bflag:$0x0] =	sbarrier.arrive $0xFFFF  }
0x73: {  	[hbm:s5], [sflag:s21] =	dma.local @!p2 [spmem:s23], $0x27800  }
0x74: {  	s23 =	simm.s32 @!p2 $0x3  }
0x75: {  	s22 =	sadd.s32 $0x1, s22;
	_ =	swait.ge @!p2 [sflag:s23], $0x27800  }
0x76: {  	p5 =	sne.s32 s22, s9;
	[sflag:s23] =	ssyncset.done @!p2 $0x0  }
0x77: {  	s24 =	simm.s32 @p0 $0x1C03;
	[sflag:s23] =	ssyncadd.s32 @!p2 $0xFFFD8800;
	s23 =	sshrl.u32 @p0 s1, $0x3  }
0x78: {  	[hbm:s6], [sflag:s24] =	dma.local @p0 [spmem:s23], $0x27800  }
.Ltmp1:
0x79: {  	_ = 	snop;
	(pc) =	sbr.rel @p5 .LBB2_1-.Ltmp1, $4  }
0x7a: {  	s23 =	simm.s32 @p0 $0x3  }
0x7b: {  	_ =	swait.ge @p0 [sflag:s23], $0x27800  }
0x7c: {  	[sflag:s23] =	ssyncset.done @p0 $0x0  }
0x7d: {  	[sflag:s23] =	ssyncadd.s32 @p0 $0xFFFD8800  }
0x7e: {  	_ =	sfence.sel $0x180000  }
0x7f: {  	[bflag:$0x0] =	sbarrier.arrive $0xFFFF  }
0x80: {  	_ =	strace $0x9000004A  }
0x81: {  	s0 =	sadd.s32 @!p1 $0x100000, s0;
	[bflag:$0x2] =	sbarrier.arrive $0xFFFF  }
0x82: {  	[sflag:s0] =	ssyncadd.tile.s32 @!p1 $0x1;
	_ =	shalt  }
.Lfunc_end2:
_tile_overlayer_lowered:
.L_overlay_start_2:
0x83: {  	(tag) =	ssettag $0x2  }
0x84: {  	s0 =	rddreg [dreg:$0x0];
	s2 =	stileid.u32  }
0x85: {  	s1 =	rddreg [dreg:$0x1];
	p0 =	sne.s32 s2, $0x0  }
0x86: {  	s3 =	rddreg [dreg:$0x2];
	[bflag:$0x3] =	sbarrier.arrive $0xFFFF;
	s2 =	simm.s32 @!p0 $0x1C03  }
0x87: {  	[timem:s3], [sflag:s2] =	dma.local @!p0 [hbm:s0], s1  }
0x88: {  	s0 =	simm.s32 @!p0 $0x3  }
0x89: {  	_ =	swait.ge @!p0 [sflag:s0], s1  }
0x8a: {  	s1 =	ssub.s32 @!p0 $0x0, s1;
	[sflag:s0] =	ssyncset.done @!p0 $0x0  }
0x8b: {  	[sflag:s0] =	ssyncadd.s32 @!p0 s1  }
0x8c: {  	[bflag:$0x3] =	sbarrier.arrive $0xFFFF  }
0x8d: {  	_ =	shalt  }

// kernel: kernel.15.cloned.1.call-start
scs
__scs_entry_jumppad:
0x0: {  	(pc) =	sbr.rel $0x88, $3  }
0x1: {  	(tag) =	ssettag $0x0;
	lr =	simm.s32 $0x1  }
0x2: {  	[smem:$0x3F9B] =	sst lr;
	_ =	strace $0xD0000000  }
0x3: {  	_ = 	snop  }
0x4: {  	_ = 	snop  }
0x5: {  	_ = 	snop  }
0x6: {  	_ = 	snop  }
0x7: {  	_ = 	snop  }
__scs_overlays_trampoline_lowered:
0x8: {  	[smem:$0x3FAA] =	sst s0  }
0x9: {  	[smem:$0x3FAB] =	sst s1  }
0xa: {  	[smem:$0x3FAC] =	sst s2  }
0xb: {  	[smem:$0x3FAD] =	sst s3  }
0xc: {  	[smem:$0x3FAE] =	sst s4  }
0xd: {  	[smem:$0x3FAF] =	sst s5  }
0xe: {  	[smem:$0x3FB0] =	sst s6  }
0xf: {  	[smem:$0x3FB1] =	sst s7  }
0x10: {  	[smem:$0x3FB2] =	sst s8  }
0x11: {  	[smem:$0x3FB3] =	sst s9;
	s0 =	simm.s32 @!p0 $0x0  }
0x12: {  	s1 =	sld [smem:$0x3F99];
	s0 =	simm.s32 @p0 $0x1  }
0x13: {  	[smem:$0x3FB4] =	sst s0;
	s0 =	simm.s32 @!p1 $0x0  }
0x14: {  	s2 =	sld [smem:$0x3F98];
	s0 =	simm.s32 @p1 $0x1  }
0x15: {  	[smem:$0x3FB5] =	sst s0;
	s0 =	simm.s32 @!p2 $0x0  }
0x16: {  	s3 =	sld [smem:$0x3FDB];
	s0 =	simm.s32 @p2 $0x1  }
0x17: {  	s4 =	simm.s32 $0x1BF5;
	[smem:$0x3FB7] =	sst s0  }
0x18: {  	s0 =	sld [smem:$0x3F9A];
	_ =	swait.ge [sflag:s4], $0x0  }
0x19: {  	s7 =	sld [smem:$0x3F9B]  }
0x1a: {  	s8 =	sadd.s32 $0xFFFFE003, lr  }
0x1b: {  	s9 =	sadd.s32 $0xFFFFFEF7, lr;
	s5 =	simm.s32 $0xFFFFFFFF;
	p2 =	slt.u32 s8, $0xFFFFF086  }
0x1c: {  	p1 =	slt.u32 s9, $0xF7A;
	s5 =	simm.s32 @!p2 $0x0  }
0x1d: {  	s5 =	simm.s32 @p1 $0x1;
	p0 =	seq.s32 s7, s2  }
0x1e: {  	s7 =	smul.u32 @!p0 $0xF7A, s2;
	p2 =	seq.s32 @!p0 s5, $0x0  }
0x1f: {  	s9 =	smul.u32 $0xF7A, s1;
	s8 =	simm.s32 @!p0 $0x1BF5;
	p2 =	por !p2, p0  }
0x20: {  	[sflag:s8] =	ssyncset.s32 @!p0 $0xFFFFF086;
	s6 =	sadd.s32 @!p0 s3, s7;
	s7 =	simm.s32 @!p0 $0x108  }
0x21: {  	s3 =	sadd.s32 s3, s9;
	s6 =	sadd.s32 @!p0 $0x88, s6;
	s7 =	simm.s32 @p2 $0x1082  }
0x22: {  	[simem:s7], [sflag:s8] =	dma.local @!p0 [hbm:s6], $0xF7A  }
0x23: {  	s9 =	sor.u32 $0xD0000000, s2;
	s6 =	simm.s32 $0x108;
	_ =	swait.ge @!p0 [sflag:s8], $0x0  }
0x24: {  	s3 =	sadd.s32 $0x88, s3;
	s6 =	simm.s32 @!p1 $0x1082;
	[sflag:s4] =	ssyncset.s32 $0xFFFFF086  }
0x25: {  	[simem:s6], [sflag:s4] =	dma.local [hbm:s3], $0xF7A  }
0x26: {  	[smem:$0x3F9B] =	sst s1;
	(tag) =	ssettag s2;
	_ =	strace s9  }
0x27: {  	s1 =	sld [smem:$0x3FAB]  }
0x28: {  	s2 =	sld [smem:$0x3FAC]  }
0x29: {  	s4 =	sld [smem:$0x3FAE]  }
0x2a: {  	p0 =	seq.s32 s5, $0x0;
	s5 =	sld [smem:$0x3FAF]  }
0x2b: {  	s6 =	sld [smem:$0x3FB0]  }
0x2c: {  	s7 =	sld [smem:$0x3FB1]  }
0x2d: {  	s3 =	simm.s32 $0x108;
	s8 =	sld [smem:$0x3FB2]  }
0x2e: {  	s3 =	simm.s32 @!p0 $0x1082;
	s9 =	sld [smem:$0x3FB3]  }
0x2f: {  	lr =	sadd.s32 s0, s3;
	s0 =	sld [smem:$0x3FAA]  }
0x30: {  	s3 =	sld [smem:$0x3FAD]  }
0x31: {  	[smem:$0x3FB6] =	sst s10  }
0x32: {  	s10 =	sld [smem:$0x3FB4];
	_ =	sdelay $0x3  }
0x33: {  	p0 =	seq.s32 s10, $0x1;
	s10 =	sld [smem:$0x3FB6];
	_ =	sdelay $0x3  }
0x34: {  	[smem:$0x3FB6] =	sst s10  }
0x35: {  	s10 =	sld [smem:$0x3FB5];
	_ =	sdelay $0x3  }
0x36: {  	p1 =	seq.s32 s10, $0x1;
	s10 =	sld [smem:$0x3FB6];
	_ =	sdelay $0x3  }
0x37: {  	[smem:$0x3FB6] =	sst s10  }
0x38: {  	s10 =	sld [smem:$0x3FB7]  }
0x39: {  	_ = 	snop;
	(pc) =	sbr.ind lr, $3  }
0x3a: {  	_ = 	snop  }
0x3b: {  	_ = 	snop  }
0x3c: {  	p2 =	seq.s32 s10, $0x1;
	s10 =	sld [smem:$0x3FB6]  }
0x3d: {  	_ =	shalt  }
0x3e: {  	_ =	shalt  }
0x3f: {  	_ =	shalt  }
0x40: {  	_ =	shalt  }
0x41: {  	_ =	shalt  }
0x42: {  	_ =	shalt  }
0x43: {  	_ =	shalt  }
0x44: {  	_ =	shalt  }
0x45: {  	_ =	shalt  }
0x46: {  	_ =	shalt  }
0x47: {  	_ =	shalt  }
0x48: {  	_ =	shalt  }
0x49: {  	_ =	shalt  }
0x4a: {  	_ =	shalt  }
0x4b: {  	_ =	shalt  }
0x4c: {  	_ =	shalt  }
0x4d: {  	_ =	shalt  }
0x4e: {  	_ =	shalt  }
0x4f: {  	_ =	shalt  }
0x50: {  	_ =	shalt  }
0x51: {  	_ =	shalt  }
0x52: {  	_ =	shalt  }
0x53: {  	_ =	shalt  }
0x54: {  	_ =	shalt  }
0x55: {  	_ =	shalt  }
0x56: {  	_ =	shalt  }
0x57: {  	_ =	shalt  }
0x58: {  	_ =	shalt  }
0x59: {  	_ =	shalt  }
0x5a: {  	_ =	shalt  }
0x5b: {  	_ =	shalt  }
0x5c: {  	_ =	shalt  }
0x5d: {  	_ =	shalt  }
0x5e: {  	_ =	shalt  }
0x5f: {  	_ =	shalt  }
0x60: {  	_ =	shalt  }
0x61: {  	_ =	shalt  }
0x62: {  	_ =	shalt  }
0x63: {  	_ =	shalt  }
0x64: {  	_ =	shalt  }
0x65: {  	_ =	shalt  }
0x66: {  	_ =	shalt  }
0x67: {  	_ =	shalt  }
0x68: {  	_ =	shalt  }
0x69: {  	_ =	shalt  }
0x6a: {  	_ =	shalt  }
0x6b: {  	_ =	shalt  }
0x6c: {  	_ =	shalt  }
0x6d: {  	_ =	shalt  }
0x6e: {  	_ =	shalt  }
0x6f: {  	_ =	shalt  }
0x70: {  	_ =	shalt  }
0x71: {  	_ =	shalt  }
0x72: {  	_ =	shalt  }
0x73: {  	_ =	shalt  }
0x74: {  	_ =	shalt  }
0x75: {  	_ =	shalt  }
0x76: {  	_ =	shalt  }
0x77: {  	_ =	shalt  }
0x78: {  	_ =	shalt  }
0x79: {  	_ =	shalt  }
0x7a: {  	_ =	shalt  }
0x7b: {  	_ =	shalt  }
0x7c: {  	_ =	shalt  }
0x7d: {  	_ =	shalt  }
0x7e: {  	_ =	shalt  }
0x7f: {  	_ =	shalt  }
0x80: {  	_ =	shalt  }
0x81: {  	_ =	shalt  }
0x82: {  	_ =	shalt  }
0x83: {  	_ =	shalt  }
0x84: {  	_ =	shalt  }
0x85: {  	_ =	shalt  }
0x86: {  	_ =	shalt  }
0x87: {  	_ =	shalt  }
.Lfunc_end0:
.L_simem_size_0:
called_computation.2_lowered:
.L_overlay_start_0:
0x88: {  	s2 =	sld [smem:$0x3FD9]  }
0x89: {  	s3 =	sld [smem:$0x3FFE];
	_ =	sdelay $0x1  }
0x8a: {  	s1 =	srdreg.scid  }
0x8b: {  	s0 =	sand.u32 $0x1, s1  }
0x8c: {  	s16 =	sshll.u32 s0, $0xA;
	s2 =	sadd.s32 s3, s2  }
0x8d: {  	s2 =	sadd.s32 s2, s16  }
0x8e: {  	[smem:$0x3FC2] =	sst s2  }
0x8f: {  	_ = 	snop  }
0x90: {  	(tm) =	ssettm $0x1  }
0x91: {  	s17 =	sld [smem:$0x3FFB];
	_ =	sdelay $0x3  }
0x92: {  	_ =	strace s17  }
0x93: {  	s2 =	sld [smem:$0x3FFC];
	_ =	sdelay $0x3  }
0x94: {  	_ =	strace s2  }
0x95: {  	s2 =	sld [smem:$0x3FFD];
	_ =	sdelay $0x3  }
0x96: {  	_ =	strace s2  }
0x97: {  	_ =	strace $0x8FFFFFFF  }
0x98: {  	s18 =	sld [smem:$0x3FDB];
	_ =	sdelay $0x1  }
0x99: {  	s19 =	simm.s32 $_scs_section_size  }
0x9a: {  	s4 =	simm.s32 $_size__tile_overlayer_lowered;
	s5 =	simm.s32 $_tile_overlayer_lowered  }
0x9b: {  	s22 =	simm.s32 $0x1BFF;
	s21 =	sshll.u32 s5, $0x1;
	s2 =	sadd.s32 s19, s18  }
0x9c: {  	s6 =	simm.s32 $0x0;
	s20 =	sshll.u32 s4, $0x1;
	s4 =	sadd.s32 s21, s2  }
0x9d: {  	[timem:s6], [sflag:s22] =	dma.local [hbm:s4], s20  }
0x9e: {  	_ =	swait.ge [sflag:s22], s20  }
0x9f: {  	s3 =	ssub.s32 $0x0, s20;
	[sflag:s22] =	ssyncset.done $0x0  }
0xa0: {  	[sflag:s22] =	ssyncadd.s32 s3;
	_ =	sdelay $0x1  }
0xa1: {  	s23 =	simm.s32 $0x1B8B  }
0xa2: {  	_ =	swait.ge [sflag:s23], $0x1  }
0xa3: {  	[sflag:s23] =	ssyncset.done $0x0  }
0xa4: {  	s25 =	simm.s32 $0x1B8E;
	s24 =	sld [smem:$0x3FFE];
	[sflag:s23] =	ssyncadd.s32 $0xFFFFFFFF  }
0xa5: {  	s26 =	simm.s32 $execute0_lowered;
	[smem:$0x3FD2] =	sst s25  }
0xa6: {  	s4 =	sshll.u32 s26, $0x1;
	_ =	strace $0x8000004C;
	[dreg:$0x1] =	wrdreg $0xFFFFFFFF  }
0xa7: {  	s28 =	simm.s32 $_size_execute0_lowered;
	s2 =	sadd.s32 s2, s4;
	[dreg:$0x0] =	wrdreg $0x0  }
0xa8: {  	s4 =	sshll.u32 s28, $0x1;
	[dreg:$0x2] =	wrdreg s2  }
0xa9: {  	[dreg:$0x3] =	wrdreg s4  }
0xaa: {  	[dreg:$0x4] =	wrdreg $0xC0  }
0xab: {  	_ =	task [dreg:s6], $0x5FFFF  }
0xac: {  	[dreg:$0x1] =	wrdreg $0xFFFFFFFF  }
0xad: {  	[dreg:$0x0] =	wrdreg $0x60  }
0xae: {  	[dreg:$0x2] =	wrdreg s24  }
0xaf: {  	[dreg:$0x3] =	wrdreg $0x6000  }
0xb0: {  	[dreg:$0x4] =	wrdreg $0x9  }
0xb1: {  	_ =	task.clear_ibuf [dreg:s6], $0x5FFFF;
	_ =	strace $0x9000004C  }
0xb2: {  	s29 =	simm.s32 $0x9;
	_ =	strace $0x8000004E  }
0xb3: {  	_ =	swait.ge [sflag:s29], $0x1  }
0xb4: {  	[sflag:s29] =	ssyncadd.s32 $0xFFFFFFFF  }
0xb5: {  	_ =	strace $0x9000004E  }
0xb6: {  	_ =	sfence  }
0xb7: {  	s30 =	sld [smem:$0x0];
	_ =	sdelay $0x2  }
0xb8: {  	s31 =	sshll.u32 s1, $0xD;
	s1 =	sshrl.u32 s1, $0x2  }
0xb9: {  	s3 =	sand.u32 $0x4000, s31;
	s1 =	sadd.s32 s1, s30  }
0xba: {  	s0 =	sor.u32 s3, s0;
	s1 =	sshll.u32 s1, $0x11  }
0xbb: {  	s0 =	sor.u32 s1, s0  }
0xbc: {  	s0 =	sadd.s32 $0x8F2B, s0  }
0xbd: {  	[sflag:s0] =	ssyncadd.remote.s32 $0x1  }
0xbe: {  	_ =	sfence.sel $0xFFFF  }
0xbf: {  	[dreg:$0x0] =	wrdreg $0xFFFFFFFF;
	(pc) =	sbr.abs _section_cstart, $3  }
0xc0: {  	[dreg:$0x1] =	wrdreg $0xFFFFFFFF  }
0xc1: {  	_ =	task.clear_ibuf [dreg:s6], $0x2FFFF;
	_ =	strace $0x9FFFFFFF  }
0xc2: {  	(tm) =	ssettm $0x7FFFFFFF  }
0xc3: {  	_ =	shalt  }
tec
execute0_lowered:
.L_overlay_start_1:
0x0: {  	(tag) =	ssettag $0x1  }
0x1: {  	s0 =	rddreg [dreg:$0x0]  }
0x2: {  	s1 =	rddreg [dreg:$0x1]  }
0x3: {  	s2 =	simm.s32 $0x0;
	s6 =	srdreg.scid;
	s4 =	stileid.u32  }
0x4: {  	s16 =	simm.s32 $0x5;
	s17 =	simm.s32 $0x80;
	s18 =	simm.s32 $0x400  }
0x5: {  	s19 =	simm.s32 $0x100;
	s20 =	simm.s32 $0x480;
	s21 =	simm.s32 $0x200  }
0x6: {  	s23 =	simm.s32 $0x300;
	s31 =	simm.s32 $0x180;
	s25 =	simm.s32 $0x1  }
0x7: {  	s28 =	simm.s32 $0x0;
	[smem:$0x7FF] =	sst s2;
	s13 =	sadd.s32 $0xD600, s0  }
0x8: {  	s3 =	sadd.s32 $0xCA00, s0;
	s5 =	sadd.s32 $0xC400, s0;
	s14 =	sand.u32 $0x1, s6  }
0x9: {  	s7 =	sshll.u32 s4, $0x1;
	s6 =	sadd.s32 $0xD000, s0;
	p0 =	seq.s32 s4, $0x0  }
0xa: {  	s29 =	sshll.u32 s4, $0x6;
	_ =	strace $0x8000004D;
	[dreg:$0x4] =	wrdreg s5  }
0xb: {  	s8 =	ssub.s32 $0x2, s14;
	s15 =	sor.u32 s14, s7;
	s7 =	sadd.s32 $0x2600, s0  }
0xc: {  	p1 =	seq.s32 s14, $0x1;
	s22 =	sor.u32 s14, s4;
	s30 =	sshll.u32 s14, $0x5  }
0xd: {  	[dreg:$0x3] =	wrdreg s31;
	s26 =	sshrl.u32 s8, $0x1;
	s9 =	sshll.u32 s15, $0x5  }
0xe: {  	p0 =	por !p0, !p1;
	s14 =	sor.u32 $0x60, s15;
	p2 =	sne.s32 s22, $0x0  }
0xf: {  	s0 =	ssub.s32 s8, s26;
	s8 =	sadd.s32 s13, s9;
	p1 =	por !p0, !p0  }
0x10: {  	p0 =	sne.s32 s4, $0x0;
	s26 =	simm.s32 $0x2;
	s9 =	sadd.s32 $0x400, s8  }
0x11: {  	s10 =	sadd.s32 $0x800, s8;
	s12 =	smax.u32 s0, $0x1;
	s0 =	sadd.s32 s29, s13  }
0x12: {  	s11 =	sadd.s32 $0xC00, s8;
	s15 =	sshrl.u32 @!p0 s1, $0x3;
	s13 =	sadd.s32 s30, s0  }
.LBB2_1:
0x13: {  	s0 =	simm.s32 @!p0 $0x1C05;
	s4 =	rddreg [dreg:$0x4]  }
0x14: {  	[spmem:s15], [sflag:s0] =	dma.local @!p0 [hbm:s4], $0x4F0  }
0x15: {  	s0 =	simm.s32 @!p0 $0x5  }
0x16: {  	_ =	swait.ge @!p0 [sflag:s0], $0x4F0  }
0x17: {  	[sflag:s0] =	ssyncset.done @!p0 $0x0  }
0x18: {  	[sflag:s0] =	ssyncadd.s32 @!p0 $0xFFFFFB10  }
0x19: {  	[bflag:$0x0] =	sbarrier.arrive $0xFFFF  }
0x1a: {  	[tilespmem:s2], [sflag:$0x5] =	stream.linear.gather [hbm4b:s8+s2], $0x100, $0x38;
	[tilespmem:$0x878] =	vst v63  }
0x1b: {  	_ =	swait.ge [sflag:s16], $0x100  }
0x1c: {  	[sflag:s16] =	ssyncset.done $0x0  }
0x1d: {  	[sflag:s16] =	ssyncadd.s32 $0xFFFFFF00  }
0x1e: {  	[tilespmem:s18], [sflag:$0x1] =	stream.indirect.gather [hbm4b:s3+s17], $0x1, s2, s17, $0xb8;
	[tilespmem:$0x878] =	vst v63  }
0x1f: {  	_ = 	snop  }
0x20: {  	[tilespmem:s19], [sflag:$0x5] =	stream.linear.gather [hbm4b:s9+s2], $0x100, $0x38;
	[tilespmem:$0x878] =	vst v63  }
0x21: {  	_ =	swait.ge [sflag:s16], $0x100  }
0x22: {  	[sflag:s16] =	ssyncset.done $0x0  }
0x23: {  	[sflag:s16] =	ssyncadd.s32 $0xFFFFFF00  }
0x24: {  	[tilespmem:s20], [sflag:$0x2] =	stream.indirect.gather [hbm4b:s3+s17], $0x1, s19, s17, $0xb8;
	[tilespmem:$0x878] =	vst v63  }
0x25: {  	_ = 	snop  }
0x26: {  	[tilespmem:s21], [sflag:$0x5] =	stream.linear.gather [hbm4b:s10+s2], $0x100, $0x38;
	[tilespmem:$0x878] =	vst v63  }
0x27: {  	_ =	swait.ge [sflag:s16], $0x100  }
0x28: {  	[sflag:s16] =	ssyncset.done $0x0  }
0x29: {  	s22 =	simm.s32 $0x500;
	[sflag:s16] =	ssyncadd.s32 $0xFFFFFF00  }
0x2a: {  	[tilespmem:s22], [sflag:$0x3] =	stream.indirect.gather [hbm4b:s3+s17], $0x1, s21, s17, $0xb8;
	[tilespmem:$0x878] =	vst v63  }
0x2b: {  	_ = 	snop  }
0x2c: {  	[tilespmem:s23], [sflag:$0x5] =	stream.linear.gather [hbm4b:s11+s2], $0x100, $0x38;
	[tilespmem:$0x878] =	vst v63  }
0x2d: {  	_ =	swait.ge [sflag:s16], $0x100  }
0x2e: {  	[sflag:s16] =	ssyncset.done $0x0  }
0x2f: {  	s24 =	simm.s32 $0x580;
	[sflag:s16] =	ssyncadd.s32 $0xFFFFFF00  }
0x30: {  	[tilespmem:s24], [sflag:$0x4] =	stream.indirect.gather [hbm4b:s3+s17], $0x1, s23, s17, $0xb8;
	[tilespmem:$0x878] =	vst v63  }
0x31: {  	_ =	swait.ge [sflag:s25], $0x80  }
0x32: {  	s4 =	sadd.s32 $0xFFFFFFA0, s14;
	[sflag:s25] =	ssyncset.done $0x0  }
0x33: {  	p3 =	sgt.u32 s4, $0x943;
	[sflag:s25] =	ssyncadd.s32 $0xFFFFFF80  }
0x34: {  	[spmem:s1] =	stream.indirect.scatter.add.f32 [tilespmem:s18], [sflag:$0x5], $0x1, s17, s17, $0xb8;
	[tilespmem:$0x878] =	vst v63  }
0x35: {  	s0 =	sadd.s32 @!p3 $0x0, s13;
	_ =	swait.ge [sflag:s16], $0x80  }
0x36: {  	s0 =	sadd.s32 @!p3 $0x1000, s0;
	[sflag:s16] =	ssyncset.done $0x0  }
0x37: {  	s22 =	simm.s32 @!p3 $0x5;
	s24 =	simm.s32 @!p3 $0x0;
	[sflag:s16] =	ssyncadd.s32 $0xFFFFFF80  }
0x38: {  	[tilespmem:s24], [sflag:$0x5] =	stream.linear.gather @!p3 [hbm4b:s0+s24], $0x100, $0x38;
	[tilespmem:$0x878] =	vst v63  }
0x39: {  	_ =	swait.ge @!p3 [sflag:s22], $0x100  }
0x3a: {  	[sflag:s22] =	ssyncset.done @!p3 $0x0  }
0x3b: {  	s29 =	simm.s32 @!p3 $0x400;
	s0 =	simm.s32 @!p3 $0x80;
	[sflag:s22] =	ssyncadd.s32 @!p3 $0xFFFFFF00  }
0x3c: {  	[tilespmem:s29], [sflag:$0x1] =	stream.indirect.gather @!p3 [hbm4b:s3+s0], $0x1, s24, s0, $0xb8;
	[tilespmem:$0x878] =	vst v63  }
0x3d: {  	_ =	swait.ge [sflag:s26], $0x80  }
0x3e: {  	s24 =	sadd.s32 $0xFFFFFFC0, s14;
	[sflag:s26] =	ssyncset.done $0x0  }
0x3f: {  	p4 =	sgt.u32 s24, $0x943;
	s5 =	rddreg [dreg:$0x3];
	[sflag:s26] =	ssyncadd.s32 $0xFFFFFF80  }
0x40: {  	[spmem:s1] =	stream.indirect.scatter.add.f32 [tilespmem:s20], [sflag:$0x5], $0x1, s5, s17, $0xb8;
	[tilespmem:$0x878] =	vst v63  }
0x41: {  	s0 =	sadd.s32 @!p4 $0x0, s13;
	_ =	swait.ge [sflag:s16], $0x80  }
0x42: {  	s22 =	simm.s32 @!p4 $0x0;
	s24 =	simm.s32 @!p4 $0x100;
	[sflag:s16] =	ssyncset.done $0x0  }
0x43: {  	s29 =	simm.s32 @!p4 $0x5;
	s0 =	sadd.s32 @!p4 $0x1400, s0;
	[sflag:s16] =	ssyncadd.s32 $0xFFFFFF80  }
0x44: {  	[tilespmem:s24], [sflag:$0x5] =	stream.linear.gather @!p4 [hbm4b:s0+s22], $0x100, $0x38;
	[tilespmem:$0x878] =	vst v63  }
0x45: {  	s0 =	sadd.s32 $0xFFFFFFE0, s14;
	_ =	swait.ge @!p4 [sflag:s29], $0x100  }
0x46: {  	s30 =	simm.s32 @!p4 $0x80;
	p3 =	sgt.u32 s0, $0x9C3;
	[sflag:s29] =	ssyncset.done @!p4 $0x0  }
0x47: {  	s22 =	simm.s32 @!p4 $0x480;
	[sflag:s29] =	ssyncadd.s32 @!p4 $0xFFFFFF00;
	s29 =	simm.s32 @!p3 $0x3  }
0x48: {  	[tilespmem:s22], [sflag:$0x2] =	stream.indirect.gather @!p4 [hbm4b:s3+s30], $0x1, s24, s30, $0xb8;
	[tilespmem:$0x878] =	vst v63  }
0x49: {  	p4 =	sgt.u32 @!p3 s0, $0x943;
	s0 =	simm.s32 @!p3 $0x500;
	_ =	swait.ge @!p3 [sflag:s29], $0x80  }
0x4a: {  	s22 =	simm.s32 @!p3 $0x80;
	s24 =	simm.s32 @!p3 $0x280;
	[sflag:s29] =	ssyncset.done @!p3 $0x0  }
0x4b: {  	p4 =	por p4, p3;
	[sflag:s29] =	ssyncadd.s32 @!p3 $0xFFFFFF80;
	s29 =	simm.s32 @!p3 $0x5  }
0x4c: {  	[spmem:s1] =	stream.indirect.scatter.add.f32 @!p3 [tilespmem:s0], [sflag:$0x5], $0x1, s24, s22, $0xb8;
	[tilespmem:$0x878] =	vst v63  }
0x4d: {  	s0 =	sadd.s32 @!p4 $0x0, s13;
	_ =	swait.ge @!p3 [sflag:s29], $0x80  }
0x4e: {  	s22 =	simm.s32 @!p4 $0x200;
	s24 =	simm.s32 @!p4 $0x0;
	[sflag:s29] =	ssyncset.done @!p3 $0x0  }
0x4f: {  	s0 =	sadd.s32 @!p4 $0x1800, s0;
	[sflag:s29] =	ssyncadd.s32 @!p3 $0xFFFFFF80;
	s29 =	simm.s32 @!p4 $0x5  }
0x50: {  	[tilespmem:s22], [sflag:$0x5] =	stream.linear.gather @!p4 [hbm4b:s0+s24], $0x100, $0x38;
	[tilespmem:$0x878] =	vst v63  }
0x51: {  	_ =	swait.ge @!p4 [sflag:s29], $0x100  }
0x52: {  	p3 =	sgt.u32 s14, $0x9C3;
	s0 =	simm.s32 @!p4 $0x80;
	[sflag:s29] =	ssyncset.done @!p4 $0x0  }
0x53: {  	s24 =	simm.s32 @!p4 $0x500;
	[sflag:s29] =	ssyncadd.s32 @!p4 $0xFFFFFF00;
	s29 =	simm.s32 @!p3 $0x4  }
0x54: {  	[tilespmem:s24], [sflag:$0x3] =	stream.indirect.gather @!p4 [hbm4b:s3+s0], $0x1, s22, s0, $0xb8;
	[tilespmem:$0x878] =	vst v63  }
0x55: {  	p4 =	sgt.u32 @!p3 s14, $0x943;
	s0 =	simm.s32 @!p3 $0x580;
	_ =	swait.ge @!p3 [sflag:s29], $0x80  }
0x56: {  	s22 =	simm.s32 @!p3 $0x80;
	s24 =	simm.s32 @!p3 $0x380;
	[sflag:s29] =	ssyncset.done @!p3 $0x0  }
0x57: {  	p4 =	por p4, p3;
	[sflag:s29] =	ssyncadd.s32 @!p3 $0xFFFFFF80;
	s29 =	simm.s32 @!p3 $0x5  }
0x58: {  	[spmem:s1] =	stream.indirect.scatter.add.f32 @!p3 [tilespmem:s0], [sflag:$0x5], $0x1, s24, s22, $0xb8;
	[tilespmem:$0x878] =	vst v63  }
0x59: {  	s31 =	simm.s32 @!p4 $0x5;
	_ =	swait.ge @!p3 [sflag:s29], $0x80  }
0x5a: {  	s0 =	sadd.s32 @!p4 $0x0, s13;
	s22 =	simm.s32 @!p4 $0x0;
	[sflag:s29] =	ssyncset.done @!p3 $0x0  }
0x5b: {  	s24 =	sadd.s32 @!p4 $0x1C00, s0;
	s0 =	simm.s32 @!p4 $0x300;
	[sflag:s29] =	ssyncadd.s32 @!p3 $0xFFFFFF80  }
0x5c: {  	[tilespmem:s0], [sflag:$0x5] =	stream.linear.gather @!p4 [hbm4b:s24+s22], $0x100, $0x38;
	[tilespmem:$0x878] =	vst v63  }
0x5d: {  	s30 =	smov.u32 s14;
	s29 =	simm.s32 $0x1000;
	_ =	swait.ge @!p4 [sflag:s31], $0x100  }
0x5e: {  	s22 =	simm.s32 @!p4 $0x80;
	s24 =	simm.s32 @!p4 $0x580;
	[sflag:s31] =	ssyncset.done @!p4 $0x0  }
.LBB2_2:
0x5f: {  	[sflag:s31] =	ssyncadd.s32 @!p4 $0xFFFFFF00  }
0x60: {  	[tilespmem:s24], [sflag:$0x4] =	stream.indirect.gather @!p4 [hbm4b:s3+s22], $0x1, s0, s22, $0xb8;
	[tilespmem:$0x878] =	vst v63  }
0x61: {  	_ =	swait.ge [sflag:s25], $0x80  }
0x62: {  	s30 =	sadd.s32 $0x80, s30;
	[sflag:s25] =	ssyncset.done $0x0  }
0x63: {  	s5 =	sadd.s32 $0xFFFFFFA0, s30;
	[sflag:s25] =	ssyncadd.s32 $0xFFFFFF80  }
0x64: {  	[spmem:s1] =	stream.indirect.scatter.add.f32 [tilespmem:s18], [sflag:$0x5], $0x1, s17, s17, $0xb8;
	[tilespmem:$0x878] =	vst v63  }
0x65: {  	s31 =	smov.u32 s29;
	p4 =	sgt.u32 s5, $0x943;
	_ =	swait.ge [sflag:s16], $0x80  }
0x66: {  	s0 =	sadd.s32 @!p4 s31, s13;
	s22 =	simm.s32 @!p4 $0x5;
	[sflag:s16] =	ssyncset.done $0x0  }
0x67: {  	s24 =	simm.s32 @!p4 $0x0;
	s0 =	sadd.s32 @!p4 $0x1000, s0;
	[sflag:s16] =	ssyncadd.s32 $0xFFFFFF80  }
0x68: {  	[tilespmem:s24], [sflag:$0x5] =	stream.linear.gather @!p4 [hbm4b:s0+s24], $0x100, $0x38;
	[tilespmem:$0x878] =	vst v63  }
0x69: {  	_ =	swait.ge @!p4 [sflag:s22], $0x100  }
0x6a: {  	[sflag:s22] =	ssyncset.done @!p4 $0x0  }
0x6b: {  	s4 =	simm.s32 @!p4 $0x400;
	s0 =	simm.s32 @!p4 $0x80;
	[sflag:s22] =	ssyncadd.s32 @!p4 $0xFFFFFF00  }
0x6c: {  	[tilespmem:s4], [sflag:$0x1] =	stream.indirect.gather @!p4 [hbm4b:s3+s0], $0x1, s24, s0, $0xb8;
	[tilespmem:$0x878] =	vst v63  }
0x6d: {  	_ =	swait.ge [sflag:s26], $0x80  }
0x6e: {  	s24 =	sadd.s32 $0xFFFFFFC0, s30;
	[sflag:s26] =	ssyncset.done $0x0  }
0x6f: {  	p4 =	sgt.u32 s24, $0x943;
	s22 =	rddreg [dreg:$0x3];
	[sflag:s26] =	ssyncadd.s32 $0xFFFFFF80  }
0x70: {  	[spmem:s1] =	stream.indirect.scatter.add.f32 [tilespmem:s20], [sflag:$0x5], $0x1, s22, s17, $0xb8;
	[tilespmem:$0x878] =	vst v63  }
0x71: {  	s0 =	sadd.s32 @!p4 s31, s13;
	_ =	swait.ge [sflag:s16], $0x80  }
0x72: {  	s4 =	simm.s32 @!p4 $0x0;
	s24 =	simm.s32 @!p4 $0x5;
	[sflag:s16] =	ssyncset.done $0x0  }
0x73: {  	s0 =	sadd.s32 @!p4 $0x1400, s0;
	s22 =	simm.s32 @!p4 $0x100;
	[sflag:s16] =	ssyncadd.s32 $0xFFFFFF80  }
0x74: {  	[tilespmem:s22], [sflag:$0x5] =	stream.linear.gather @!p4 [hbm4b:s0+s4], $0x100, $0x38;
	[tilespmem:$0x878] =	vst v63  }
0x75: {  	s4 =	sadd.s32 $0xFFFFFFE0, s30;
	_ =	swait.ge @!p4 [sflag:s24], $0x100  }
0x76: {  	s5 =	simm.s32 @!p4 $0x80;
	p5 =	sgt.u32 s4, $0x9C3;
	[sflag:s24] =	ssyncset.done @!p4 $0x0  }
0x77: {  	s0 =	simm.s32 @!p4 $0x480;
	[sflag:s24] =	ssyncadd.s32 @!p4 $0xFFFFFF00;
	s24 =	simm.s32 @!p5 $0x3  }
0x78: {  	[tilespmem:s0], [sflag:$0x2] =	stream.indirect.gather @!p4 [hbm4b:s3+s5], $0x1, s22, s5, $0xb8;
	[tilespmem:$0x878] =	vst v63  }
0x79: {  	p6 =	sgt.u32 @!p5 s4, $0x943;
	s4 =	simm.s32 @!p5 $0x80;
	_ =	swait.ge @!p5 [sflag:s24], $0x80  }
0x7a: {  	s0 =	simm.s32 @!p5 $0x500;
	s5 =	simm.s32 @!p5 $0x280;
	[sflag:s24] =	ssyncset.done @!p5 $0x0  }
0x7b: {  	s22 =	simm.s32 @!p5 $0x5;
	p4 =	por p6, p5;
	[sflag:s24] =	ssyncadd.s32 @!p5 $0xFFFFFF80  }
0x7c: {  	[spmem:s1] =	stream.indirect.scatter.add.f32 @!p5 [tilespmem:s0], [sflag:$0x5], $0x1, s5, s4, $0xb8;
	[tilespmem:$0x878] =	vst v63  }
0x7d: {  	s29 =	sadd.s32 $0x1000, s29;
	s0 =	sadd.s32 @!p4 s31, s13;
	_ =	swait.ge @!p5 [sflag:s22], $0x80  }
0x7e: {  	s4 =	simm.s32 @!p4 $0x200;
	s5 =	simm.s32 @!p4 $0x0;
	[sflag:s22] =	ssyncset.done @!p5 $0x0  }
0x7f: {  	s0 =	sadd.s32 @!p4 $0x1800, s0;
	[sflag:s22] =	ssyncadd.s32 @!p5 $0xFFFFFF80;
	s22 =	simm.s32 @!p4 $0x5  }
0x80: {  	[tilespmem:s4], [sflag:$0x5] =	stream.linear.gather @!p4 [hbm4b:s0+s5], $0x100, $0x38;
	[tilespmem:$0x878] =	vst v63  }
0x81: {  	p3 =	sne.s32 s29, $0x14000;
	_ =	swait.ge @!p4 [sflag:s22], $0x100  }
0x82: {  	p5 =	sgt.u32 s30, $0x9C3;
	s0 =	simm.s32 @!p4 $0x80;
	[sflag:s22] =	ssyncset.done @!p4 $0x0  }
0x83: {  	s5 =	simm.s32 @!p4 $0x500;
	[sflag:s22] =	ssyncadd.s32 @!p4 $0xFFFFFF00;
	s22 =	simm.s32 @!p5 $0x4  }
0x84: {  	[tilespmem:s5], [sflag:$0x3] =	stream.indirect.gather @!p4 [hbm4b:s3+s0], $0x1, s4, s0, $0xb8;
	[tilespmem:$0x878] =	vst v63  }
0x85: {  	p6 =	sgt.u32 @!p5 s30, $0x943;
	s0 =	simm.s32 @!p5 $0x580;
	_ =	swait.ge @!p5 [sflag:s22], $0x80  }
0x86: {  	s4 =	simm.s32 @!p5 $0x80;
	s5 =	simm.s32 @!p5 $0x380;
	[sflag:s22] =	ssyncset.done @!p5 $0x0  }
0x87: {  	p4 =	por p6, p5;
	[sflag:s22] =	ssyncadd.s32 @!p5 $0xFFFFFF80;
	s22 =	simm.s32 @!p5 $0x5  }
0x88: {  	[spmem:s1] =	stream.indirect.scatter.add.f32 @!p5 [tilespmem:s0], [sflag:$0x5], $0x1, s5, s4, $0xb8;
	[tilespmem:$0x878] =	vst v63  }
0x89: {  	s0 =	sadd.s32 @!p4 s31, s13;
	s4 =	simm.s32 @!p4 $0x0;
	_ =	swait.ge @!p5 [sflag:s22], $0x80  }
.Ltmp0:
0x8a: {  	s31 =	simm.s32 @!p4 $0x5;
	[sflag:s22] =	ssyncset.done @!p5 $0x0;
	(pc) =	sbr.rel @p3 .LBB2_2-.Ltmp0, $4  }
0x8b: {  	s5 =	sadd.s32 @!p4 $0x1C00, s0;
	s0 =	simm.s32 @!p4 $0x300;
	[sflag:s22] =	ssyncadd.s32 @!p5 $0xFFFFFF80  }
0x8c: {  	[tilespmem:s0], [sflag:$0x5] =	stream.linear.gather @!p4 [hbm4b:s5+s4], $0x100, $0x38;
	[tilespmem:$0x878] =	vst v63  }
0x8d: {  	_ =	swait.ge @!p4 [sflag:s31], $0x100  }
0x8e: {  	s24 =	simm.s32 @!p4 $0x580;
	s22 =	simm.s32 @!p4 $0x80;
	[sflag:s31] =	ssyncset.done @!p4 $0x0  }
0x8f: {  	[sflag:s31] =	ssyncadd.s32 @!p4 $0xFFFFFF00  }
0x90: {  	[tilespmem:s24], [sflag:$0x4] =	stream.indirect.gather @!p4 [hbm4b:s3+s22], $0x1, s0, s22, $0xb8;
	[tilespmem:$0x878] =	vst v63  }
0x91: {  	s0 =	stileid.u32  }
0x92: {  	s0 =	sshll.u32 @!p2 s0, $0x6  }
0x93: {  	s4 =	sshrl.u32 @!p2 s1, $0x3;
	[bflag:$0x0] =	sbarrier.arrive $0xFFFF;
	s0 =	sor.u32 @!p2 $0x1C05, s0  }
0x94: {  	[hbm:s6], [sflag:s0] =	dma.local @!p2 [spmem:s4], $0x4F0  }
0x95: {  	s0 =	simm.s32 @!p2 $0x5  }
0x96: {  	s28 =	sadd.s32 $0x1, s28;
	_ =	swait.ge @!p2 [sflag:s0], $0x4F0  }
0x97: {  	p3 =	sne.s32 s28, s12;
	[sflag:s0] =	ssyncset.done @!p2 $0x0  }
0x98: {  	s4 =	simm.s32 @p1 $0x1C05;
	[sflag:s0] =	ssyncadd.s32 @!p2 $0xFFFFFB10;
	s0 =	sshrl.u32 @p1 s1, $0x3  }
0x99: {  	[hbm:s7], [sflag:s4] =	dma.local @p1 [spmem:s0], $0x4F0  }
.Ltmp1:
0x9a: {  	_ = 	snop;
	(pc) =	sbr.rel @p3 .LBB2_1-.Ltmp1, $4  }
0x9b: {  	s0 =	simm.s32 @p1 $0x5  }
0x9c: {  	_ =	swait.ge @p1 [sflag:s0], $0x4F0  }
0x9d: {  	[sflag:s0] =	ssyncset.done @p1 $0x0  }
0x9e: {  	[sflag:s0] =	ssyncadd.s32 @p1 $0xFFFFFB10  }
0x9f: {  	_ =	sfence.sel $0x180000  }
0xa0: {  	[bflag:$0x0] =	sbarrier.arrive $0xFFFF  }
0xa1: {  	_ =	strace $0x9000004D  }
0xa2: {  	[bflag:$0x2] =	sbarrier.arrive $0xFFFF  }
0xa3: {  	s0 =	rddreg [dreg:$0x2]  }
0xa4: {  	s0 =	sadd.s32 @!p0 $0x100000, s0  }
0xa5: {  	[sflag:s0] =	ssyncadd.tile.s32 @!p0 $0x1;
	_ =	shalt  }
.Lfunc_end2:
_tile_overlayer_lowered:
.L_overlay_start_2:
0xa6: {  	(tag) =	ssettag $0x2  }
0xa7: {  	s0 =	rddreg [dreg:$0x0];
	s2 =	stileid.u32  }
0xa8: {  	s1 =	rddreg [dreg:$0x1];
	p0 =	sne.s32 s2, $0x0  }
0xa9: {  	s3 =	rddreg [dreg:$0x2];
	[bflag:$0x3] =	sbarrier.arrive $0xFFFF;
	s2 =	simm.s32 @!p0 $0x1C05  }
0xaa: {  	[timem:s3], [sflag:s2] =	dma.local @!p0 [hbm:s0], s1  }
0xab: {  	s0 =	simm.s32 @!p0 $0x5  }
0xac: {  	_ =	swait.ge @!p0 [sflag:s0], s1  }
0xad: {  	s1 =	ssub.s32 @!p0 $0x0, s1;
	[sflag:s0] =	ssyncset.done @!p0 $0x0  }
0xae: {  	[sflag:s0] =	ssyncadd.s32 @!p0 s1  }
0xaf: {  	[bflag:$0x3] =	sbarrier.arrive $0xFFFF  }
0xb0: {  	_ =	shalt  }

// kernel: kernel.9.cloned.1.call-start
scs
__scs_entry_jumppad:
0x0: {  	(pc) =	sbr.rel $0x88, $3  }
0x1: {  	(tag) =	ssettag $0x0;
	lr =	simm.s32 $0x1  }
0x2: {  	[smem:$0x3F9B] =	sst lr;
	_ =	strace $0xD0000000  }
0x3: {  	_ = 	snop  }
0x4: {  	_ = 	snop  }
0x5: {  	_ = 	snop  }
0x6: {  	_ = 	snop  }
0x7: {  	_ = 	snop  }
__scs_overlays_trampoline_lowered:
0x8: {  	[smem:$0x3FAA] =	sst s0  }
0x9: {  	[smem:$0x3FAB] =	sst s1  }
0xa: {  	[smem:$0x3FAC] =	sst s2  }
0xb: {  	[smem:$0x3FAD] =	sst s3  }
0xc: {  	[smem:$0x3FAE] =	sst s4  }
0xd: {  	[smem:$0x3FAF] =	sst s5  }
0xe: {  	[smem:$0x3FB0] =	sst s6  }
0xf: {  	[smem:$0x3FB1] =	sst s7  }
0x10: {  	[smem:$0x3FB2] =	sst s8  }
0x11: {  	[smem:$0x3FB3] =	sst s9;
	s0 =	simm.s32 @!p0 $0x0  }
0x12: {  	s1 =	sld [smem:$0x3F99];
	s0 =	simm.s32 @p0 $0x1  }
0x13: {  	[smem:$0x3FB4] =	sst s0;
	s0 =	simm.s32 @!p1 $0x0  }
0x14: {  	s2 =	sld [smem:$0x3F98];
	s0 =	simm.s32 @p1 $0x1  }
0x15: {  	[smem:$0x3FB5] =	sst s0;
	s0 =	simm.s32 @!p2 $0x0  }
0x16: {  	s3 =	sld [smem:$0x3FDB];
	s0 =	simm.s32 @p2 $0x1  }
0x17: {  	s4 =	simm.s32 $0x1BF5;
	[smem:$0x3FB7] =	sst s0  }
0x18: {  	s0 =	sld [smem:$0x3F9A];
	_ =	swait.ge [sflag:s4], $0x0  }
0x19: {  	s7 =	sld [smem:$0x3F9B]  }
0x1a: {  	s8 =	sadd.s32 $0xFFFFE003, lr  }
0x1b: {  	s9 =	sadd.s32 $0xFFFFFEF7, lr;
	s5 =	simm.s32 $0xFFFFFFFF;
	p2 =	slt.u32 s8, $0xFFFFF086  }
0x1c: {  	p1 =	slt.u32 s9, $0xF7A;
	s5 =	simm.s32 @!p2 $0x0  }
0x1d: {  	s5 =	simm.s32 @p1 $0x1;
	p0 =	seq.s32 s7, s2  }
0x1e: {  	s7 =	smul.u32 @!p0 $0xF7A, s2;
	p2 =	seq.s32 @!p0 s5, $0x0  }
0x1f: {  	s9 =	smul.u32 $0xF7A, s1;
	s8 =	simm.s32 @!p0 $0x1BF5;
	p2 =	por !p2, p0  }
0x20: {  	[sflag:s8] =	ssyncset.s32 @!p0 $0xFFFFF086;
	s6 =	sadd.s32 @!p0 s3, s7;
	s7 =	simm.s32 @!p0 $0x108  }
0x21: {  	s3 =	sadd.s32 s3, s9;
	s6 =	sadd.s32 @!p0 $0x88, s6;
	s7 =	simm.s32 @p2 $0x1082  }
0x22: {  	[simem:s7], [sflag:s8] =	dma.local @!p0 [hbm:s6], $0xF7A  }
0x23: {  	s9 =	sor.u32 $0xD0000000, s2;
	s6 =	simm.s32 $0x108;
	_ =	swait.ge @!p0 [sflag:s8], $0x0  }
0x24: {  	s3 =	sadd.s32 $0x88, s3;
	s6 =	simm.s32 @!p1 $0x1082;
	[sflag:s4] =	ssyncset.s32 $0xFFFFF086  }
0x25: {  	[simem:s6], [sflag:s4] =	dma.local [hbm:s3], $0xF7A  }
0x26: {  	[smem:$0x3F9B] =	sst s1;
	(tag) =	ssettag s2;
	_ =	strace s9  }
0x27: {  	s1 =	sld [smem:$0x3FAB]  }
0x28: {  	s2 =	sld [smem:$0x3FAC]  }
0x29: {  	s4 =	sld [smem:$0x3FAE]  }
0x2a: {  	p0 =	seq.s32 s5, $0x0;
	s5 =	sld [smem:$0x3FAF]  }
0x2b: {  	s6 =	sld [smem:$0x3FB0]  }
0x2c: {  	s7 =	sld [smem:$0x3FB1]  }
0x2d: {  	s3 =	simm.s32 $0x108;
	s8 =	sld [smem:$0x3FB2]  }
0x2e: {  	s3 =	simm.s32 @!p0 $0x1082;
	s9 =	sld [smem:$0x3FB3]  }
0x2f: {  	lr =	sadd.s32 s0, s3;
	s0 =	sld [smem:$0x3FAA]  }
0x30: {  	s3 =	sld [smem:$0x3FAD]  }
0x31: {  	[smem:$0x3FB6] =	sst s10  }
0x32: {  	s10 =	sld [smem:$0x3FB4];
	_ =	sdelay $0x3  }
0x33: {  	p0 =	seq.s32 s10, $0x1;
	s10 =	sld [smem:$0x3FB6];
	_ =	sdelay $0x3  }
0x34: {  	[smem:$0x3FB6] =	sst s10  }
0x35: {  	s10 =	sld [smem:$0x3FB5];
	_ =	sdelay $0x3  }
0x36: {  	p1 =	seq.s32 s10, $0x1;
	s10 =	sld [smem:$0x3FB6];
	_ =	sdelay $0x3  }
0x37: {  	[smem:$0x3FB6] =	sst s10  }
0x38: {  	s10 =	sld [smem:$0x3FB7]  }
0x39: {  	_ = 	snop;
	(pc) =	sbr.ind lr, $3  }
0x3a: {  	_ = 	snop  }
0x3b: {  	_ = 	snop  }
0x3c: {  	p2 =	seq.s32 s10, $0x1;
	s10 =	sld [smem:$0x3FB6]  }
0x3d: {  	_ =	shalt  }
0x3e: {  	_ =	shalt  }
0x3f: {  	_ =	shalt  }
0x40: {  	_ =	shalt  }
0x41: {  	_ =	shalt  }
0x42: {  	_ =	shalt  }
0x43: {  	_ =	shalt  }
0x44: {  	_ =	shalt  }
0x45: {  	_ =	shalt  }
0x46: {  	_ =	shalt  }
0x47: {  	_ =	shalt  }
0x48: {  	_ =	shalt  }
0x49: {  	_ =	shalt  }
0x4a: {  	_ =	shalt  }
0x4b: {  	_ =	shalt  }
0x4c: {  	_ =	shalt  }
0x4d: {  	_ =	shalt  }
0x4e: {  	_ =	shalt  }
0x4f: {  	_ =	shalt  }
0x50: {  	_ =	shalt  }
0x51: {  	_ =	shalt  }
0x52: {  	_ =	shalt  }
0x53: {  	_ =	shalt  }
0x54: {  	_ =	shalt  }
0x55: {  	_ =	shalt  }
0x56: {  	_ =	shalt  }
0x57: {  	_ =	shalt  }
0x58: {  	_ =	shalt  }
0x59: {  	_ =	shalt  }
0x5a: {  	_ =	shalt  }
0x5b: {  	_ =	shalt  }
0x5c: {  	_ =	shalt  }
0x5d: {  	_ =	shalt  }
0x5e: {  	_ =	shalt  }
0x5f: {  	_ =	shalt  }
0x60: {  	_ =	shalt  }
0x61: {  	_ =	shalt  }
0x62: {  	_ =	shalt  }
0x63: {  	_ =	shalt  }
0x64: {  	_ =	shalt  }
0x65: {  	_ =	shalt  }
0x66: {  	_ =	shalt  }
0x67: {  	_ =	shalt  }
0x68: {  	_ =	shalt  }
0x69: {  	_ =	shalt  }
0x6a: {  	_ =	shalt  }
0x6b: {  	_ =	shalt  }
0x6c: {  	_ =	shalt  }
0x6d: {  	_ =	shalt  }
0x6e: {  	_ =	shalt  }
0x6f: {  	_ =	shalt  }
0x70: {  	_ =	shalt  }
0x71: {  	_ =	shalt  }
0x72: {  	_ =	shalt  }
0x73: {  	_ =	shalt  }
0x74: {  	_ =	shalt  }
0x75: {  	_ =	shalt  }
0x76: {  	_ =	shalt  }
0x77: {  	_ =	shalt  }
0x78: {  	_ =	shalt  }
0x79: {  	_ =	shalt  }
0x7a: {  	_ =	shalt  }
0x7b: {  	_ =	shalt  }
0x7c: {  	_ =	shalt  }
0x7d: {  	_ =	shalt  }
0x7e: {  	_ =	shalt  }
0x7f: {  	_ =	shalt  }
0x80: {  	_ =	shalt  }
0x81: {  	_ =	shalt  }
0x82: {  	_ =	shalt  }
0x83: {  	_ =	shalt  }
0x84: {  	_ =	shalt  }
0x85: {  	_ =	shalt  }
0x86: {  	_ =	shalt  }
0x87: {  	_ =	shalt  }
.Lfunc_end0:
.L_simem_size_0:
called_computation_lowered:
.L_overlay_start_0:
0x88: {  	s2 =	sld [smem:$0x3FD9]  }
0x89: {  	s3 =	sld [smem:$0x3FFE];
	_ =	sdelay $0x1  }
0x8a: {  	s1 =	srdreg.scid  }
0x8b: {  	s0 =	sand.u32 $0x1, s1  }
0x8c: {  	s16 =	sshll.u32 s0, $0xA;
	s2 =	sadd.s32 s3, s2  }
0x8d: {  	s2 =	sadd.s32 s2, s16  }
0x8e: {  	[smem:$0x3FC2] =	sst s2  }
0x8f: {  	_ = 	snop  }
0x90: {  	(tm) =	ssettm $0x1  }
0x91: {  	s17 =	sld [smem:$0x3FFB];
	_ =	sdelay $0x3  }
0x92: {  	_ =	strace s17  }
0x93: {  	s2 =	sld [smem:$0x3FFC];
	_ =	sdelay $0x3  }
0x94: {  	_ =	strace s2  }
0x95: {  	s2 =	sld [smem:$0x3FFD];
	_ =	sdelay $0x3  }
0x96: {  	_ =	strace s2  }
0x97: {  	_ =	strace $0x8FFFFFFF  }
0x98: {  	s18 =	sld [smem:$0x3FDB];
	_ =	sdelay $0x1  }
0x99: {  	s19 =	simm.s32 $_scs_section_size  }
0x9a: {  	s4 =	simm.s32 $_size__tile_overlayer_lowered;
	s5 =	simm.s32 $_tile_overlayer_lowered  }
0x9b: {  	s22 =	simm.s32 $0x1BFF;
	s21 =	sshll.u32 s5, $0x1;
	s2 =	sadd.s32 s19, s18  }
0x9c: {  	s6 =	simm.s32 $0x0;
	s20 =	sshll.u32 s4, $0x1;
	s4 =	sadd.s32 s21, s2  }
0x9d: {  	[timem:s6], [sflag:s22] =	dma.local [hbm:s4], s20  }
0x9e: {  	_ =	swait.ge [sflag:s22], s20  }
0x9f: {  	s3 =	ssub.s32 $0x0, s20;
	[sflag:s22] =	ssyncset.done $0x0  }
0xa0: {  	[sflag:s22] =	ssyncadd.s32 s3;
	_ =	sdelay $0x1  }
0xa1: {  	s23 =	simm.s32 $0x1B8B  }
0xa2: {  	_ =	swait.ge [sflag:s23], $0x1  }
0xa3: {  	[sflag:s23] =	ssyncset.done $0x0  }
0xa4: {  	s25 =	simm.s32 $0x1B8E;
	s24 =	sld [smem:$0x3FFE];
	[sflag:s23] =	ssyncadd.s32 $0xFFFFFFFF  }
0xa5: {  	s26 =	simm.s32 $execute0_lowered;
	[smem:$0x3FD2] =	sst s25  }
0xa6: {  	s4 =	sshll.u32 s26, $0x1;
	_ =	strace $0x80000046;
	[dreg:$0x1] =	wrdreg $0xFFFFFFFF  }
0xa7: {  	s28 =	simm.s32 $_size_execute0_lowered;
	s2 =	sadd.s32 s2, s4;
	[dreg:$0x0] =	wrdreg $0x0  }
0xa8: {  	s4 =	sshll.u32 s28, $0x1;
	[dreg:$0x2] =	wrdreg s2  }
0xa9: {  	[dreg:$0x3] =	wrdreg s4  }
0xaa: {  	[dreg:$0x4] =	wrdreg $0xC0  }
0xab: {  	_ =	task [dreg:s6], $0x5FFFF  }
0xac: {  	[dreg:$0x1] =	wrdreg $0xFFFFFFFF  }
0xad: {  	[dreg:$0x0] =	wrdreg $0x60  }
0xae: {  	[dreg:$0x2] =	wrdreg s24  }
0xaf: {  	[dreg:$0x3] =	wrdreg $0x1800  }
0xb0: {  	[dreg:$0x4] =	wrdreg $0x9  }
0xb1: {  	_ =	task.clear_ibuf [dreg:s6], $0x5FFFF;
	_ =	strace $0x90000046  }
0xb2: {  	s29 =	simm.s32 $0x9;
	_ =	strace $0x80000048  }
0xb3: {  	_ =	swait.ge [sflag:s29], $0x1  }
0xb4: {  	[sflag:s29] =	ssyncadd.s32 $0xFFFFFFFF  }
0xb5: {  	_ =	strace $0x90000048  }
0xb6: {  	_ =	sfence  }
0xb7: {  	s30 =	sld [smem:$0x0];
	_ =	sdelay $0x2  }
0xb8: {  	s31 =	sshll.u32 s1, $0xD;
	s1 =	sshrl.u32 s1, $0x2  }
0xb9: {  	s3 =	sand.u32 $0x4000, s31;
	s1 =	sadd.s32 s1, s30  }
0xba: {  	s0 =	sor.u32 s3, s0;
	s1 =	sshll.u32 s1, $0x11  }
0xbb: {  	s0 =	sor.u32 s1, s0  }
0xbc: {  	s0 =	sadd.s32 $0x8F2B, s0  }
0xbd: {  	[sflag:s0] =	ssyncadd.remote.s32 $0x1  }
0xbe: {  	_ =	sfence.sel $0xFFFF  }
0xbf: {  	[dreg:$0x0] =	wrdreg $0xFFFFFFFF;
	(pc) =	sbr.abs _section_cstart, $3  }
0xc0: {  	[dreg:$0x1] =	wrdreg $0xFFFFFFFF  }
0xc1: {  	_ =	task.clear_ibuf [dreg:s6], $0x2FFFF;
	_ =	strace $0x9FFFFFFF  }
0xc2: {  	(tm) =	ssettm $0x7FFFFFFF  }
0xc3: {  	_ =	shalt  }
tec
execute0_lowered:
.L_overlay_start_1:
0x0: {  	(tag) =	ssettag $0x1  }
0x1: {  	s6 =	rddreg [dreg:$0x0]  }
0x2: {  	s1 =	rddreg [dreg:$0x1]  }
0x3: {  	s0 =	rddreg [dreg:$0x2];
	s2 =	simm.s32 $0x0  }
0x4: {  	s4 =	srdreg.scid;
	s3 =	stileid.u32;
	s17 =	simm.s32 $0x100  }
0x5: {  	s18 =	simm.s32 $0x3;
	s19 =	simm.s32 $0x2;
	[smem:$0x7FF] =	sst s2  }
0x6: {  	s11 =	sand.u32 $0x1, s4;
	s12 =	sshll.u32 s3, $0x1;
	s13 =	sadd.s32 $0x2600, s6  }
0x7: {  	s4 =	sadd.s32 $0xC400, s6;
	s5 =	sadd.s32 $0xCA00, s6;
	s14 =	sshll.u32 s3, $0x5  }
0x8: {  	s6 =	sadd.s32 $0xD000, s6;
	p0 =	seq.s32 s3, $0x0;
	_ =	strace $0x80000047  }
0x9: {  	s10 =	sor.u32 s11, s12;
	s8 =	ssub.s32 $0x2, s11;
	s9 =	sand.u32 $0x180, s14  }
0xa: {  	p1 =	seq.s32 s11, $0x1;
	s21 =	sor.u32 s11, s3;
	s22 =	sor.u32 $0x9C0, s12  }
0xb: {  	s26 =	sshll.u32 s11, $0x4;
	s28 =	sor.u32 $0x600, s14;
	s7 =	sshll.u32 s10, $0x4  }
0xc: {  	s16 =	sshrl.u32 s8, $0x1;
	p0 =	por !p0, !p1;
	s20 =	sor.u32 $0x980, s10  }
0xd: {  	s29 =	sor.u32 s26, s14;
	s30 =	sand.u32 $0x780, s28;
	p1 =	sne.s32 s3, $0x0  }
0xe: {  	p3 =	sgt.u32 s22, $0x9C3;
	p4 =	sne.s32 s21, $0x0;
	s15 =	sand.u32 $0x70, s7  }
0xf: {  	s16 =	ssub.s32 s8, s16;
	s7 =	sadd.s32 s13, s7;
	p0 =	por !p0, !p0  }
0x10: {  	s24 =	sshll.u32 s20, $0x4;
	s31 =	sand.u32 $0x70, s29;
	s14 =	sshrl.u32 @!p1 s1, $0x3  }
0x11: {  	p2 =	sgt.u32 s20, $0x983;
	s20 =	simm.s32 $0x0;
	s9 =	sor.u32 s15, s9  }
0x12: {  	s10 =	smax.u32 s16, $0x1;
	s25 =	sand.u32 $0x9980, s24;
	s16 =	simm.s32 $0x1  }
0x13: {  	s23 =	sadd.s32 s9, s13;
	s9 =	sadd.s32 s13, s15;
	s13 =	sadd.s32 s30, s13  }
0x14: {  	s15 =	simm.s32 $0x80;
	s8 =	sadd.s32 $0x200, s23;
	s12 =	sadd.s32 s25, s9  }
0x15: {  	v0 =	vimm.f32 $1.000000000e+00;
	s13 =	sadd.s32 s31, s13;
	s11 =	sadd.s32 $0x400, s12;
	s12 =	sor.u32 $0x400, s29  }
.LBB2_1:
0x16: {  	[tilespmem:$0x100] =	vst v0  }
0x17: {  	[tilespmem:$0x110] =	vst v0  }
0x18: {  	[tilespmem:$0x120] =	vst v0  }
0x19: {  	[tilespmem:$0x130] =	vst v0  }
0x1a: {  	[tilespmem:$0x140] =	vst v0  }
0x1b: {  	[tilespmem:$0x150] =	vst v0  }
0x1c: {  	[tilespmem:$0x160] =	vst v0  }
0x1d: {  	[tilespmem:$0x170] =	vst v0;
	s21 =	simm.s32 @!p1 $0x1C03  }
0x1e: {  	[spmem:s14], [sflag:s21] =	dma.local @!p1 [hbm:s4], $0x4F0  }
0x1f: {  	s21 =	simm.s32 @!p1 $0x3  }
0x20: {  	_ =	swait.ge @!p1 [sflag:s21], $0x4F0  }
0x21: {  	[sflag:s21] =	ssyncset.done @!p1 $0x0  }
0x22: {  	[sflag:s21] =	ssyncadd.s32 @!p1 $0xFFFFFB10  }
0x23: {  	[bflag:$0x0] =	sbarrier.arrive $0xFFFF  }
0x24: {  	[tilespmem:s2], [sflag:$0x1] =	stream.linear.gather [hbm4b:s7+s2], $0x80, $0x38;
	[tilespmem:$0x3F8] =	vst v63  }
0x25: {  	_ = 	snop  }
0x26: {  	[tilespmem:s15], [sflag:$0x2] =	stream.linear.gather [hbm4b:s8+s2], $0x80, $0x38;
	[tilespmem:$0x3F8] =	vst v63  }
0x27: {  	_ =	swait.ge [sflag:s16], $0x80  }
0x28: {  	[sflag:s16] =	ssyncset.done $0x0  }
0x29: {  	[sflag:s16] =	ssyncadd.s32 $0xFFFFFF80  }
0x2a: {  	[spmem:s1] =	stream.indirect.scatter.add.f32 [tilespmem:s17], [sflag:$0x3], $0x1, s2, s15, $0xb8;
	[tilespmem:$0x3F8] =	vst v63  }
0x2b: {  	s31 =	sadd.s32 $0x0, s12;
	_ =	swait.ge [sflag:s18], $0x80  }
0x2c: {  	s21 =	sand.u32 $0x1FF80, s31;
	[sflag:s18] =	ssyncset.done $0x0  }
0x2d: {  	s21 =	sadd.s32 s21, s9;
	[sflag:s18] =	ssyncadd.s32 $0xFFFFFF80  }
0x2e: {  	[tilespmem:s2], [sflag:$0x1] =	stream.linear.gather [hbm4b:s21+s2], $0x80, $0x38;
	[tilespmem:$0x3F8] =	vst v63  }
0x2f: {  	_ =	swait.ge [sflag:s19], $0x80  }
0x30: {  	[sflag:s19] =	ssyncset.done $0x0  }
0x31: {  	[sflag:s19] =	ssyncadd.s32 $0xFFFFFF80  }
0x32: {  	[spmem:s1] =	stream.indirect.scatter.add.f32 [tilespmem:s17], [sflag:$0x3], $0x1, s15, s15, $0xb8;
	[tilespmem:$0x3F8] =	vst v63  }
0x33: {  	_ =	swait.ge [sflag:s18], $0x80  }
0x34: {  	[sflag:s18] =	ssyncset.done $0x0  }
0x35: {  	s22 =	sadd.s32 $0x0, s13;
	s21 =	simm.s32 $0x400;
	[sflag:s18] =	ssyncadd.s32 $0xFFFFFF80  }
.LBB2_2:
0x36: {  	[tilespmem:s15], [sflag:$0x2] =	stream.linear.gather [hbm4b:s22+s2], $0x80, $0x38;
	[tilespmem:$0x3F8] =	vst v63  }
0x37: {  	s22 =	smov.u32 s21  }
0x38: {  	p5 =	sne.s32 s21, $0x9400;
	s21 =	sadd.s32 $0x400, s21;
	_ =	swait.ge [sflag:s16], $0x80  }
0x39: {  	[sflag:s16] =	ssyncset.done $0x0  }
0x3a: {  	[sflag:s16] =	ssyncadd.s32 $0xFFFFFF80  }
0x3b: {  	[spmem:s1] =	stream.indirect.scatter.add.f32 [tilespmem:s17], [sflag:$0x3], $0x1, s2, s15, $0xb8;
	[tilespmem:$0x3F8] =	vst v63  }
0x3c: {  	s23 =	sadd.s32 s22, s12;
	_ =	swait.ge [sflag:s18], $0x80  }
0x3d: {  	s23 =	sand.u32 $0x1FF80, s23;
	[sflag:s18] =	ssyncset.done $0x0  }
0x3e: {  	s23 =	sadd.s32 s23, s9;
	[sflag:s18] =	ssyncadd.s32 $0xFFFFFF80  }
0x3f: {  	[tilespmem:s2], [sflag:$0x1] =	stream.linear.gather [hbm4b:s23+s2], $0x80, $0x38;
	[tilespmem:$0x3F8] =	vst v63  }
0x40: {  	_ =	swait.ge [sflag:s19], $0x80  }
0x41: {  	[sflag:s19] =	ssyncset.done $0x0  }
.Ltmp0:
0x42: {  	[sflag:s19] =	ssyncadd.s32 $0xFFFFFF80;
	(pc) =	sbr.rel @p5 .LBB2_2-.Ltmp0, $4  }
0x43: {  	[spmem:s1] =	stream.indirect.scatter.add.f32 [tilespmem:s17], [sflag:$0x3], $0x1, s15, s15, $0xb8;
	[tilespmem:$0x3F8] =	vst v63  }
0x44: {  	_ =	swait.ge [sflag:s18], $0x80  }
0x45: {  	[sflag:s18] =	ssyncset.done $0x0  }
0x46: {  	s22 =	sadd.s32 s22, s13;
	[sflag:s18] =	ssyncadd.s32 $0xFFFFFF80  }
0x47: {  	[tilespmem:s15], [sflag:$0x2] =	stream.linear.gather [hbm4b:s22+s2], $0x80, $0x38;
	[tilespmem:$0x3F8] =	vst v63  }
0x48: {  	_ =	swait.ge [sflag:s16], $0x80  }
0x49: {  	[sflag:s16] =	ssyncset.done $0x0  }
0x4a: {  	[sflag:s16] =	ssyncadd.s32 $0xFFFFFF80  }
0x4b: {  	[spmem:s1] =	stream.indirect.scatter.add.f32 [tilespmem:s17], [sflag:$0x3], $0x1, s2, s15, $0xb8;
	[tilespmem:$0x3F8] =	vst v63  }
0x4c: {  	_ =	swait.ge [sflag:s18], $0x80  }
0x4d: {  	[sflag:s18] =	ssyncset.done $0x0  }
0x4e: {  	s21 =	simm.s32 @!p2 $0x0;
	[sflag:s18] =	ssyncadd.s32 $0xFFFFFF80  }
0x4f: {  	[tilespmem:s21], [sflag:$0x1] =	stream.linear.gather @!p2 [hbm4b:s11+s21], $0x80, $0x38;
	[tilespmem:$0x3F8] =	vst v63  }
0x50: {  	_ =	swait.ge [sflag:s19], $0x80  }
0x51: {  	[sflag:s19] =	ssyncset.done $0x0  }
0x52: {  	[sflag:s19] =	ssyncadd.s32 $0xFFFFFF80  }
0x53: {  	[spmem:s1] =	stream.indirect.scatter.add.f32 [tilespmem:s17], [sflag:$0x3], $0x1, s15, s15, $0xb8;
	[tilespmem:$0x3F8] =	vst v63  }
0x54: {  	_ =	swait.ge [sflag:s18], $0x80  }
0x55: {  	[sflag:s18] =	ssyncset.done $0x0  }
0x56: {  	s21 =	simm.s32 @!p3 $0x1;
	[sflag:s18] =	ssyncadd.s32 $0xFFFFFF80  }
0x57: {  	_ =	swait.ge @!p3 [sflag:s21], $0x80  }
0x58: {  	s22 =	simm.s32 @!p3 $0x0;
	[sflag:s21] =	ssyncset.done @!p3 $0x0  }
0x59: {  	s23 =	simm.s32 @!p3 $0x100;
	[sflag:s21] =	ssyncadd.s32 @!p3 $0xFFFFFF80;
	s21 =	simm.s32 @!p3 $0x80  }
0x5a: {  	[spmem:s1] =	stream.indirect.scatter.add.f32 @!p3 [tilespmem:s23], [sflag:$0x3], $0x1, s22, s21, $0xb8;
	[tilespmem:$0x3F8] =	vst v63  }
0x5b: {  	s21 =	simm.s32 @!p3 $0x3  }
0x5c: {  	_ =	swait.ge @!p3 [sflag:s21], $0x80  }
0x5d: {  	[sflag:s21] =	ssyncset.done @!p3 $0x0  }
0x5e: {  	[sflag:s21] =	ssyncadd.s32 @!p3 $0xFFFFFF80;
	s21 =	sshll.u32 @!p4 s3, $0x6  }
0x5f: {  	s22 =	sshrl.u32 @!p4 s1, $0x3;
	[bflag:$0x0] =	sbarrier.arrive $0xFFFF;
	s21 =	sor.u32 @!p4 $0x1C03, s21  }
0x60: {  	[hbm:s5], [sflag:s21] =	dma.local @!p4 [spmem:s22], $0x4F0  }
0x61: {  	s21 =	simm.s32 @!p4 $0x3  }
0x62: {  	s20 =	sadd.s32 $0x1, s20;
	_ =	swait.ge @!p4 [sflag:s21], $0x4F0  }
0x63: {  	p5 =	sne.s32 s20, s10;
	[sflag:s21] =	ssyncset.done @!p4 $0x0  }
0x64: {  	s22 =	simm.s32 @p0 $0x1C03;
	[sflag:s21] =	ssyncadd.s32 @!p4 $0xFFFFFB10;
	s21 =	sshrl.u32 @p0 s1, $0x3  }
0x65: {  	[hbm:s6], [sflag:s22] =	dma.local @p0 [spmem:s21], $0x4F0  }
.Ltmp1:
0x66: {  	_ = 	snop;
	(pc) =	sbr.rel @p5 .LBB2_1-.Ltmp1, $4  }
0x67: {  	s21 =	simm.s32 @p0 $0x3  }
0x68: {  	_ =	swait.ge @p0 [sflag:s21], $0x4F0  }
0x69: {  	[sflag:s21] =	ssyncset.done @p0 $0x0  }
0x6a: {  	[sflag:s21] =	ssyncadd.s32 @p0 $0xFFFFFB10  }
0x6b: {  	_ =	sfence.sel $0x180000  }
0x6c: {  	[bflag:$0x0] =	sbarrier.arrive $0xFFFF  }
0x6d: {  	_ =	strace $0x90000047  }
0x6e: {  	s0 =	sadd.s32 @!p1 $0x100000, s0;
	[bflag:$0x2] =	sbarrier.arrive $0xFFFF  }
0x6f: {  	[sflag:s0] =	ssyncadd.tile.s32 @!p1 $0x1;
	_ =	shalt  }
.Lfunc_end2:
_tile_overlayer_lowered:
.L_overlay_start_2:
0x70: {  	(tag) =	ssettag $0x2  }
0x71: {  	s0 =	rddreg [dreg:$0x0];
	s2 =	stileid.u32  }
0x72: {  	s1 =	rddreg [dreg:$0x1];
	p0 =	sne.s32 s2, $0x0  }
0x73: {  	s3 =	rddreg [dreg:$0x2];
	[bflag:$0x3] =	sbarrier.arrive $0xFFFF;
	s2 =	simm.s32 @!p0 $0x1C03  }
0x74: {  	[timem:s3], [sflag:s2] =	dma.local @!p0 [hbm:s0], s1  }
0x75: {  	s0 =	simm.s32 @!p0 $0x3  }
0x76: {  	_ =	swait.ge @!p0 [sflag:s0], s1  }
0x77: {  	s1 =	ssub.s32 @!p0 $0x0, s1;
	[sflag:s0] =	ssyncset.done @!p0 $0x0  }
0x78: {  	[sflag:s0] =	ssyncadd.s32 @!p0 s1  }
0x79: {  	[bflag:$0x3] =	sbarrier.arrive $0xFFFF  }
0x7a: {  	_ =	shalt  }

</sc_bundles>
